<compile_context>
chip_gen: v7x
topology: tpu7x:2x2x1
jax: 0.10.2.dev20260603
libtpu: 0.0.44.dev20260713+nightly
codegen_flags: <defaults>
</compile_context>

<pallas_src>
import functools

import jax
import jax.numpy as jnp
from jax import lax
from jax.experimental import pallas as pl
from jax.experimental.pallas import tpu as pltpu
from jax.experimental.pallas import tpu_sc as plsc

N = 10000
E = 320000
D = 128
NC = 2
NS = 16
NW = NC * NS
CHUNK = 128
EDGES_PER_TILE = E // NS
FULL_CHUNKS = EDGES_PER_TILE // CHUNK
TAIL = EDGES_PER_TILE - FULL_CHUNKS * CHUNK
EDGES_PER_WORKER = E // NW
DEG_FULL = EDGES_PER_WORKER // CHUNK
DEG_TAIL = EDGES_PER_WORKER - DEG_FULL * CHUNK
IDX_CHUNKS = 13
IDX_BLK = IDX_CHUNKS * CHUNK
DEG_BLKS = DEG_FULL // IDX_CHUNKS
AGG_IDXC = 12
AGG_IDXB = AGG_IDXC * CHUNK
AGG_BLKS = FULL_CHUNKS // AGG_IDXC
ROWS_MAIN = 640
ROWS_LAST = N - (NS - 1) * ROWS_MAIN

_mesh = plsc.VectorSubcoreMesh(core_axis_name="c", subcore_axis_name="s")


def _per_tile_rows(s, fn):
    r0 = pl.multiple_of(s * ROWS_MAIN, 8)

    @pl.when(s < NS - 1)
    def _():
        fn(r0, ROWS_MAIN)

    @pl.when(s == NS - 1)
    def _():
        fn((NS - 1) * ROWS_MAIN, ROWS_LAST)


def _deg_body(dst_hbm, ones_hbm, zeros_hbm, out_hbm,
              didx, didx_t, ones_v, ones_t, acc, isem):
    c = lax.axis_index("c")
    s = lax.axis_index("s")
    wid = c * NS + s

    _per_tile_rows(s, lambda r0, nr: pltpu.sync_copy(
        zeros_hbm.at[pl.ds(r0, nr)], acc.at[pl.ds(r0, nr)]))
    pltpu.sync_copy(ones_hbm, ones_v)
    pltpu.sync_copy(ones_hbm.at[pl.ds(0, DEG_TAIL)], ones_t)
    plsc.subcore_barrier()

    base = wid * EDGES_PER_WORKER

    def idx_copy(b, off):
        e0 = base + b * IDX_BLK
        return pltpu.make_async_copy(dst_hbm.at[pl.ds(e0, IDX_BLK)],
                                     didx.at[pl.ds(off, IDX_BLK)], isem)

    idx_copy(0, 0).start()

    def blk(b, _):
        off_cur = (b % 2) * IDX_BLK
        off_nxt = ((b + 1) % 2) * IDX_BLK
        idx_copy(b, off_cur).wait()

        @pl.when(b + 1 < DEG_BLKS)
        def _():
            idx_copy(b + 1, off_nxt).start()

        for k in range(IDX_CHUNKS):
            o = off_cur + k * CHUNK
            pltpu.sync_copy(ones_v, acc.at[didx.at[pl.ds(o, CHUNK)]],
                            add=True)
        return 0
    lax.fori_loop(0, DEG_BLKS, blk, 0)
    if DEG_TAIL:
        e0 = base + DEG_FULL * CHUNK
        pltpu.sync_copy(dst_hbm.at[pl.ds(e0, DEG_TAIL)], didx_t)
        pltpu.sync_copy(ones_t, acc.at[didx_t], add=True)
    plsc.subcore_barrier()

    _per_tile_rows(s, lambda r0, nr: pltpu.sync_copy(
        acc.at[pl.ds(r0, nr)], out_hbm.at[c].at[pl.ds(r0, nr)]))


_deg_kernel = functools.partial(
    pl.kernel,
    out_type=jax.ShapeDtypeStruct((NC, N, D), jnp.float32),
    mesh=_mesh,
    scratch_types=[
        pltpu.VMEM((2 * IDX_BLK,), jnp.int32),
        pltpu.VMEM((DEG_TAIL,), jnp.int32),
        pltpu.VMEM((CHUNK, D), jnp.float32),
        pltpu.VMEM((DEG_TAIL, D), jnp.float32),
        pltpu.VMEM_SHARED((N, D), jnp.float32),
        pltpu.SemaphoreType.DMA,
    ],
)(_deg_body)


NBUF = 2


def _agg_body(feats_hbm, src_hbm, dst_hbm, zeros_hbm, out_hbm, *scr):
    sidx, didx = scr[0], scr[1]
    rowss = scr[2:2 + NBUF]
    sidx_t, didx_t, rows_t, acc = scr[2 + NBUF:6 + NBUF]
    sems = scr[6 + NBUF:6 + 2 * NBUF]
    isems = scr[6 + 2 * NBUF:]

    c = lax.axis_index("c")
    s = lax.axis_index("s")

    _per_tile_rows(s, lambda r0, nr: pltpu.sync_copy(
        zeros_hbm.at[pl.ds(r0, nr)], acc.at[pl.ds(r0, nr)]))
    plsc.subcore_barrier()

    table = feats_hbm.at[c]
    base = s * EDGES_PER_TILE

    def idx_copies(b, off):
        e0 = base + b * AGG_IDXB
        return (
            pltpu.make_async_copy(src_hbm.at[pl.ds(e0, AGG_IDXB)],
                                  sidx.at[pl.ds(off, AGG_IDXB)], isems[0]),
            pltpu.make_async_copy(dst_hbm.at[pl.ds(e0, AGG_IDXB)],
                                  didx.at[pl.ds(off, AGG_IDXB)], isems[1]),
        )

    def idx_issue(b, off):
        for cp in idx_copies(b, off):
            cp.start()

    def idx_wait(b, off):
        for cp in idx_copies(b, off):
            cp.wait()

    def gat(off_elems, r):
        pltpu.async_copy(table.at[sidx.at[pl.ds(off_elems, CHUNK)]],
                         rowss[r], sems[r])

    idx_issue(0, 0)
    idx_wait(0, 0)
    for r in range(NBUF):
        gat(r * CHUNK, r)

    def blk(b, _):
        off_cur = (b % 2) * AGG_IDXB
        off_nxt = ((b + 1) % 2) * AGG_IDXB

        @pl.when(b + 1 < AGG_BLKS)
        def _():
            idx_issue(b + 1, off_nxt)

        for k in range(AGG_IDXC):
            r = k % NBUF
            o = off_cur + k * CHUNK
            pltpu.make_async_copy(table.at[sidx.at[pl.ds(o, CHUNK)]],
                                  rowss[r], sems[r]).wait()
            pltpu.sync_copy(rowss[r], acc.at[didx.at[pl.ds(o, CHUNK)]],
                            add=True)
            kn = k + NBUF
            if kn < AGG_IDXC:
                gat(off_cur + kn * CHUNK, r)
            else:
                @pl.when(b + 1 < AGG_BLKS)
                def _():
                    if kn == AGG_IDXC:
                        idx_wait(b + 1, off_nxt)
                    gat(off_nxt + (kn - AGG_IDXC) * CHUNK, r)
        return 0
    lax.fori_loop(0, AGG_BLKS, blk, 0)

    if TAIL:
        e0 = base + FULL_CHUNKS * CHUNK
        pltpu.sync_copy(src_hbm.at[pl.ds(e0, TAIL)], sidx_t)
        pltpu.sync_copy(dst_hbm.at[pl.ds(e0, TAIL)], didx_t)
        pltpu.async_copy(table.at[sidx_t], rows_t, sems[0]).wait()
        pltpu.sync_copy(rows_t, acc.at[didx_t], add=True)
    plsc.subcore_barrier()

    _per_tile_rows(s, lambda r0, nr: pltpu.sync_copy(
        acc.at[pl.ds(r0, nr)], out_hbm.at[c].at[pl.ds(r0, nr)]))


_agg_kernel = functools.partial(
    pl.kernel,
    out_type=jax.ShapeDtypeStruct((NC, N, D), jnp.float32),
    mesh=_mesh,
    scratch_types=(
        [pltpu.VMEM((2 * AGG_IDXB,), jnp.int32) for _ in range(2)]
        + [pltpu.VMEM((CHUNK, D), jnp.float32) for _ in range(NBUF)]
        + [
            pltpu.VMEM((TAIL,), jnp.int32),
            pltpu.VMEM((TAIL,), jnp.int32),
            pltpu.VMEM((TAIL, D), jnp.float32),
            pltpu.VMEM_SHARED((N, D), jnp.float32),
        ]
        + [pltpu.SemaphoreType.DMA for _ in range(NBUF + 2)]
    ),
)(_agg_body)


BLK = 1000


def _pre_body(degp_ref, x_ref, hx_ref, dis_ref, xnhn_ref):
    deg = degp_ref[0, :, 0:1] + degp_ref[1, :, 0:1]
    dis = lax.rsqrt(jnp.maximum(deg, 1.0))
    dis_ref[...] = dis
    xnhn_ref[0] = x_ref[...] * dis
    xnhn_ref[1] = hx_ref[...] * dis


def _tc_pre(degp, x, hx):
    return pl.pallas_call(
        _pre_body,
        grid=(N // BLK,),
        in_specs=[
            pl.BlockSpec((NC, BLK, D), lambda i: (0, i, 0)),
            pl.BlockSpec((BLK, D), lambda i: (i, 0)),
            pl.BlockSpec((BLK, D), lambda i: (i, 0)),
        ],
        out_specs=[
            pl.BlockSpec((BLK, 1), lambda i: (i, 0)),
            pl.BlockSpec((NC, BLK, D), lambda i: (0, i, 0)),
        ],
        out_shape=[
            jax.ShapeDtypeStruct((N, 1), jnp.float32),
            jax.ShapeDtypeStruct((NC, N, D), jnp.float32),
        ],
    )(degp, x, hx)


def _post_body(agg_ref, dis_ref, x_ref, hx_ref,
               w0x_ref, w1x_ref, w0h_ref, w1h_ref, bx_ref, bh_ref, out_ref):
    dis = dis_ref[...]
    tx1x = agg_ref[0] * (-dis)
    tx1h = agg_ref[1] * (-dis)
    x = x_ref[...]
    hx = hx_ref[...]
    f32 = jnp.float32
    gx = (jnp.dot(x, w0x_ref[...], preferred_element_type=f32)
          + jnp.dot(tx1x, w1x_ref[...], preferred_element_type=f32)
          + bx_ref[...])
    gh = (jnp.dot(hx, w0h_ref[...], preferred_element_type=f32)
          + jnp.dot(tx1h, w1h_ref[...], preferred_element_type=f32)
          + bh_ref[...])
    r = jax.nn.sigmoid(gx[:, 0:D] + gh[:, 0:D])
    u = jax.nn.sigmoid(gx[:, D:2 * D] + gh[:, D:2 * D])
    cg = jax.nn.sigmoid(gx[:, 2 * D:3 * D] + gh[:, 2 * D:3 * D] * r)
    out_ref[...] = u * hx + (1.0 - u) * cg


def _tc_post(agg, dis, x, hx, w0x, w1x, w0h, w1h, bx, bh):
    wspec = pl.BlockSpec((D, 3 * D), lambda i: (0, 0))
    bspec = pl.BlockSpec((1, 3 * D), lambda i: (0, 0))
    return pl.pallas_call(
        _post_body,
        grid=(N // BLK,),
        in_specs=[
            pl.BlockSpec((NC, BLK, D), lambda i: (0, i, 0)),
            pl.BlockSpec((BLK, 1), lambda i: (i, 0)),
            pl.BlockSpec((BLK, D), lambda i: (i, 0)),
            pl.BlockSpec((BLK, D), lambda i: (i, 0)),
            wspec, wspec, wspec, wspec, bspec, bspec,
        ],
        out_specs=pl.BlockSpec((BLK, D), lambda i: (i, 0)),
        out_shape=jax.ShapeDtypeStruct((N, D), jnp.float32),
    )(agg, dis, x, hx, w0x, w1x, w0h, w1h, bx, bh)


@jax.jit
def kernel(x, hx, edge_index,
           W0_r_x, W1_r_x, b_r_x, W0_r_h, W1_r_h, b_r_h,
           W0_u_x, W1_u_x, b_u_x, W0_u_h, W1_u_h, b_u_h,
           W0_c_x, W1_c_x, b_c_x, W0_c_h, W1_c_h, b_c_h):
    src = edge_index[0]
    dst = edge_index[1]

    w0x = jnp.concatenate([W0_r_x, W0_u_x, W0_c_x], axis=1)
    w1x = jnp.concatenate([W1_r_x, W1_u_x, W1_c_x], axis=1)
    w0h = jnp.concatenate([W0_r_h, W0_u_h, W0_c_h], axis=1)
    w1h = jnp.concatenate([W1_r_h, W1_u_h, W1_c_h], axis=1)
    bx = jnp.concatenate([b_r_x, b_u_x, b_c_x])[None, :]
    bh = jnp.concatenate([b_r_h, b_u_h, b_c_h])[None, :]

    ones_feat = jnp.ones((CHUNK, D), jnp.float32)
    zeros_feat = jnp.zeros((N, D), jnp.float32)

    degp = _deg_kernel(dst, ones_feat, zeros_feat)
    dis, xnhn = _tc_pre(degp, x, hx)
    agg = _agg_kernel(xnhn, src, dst, zeros_feat)
    return _tc_post(agg, dis, x, hx, w0x, w1x, w0h, w1h, bx, bh)

# --- scband reference (transcript-rebuilt; emitter-appended) ---
"""Pipeline reference for scband-grucell-12317966205535 (READ-ONLY COPY).

The authoritative reference and input builder live on the scoring server;
editing this copy changes nothing except your own understanding.
"""

import jax, jax.numpy as jnp
import numpy as np

N = 10000
E = 320000
D_IN = 128
D_H = 128
_NAMES = ["r_x", "r_h", "u_x", "u_h", "c_x", "c_h"]


def setup_inputs(seed: int = 0):
    key = jax.random.key(seed)
    ks = jax.random.split(key, 32)
    std = float(1.0 / np.sqrt(D_H))
    inp = {}
    inp["x"] = jax.random.normal(ks[0], (N, D_IN), dtype=jnp.float32)
    inp["hx"] = jax.random.normal(ks[1], (N, D_H), dtype=jnp.float32)
    inp["edge_index"] = jax.random.randint(ks[2], (2, E), 0, N, dtype=jnp.int32)
    i = 3
    for nm in _NAMES:
        din = D_IN if nm.endswith("_x") else D_H
        inp["W0_" + nm] = jax.random.uniform(ks[i], (din, D_H), dtype=jnp.float32, minval=0.0, maxval=std); i += 1
        inp["W1_" + nm] = jax.random.uniform(ks[i], (din, D_H), dtype=jnp.float32, minval=0.0, maxval=std); i += 1
        inp["b_" + nm] = jax.random.uniform(ks[i], (D_H,), dtype=jnp.float32, minval=0.0, maxval=std); i += 1
    return inp


def _cheb(feat, W0, W1, b, src, dst, d_inv_sqrt):
    # ChebConv, K=2, lambda_max=2 (DGL semantics):
    #   Tx_0 = X
    #   Lhat = 2L/lambda_max - I = -(D^-1/2 A D^-1/2)  when lambda_max=2
    #   Tx_1 = Lhat X
    #   out = Tx_0 @ W0 + Tx_1 @ W1 + b
    xn = feat * d_inv_sqrt
    agg = jnp.zeros_like(feat).at[dst].add(xn[src])
    Tx1 = -(agg * d_inv_sqrt)
    return feat @ W0 + Tx1 @ W1 + b


def reference(x, hx, edge_index,
              W0_r_x, W1_r_x, b_r_x,
              W0_r_h, W1_r_h, b_r_h,
              W0_u_x, W1_u_x, b_u_x,
              W0_u_h, W1_u_h, b_u_h,
              W0_c_x, W1_c_x, b_c_x,
              W0_c_h, W1_c_h, b_c_h):
    w = {
        "W0_r_x": W0_r_x, "W1_r_x": W1_r_x, "b_r_x": b_r_x,
        "W0_r_h": W0_r_h, "W1_r_h": W1_r_h, "b_r_h": b_r_h,
        "W0_u_x": W0_u_x, "W1_u_x": W1_u_x, "b_u_x": b_u_x,
        "W0_u_h": W0_u_h, "W1_u_h": W1_u_h, "b_u_h": b_u_h,
        "W0_c_x": W0_c_x, "W1_c_x": W1_c_x, "b_c_x": b_c_x,
        "W0_c_h": W0_c_h, "W1_c_h": W1_c_h, "b_c_h": b_c_h,
    }
    src = edge_index[0]
    dst = edge_index[1]
    deg = jnp.bincount(dst, length=N).astype(jnp.float32)
    dis = jnp.power(jnp.clip(deg, 1.0), -0.5)[:, None]

    def conv(feat, nm):
        return _cheb(feat, w["W0_" + nm], w["W1_" + nm], w["b_" + nm], src, dst, dis)

    reset_gate = jax.nn.sigmoid(conv(x, "r_x") + conv(hx, "r_h"))
    update_gate = jax.nn.sigmoid(conv(x, "u_x") + conv(hx, "u_h"))
    new_gate = jax.nn.sigmoid(conv(x, "c_x") + conv(hx, "c_h") * reset_gate)
    hy = update_gate * hx + (1.0 - update_gate) * new_gate
    return hy

if __name__ == "__main__":
    import jax
    _d = setup_inputs()
    print(jax.jit(kernel)(*tuple(_d.values())))

</pallas_src>

<mosaic_0001>
#map = affine_map<(d0, d1) -> (0)>
#map1 = affine_map<(d0, d1) -> (0, 0)>
#map2 = affine_map<(d0, d1) -> (0, 0, 0)>
module attributes {stable_mosaic.version = 14 : i64} {
  func.func @_deg_body(%arg0: i32, %arg1: i32, %arg2: memref<320000xi32, #tpu.memory_space<hbm>>, %arg3: memref<128x128xf32, #tpu.memory_space<hbm>>, %arg4: memref<10000x128xf32, #tpu.memory_space<hbm>>, %arg5: memref<2x10000x128xf32, #tpu.memory_space<hbm>>, %arg6: memref<3328xi32, #tpu.memory_space<vmem>>, %arg7: memref<16xi32, #tpu.memory_space<vmem>>, %arg8: memref<128x128xf32, #tpu.memory_space<vmem>>, %arg9: memref<16x128xf32, #tpu.memory_space<vmem>>, %arg10: memref<10000x128xf32, #tpu.memory_space<vmem_shared>>, %arg11: memref<!tpu.dma_semaphore, #tpu.memory_space<semaphore_mem>>) attributes {dimension_semantics = [#tpu.dimension_semantics<core_parallel>, #tpu.dimension_semantics<subcore_parallel>], iteration_bounds = array<i64: 2, 16>, scalar_prefetch = 0 : i64, scratch_operands = 6 : i64, tpu.core_type = #tpu.core_type<sc_vector_subcore>, window_params = [{transform_indices = #map}, {transform_indices = #map1}, {transform_indices = #map1}, {transform_indices = #map2}]} {
    %mul3A = arith.constant 16 : i32
    %mul3A_0 = arith.muli %arg0, %mul3A : i32
    %add3A = arith.addi %mul3A_0, %arg1 : i32
    %mul3A_1 = arith.constant 640 : i32
    %mul3A_2 = arith.muli %arg1, %mul3A_1 : i32
    %multiple_of3A = tpu.assume_multiple %mul3A_2, 8 : i32
    %lt3A = arith.constant 15 : i32
    %lt3A_3 = arith.cmpi slt, %arg1, %lt3A : i32
    %convert_element_type3A = arith.extui %lt3A_3 : i1 to i32
    %cond3A = arith.constant 0 : i32
    %cond3A_4 = arith.cmpi ne, %convert_element_type3A, %cond3A : i32
    scf.if %cond3A_4 {
      "tpu.region"() ({
        %run_scoped3A = tpu.sem_alloc : memref<!tpu.dma_semaphore, #tpu.memory_space<semaphore_mem>>
        %dma_start3A_40 = arith.constant 0 : i32
        %dma_start3A_41 = tpu.memref_slice %arg10[%multiple_of3A, %dma_start3A_40] : memref<10000x128xf32, #tpu.memory_space<vmem_shared>> -> memref<640x128xf32, #tpu.memory_space<vmem_shared>>
        %dma_start3A_42 = arith.constant 0 : i32
        %dma_start3A_43 = tpu.memref_slice %arg4[%multiple_of3A, %dma_start3A_42] : memref<10000x128xf32, #tpu.memory_space<hbm>> -> memref<640x128xf32, #tpu.memory_space<hbm>>
        tpu.enqueue_dma source(%dma_start3A_43 : memref<640x128xf32, #tpu.memory_space<hbm>>) target(%dma_start3A_41 : memref<640x128xf32, #tpu.memory_space<vmem_shared>>) target_semaphore(%run_scoped3A : memref<!tpu.dma_semaphore, #tpu.memory_space<semaphore_mem>>)
        %dma_wait3A = arith.constant 0 : i32
        %dma_wait3A_44 = tpu.memref_slice %arg10[%multiple_of3A, %dma_wait3A] : memref<10000x128xf32, #tpu.memory_space<vmem_shared>> -> memref<640x128xf32, #tpu.memory_space<vmem_shared>>
        %dma_wait3A_45 = arith.constant 0 : i32
        %dma_wait3A_46 = tpu.memref_slice %arg4[%multiple_of3A, %dma_wait3A_45] : memref<10000x128xf32, #tpu.memory_space<hbm>> -> memref<640x128xf32, #tpu.memory_space<hbm>>
        tpu.wait_dma2 semaphore(%run_scoped3A : memref<!tpu.dma_semaphore, #tpu.memory_space<semaphore_mem>>) src(%dma_wait3A_46 : memref<640x128xf32, #tpu.memory_space<hbm>>) dst(%dma_wait3A_44 : memref<640x128xf32, #tpu.memory_space<vmem_shared>>)
        tpu.yield
      }) : () -> ()
    } else {
    }
    %eq3A = arith.constant 15 : i32
    %eq3A_5 = arith.cmpi eq, %arg1, %eq3A : i32
    %convert_element_type3A_6 = arith.extui %eq3A_5 : i1 to i32
    %cond3A_7 = arith.constant 0 : i32
    %cond3A_8 = arith.cmpi ne, %convert_element_type3A_6, %cond3A_7 : i32
    scf.if %cond3A_8 {
      "tpu.region"() ({
        %run_scoped3A = tpu.sem_alloc : memref<!tpu.dma_semaphore, #tpu.memory_space<semaphore_mem>>
        %dma_start3A_40 = arith.constant 9600 : i32
        %dma_start3A_41 = arith.constant 0 : i32
        %dma_start3A_42 = tpu.memref_slice %arg10[%dma_start3A_40, %dma_start3A_41] : memref<10000x128xf32, #tpu.memory_space<vmem_shared>> -> memref<400x128xf32, #tpu.memory_space<vmem_shared>>
        %dma_start3A_43 = arith.constant 9600 : i32
        %dma_start3A_44 = arith.constant 0 : i32
        %dma_start3A_45 = tpu.memref_slice %arg4[%dma_start3A_43, %dma_start3A_44] : memref<10000x128xf32, #tpu.memory_space<hbm>> -> memref<400x128xf32, #tpu.memory_space<hbm>>
        tpu.enqueue_dma source(%dma_start3A_45 : memref<400x128xf32, #tpu.memory_space<hbm>>) target(%dma_start3A_42 : memref<400x128xf32, #tpu.memory_space<vmem_shared>>) target_semaphore(%run_scoped3A : memref<!tpu.dma_semaphore, #tpu.memory_space<semaphore_mem>>)
        %dma_wait3A = arith.constant 9600 : i32
        %dma_wait3A_46 = arith.constant 0 : i32
        %dma_wait3A_47 = tpu.memref_slice %arg10[%dma_wait3A, %dma_wait3A_46] : memref<10000x128xf32, #tpu.memory_space<vmem_shared>> -> memref<400x128xf32, #tpu.memory_space<vmem_shared>>
        %dma_wait3A_48 = arith.constant 9600 : i32
        %dma_wait3A_49 = arith.constant 0 : i32
        %dma_wait3A_50 = tpu.memref_slice %arg4[%dma_wait3A_48, %dma_wait3A_49] : memref<10000x128xf32, #tpu.memory_space<hbm>> -> memref<400x128xf32, #tpu.memory_space<hbm>>
        tpu.wait_dma2 semaphore(%run_scoped3A : memref<!tpu.dma_semaphore, #tpu.memory_space<semaphore_mem>>) src(%dma_wait3A_50 : memref<400x128xf32, #tpu.memory_space<hbm>>) dst(%dma_wait3A_47 : memref<400x128xf32, #tpu.memory_space<vmem_shared>>)
        tpu.yield
      }) : () -> ()
    } else {
    }
    "tpu.region"() ({
      %run_scoped3A = tpu.sem_alloc : memref<!tpu.dma_semaphore, #tpu.memory_space<semaphore_mem>>
      tpu.enqueue_dma source(%arg3 : memref<128x128xf32, #tpu.memory_space<hbm>>) target(%arg8 : memref<128x128xf32, #tpu.memory_space<vmem>>) target_semaphore(%run_scoped3A : memref<!tpu.dma_semaphore, #tpu.memory_space<semaphore_mem>>)
      tpu.wait_dma2 semaphore(%run_scoped3A : memref<!tpu.dma_semaphore, #tpu.memory_space<semaphore_mem>>) src(%arg3 : memref<128x128xf32, #tpu.memory_space<hbm>>) dst(%arg8 : memref<128x128xf32, #tpu.memory_space<vmem>>)
      tpu.yield
    }) : () -> ()
    "tpu.region"() ({
      %run_scoped3A = tpu.sem_alloc : memref<!tpu.dma_semaphore, #tpu.memory_space<semaphore_mem>>
      %dma_start3A_40 = arith.constant 0 : i32
      %dma_start3A_41 = arith.constant 0 : i32
      %dma_start3A_42 = tpu.memref_slice %arg3[%dma_start3A_40, %dma_start3A_41] : memref<128x128xf32, #tpu.memory_space<hbm>> -> memref<16x128xf32, #tpu.memory_space<hbm>>
      %dma_start3A_43 = arith.constant 0 : i32
      %dma_start3A_44 = arith.constant 0 : i32
      %dma_start3A_45 = tpu.memref_slice %arg3[%dma_start3A_43, %dma_start3A_44] : memref<128x128xf32, #tpu.memory_space<hbm>> -> memref<16x128xf32, #tpu.memory_space<hbm>>
      tpu.enqueue_dma source(%dma_start3A_45 : memref<16x128xf32, #tpu.memory_space<hbm>>) target(%arg9 : memref<16x128xf32, #tpu.memory_space<vmem>>) target_semaphore(%run_scoped3A : memref<!tpu.dma_semaphore, #tpu.memory_space<semaphore_mem>>)
      %dma_wait3A = arith.constant 0 : i32
      %dma_wait3A_46 = arith.constant 0 : i32
      %dma_wait3A_47 = tpu.memref_slice %arg3[%dma_wait3A, %dma_wait3A_46] : memref<128x128xf32, #tpu.memory_space<hbm>> -> memref<16x128xf32, #tpu.memory_space<hbm>>
      %dma_wait3A_48 = arith.constant 0 : i32
      %dma_wait3A_49 = arith.constant 0 : i32
      %dma_wait3A_50 = tpu.memref_slice %arg3[%dma_wait3A_48, %dma_wait3A_49] : memref<128x128xf32, #tpu.memory_space<hbm>> -> memref<16x128xf32, #tpu.memory_space<hbm>>
      tpu.wait_dma2 semaphore(%run_scoped3A : memref<!tpu.dma_semaphore, #tpu.memory_space<semaphore_mem>>) src(%dma_wait3A_50 : memref<16x128xf32, #tpu.memory_space<hbm>>) dst(%arg9 : memref<16x128xf32, #tpu.memory_space<vmem>>)
      tpu.yield
    }) : () -> ()
    %barrier3A = arith.constant 0 : index
    tpu.barrier barrier_id(%barrier3A)
    %mul3A_9 = arith.constant 10000 : i32
    %mul3A_10 = arith.muli %add3A, %mul3A_9 : i32
    %add3A_11 = arith.constant 0 : i32
    %add3A_12 = arith.addi %mul3A_10, %add3A_11 : i32
    %dma_start3A = arith.constant 0 : i32
    %dma_start3A_13 = tpu.memref_slice %arg6[%dma_start3A] : memref<3328xi32, #tpu.memory_space<vmem>> -> memref<1664xi32, #tpu.memory_space<vmem>>
    %dma_start3A_14 = tpu.memref_slice %arg2[%add3A_12] : memref<320000xi32, #tpu.memory_space<hbm>> -> memref<1664xi32, #tpu.memory_space<hbm>>
    %dma_start3A_15 = arith.constant 0 : i32
    %dma_start3A_16 = tpu.memref_slice %arg6[%dma_start3A_15] : memref<3328xi32, #tpu.memory_space<vmem>> -> memref<1664xi32, #tpu.memory_space<vmem>>
    %dma_start3A_17 = tpu.memref_slice %arg2[%add3A_12] : memref<320000xi32, #tpu.memory_space<hbm>> -> memref<1664xi32, #tpu.memory_space<hbm>>
    tpu.enqueue_dma source(%dma_start3A_17 : memref<1664xi32, #tpu.memory_space<hbm>>) target(%dma_start3A_16 : memref<1664xi32, #tpu.memory_space<vmem>>) target_semaphore(%arg11 : memref<!tpu.dma_semaphore, #tpu.memory_space<semaphore_mem>>)
    %scan3A = arith.constant 0 : i32
    %scan3A_18 = arith.constant 0 : i32
    %scan3A_19 = arith.constant 6 : i32
    %scan3A_20 = arith.addi %scan3A_18, %scan3A_19 : i32
    %scan3A_21 = arith.constant 1 : i32
    %scan3A_22 = scf.for %scan3A_40 = %scan3A_18 to %scan3A_20 step %scan3A_21 iter_args(%scan3A_41 = %scan3A) -> (i32)  : i32 {
      %jit3A = arith.constant 2 : i32
      %eq3A_42 = arith.constant 0 : i32
      %eq3A_43 = arith.cmpi eq, %jit3A, %eq3A_42 : i32
      %jit3A_44 = arith.constant 1 : i32
      %select_n3A = arith.select %eq3A_43, %jit3A_44, %jit3A : i32
      %rem3A = arith.remsi %scan3A_40, %select_n3A : i32
      %ne3A = arith.constant 0 : i32
      %ne3A_45 = arith.cmpi ne, %rem3A, %ne3A : i32
      %lt3A_46 = arith.constant 0 : i32
      %lt3A_47 = arith.cmpi slt, %rem3A, %lt3A_46 : i32
      %lt3A_48 = arith.constant 0 : i32
      %lt3A_49 = arith.cmpi slt, %select_n3A, %lt3A_48 : i32
      %ne3A_50 = arith.xori %lt3A_47, %lt3A_49 : i1
      %and3A = arith.andi %ne3A_50, %ne3A_45 : i1
      %add3A_51 = arith.addi %rem3A, %select_n3A : i32
      %select_n3A_52 = arith.select %and3A, %add3A_51, %rem3A : i32
      %mul3A_53 = arith.constant 1664 : i32
      %mul3A_54 = arith.muli %select_n3A_52, %mul3A_53 : i32
      %add3A_55 = arith.constant 1 : i32
      %add3A_56 = arith.addi %scan3A_40, %add3A_55 : i32
      %jit3A_57 = arith.constant 2 : i32
      %eq3A_58 = arith.constant 0 : i32
      %eq3A_59 = arith.cmpi eq, %jit3A_57, %eq3A_58 : i32
      %jit3A_60 = arith.constant 1 : i32
      %select_n3A_61 = arith.select %eq3A_59, %jit3A_60, %jit3A_57 : i32
      %rem3A_62 = arith.remsi %add3A_56, %select_n3A_61 : i32
      %ne3A_63 = arith.constant 0 : i32
      %ne3A_64 = arith.cmpi ne, %rem3A_62, %ne3A_63 : i32
      %lt3A_65 = arith.constant 0 : i32
      %lt3A_66 = arith.cmpi slt, %rem3A_62, %lt3A_65 : i32
      %lt3A_67 = arith.constant 0 : i32
      %lt3A_68 = arith.cmpi slt, %select_n3A_61, %lt3A_67 : i32
      %ne3A_69 = arith.xori %lt3A_66, %lt3A_68 : i1
      %and3A_70 = arith.andi %ne3A_69, %ne3A_64 : i1
      %add3A_71 = arith.addi %rem3A_62, %select_n3A_61 : i32
      %select_n3A_72 = arith.select %and3A_70, %add3A_71, %rem3A_62 : i32
      %mul3A_73 = arith.constant 1664 : i32
      %mul3A_74 = arith.muli %select_n3A_72, %mul3A_73 : i32
      %mul3A_75 = arith.constant 1664 : i32
      %mul3A_76 = arith.muli %scan3A_40, %mul3A_75 : i32
      %add3A_77 = arith.addi %mul3A_10, %mul3A_76 : i32
      %dma_wait3A = tpu.memref_slice %arg6[%mul3A_54] : memref<3328xi32, #tpu.memory_space<vmem>> -> memref<1664xi32, #tpu.memory_space<vmem>>
      %dma_wait3A_78 = tpu.memref_slice %arg2[%add3A_77] : memref<320000xi32, #tpu.memory_space<hbm>> -> memref<1664xi32, #tpu.memory_space<hbm>>
      %dma_wait3A_79 = tpu.memref_slice %arg6[%mul3A_54] : memref<3328xi32, #tpu.memory_space<vmem>> -> memref<1664xi32, #tpu.memory_space<vmem>>
      %dma_wait3A_80 = tpu.memref_slice %arg2[%add3A_77] : memref<320000xi32, #tpu.memory_space<hbm>> -> memref<1664xi32, #tpu.memory_space<hbm>>
      tpu.wait_dma2 semaphore(%arg11 : memref<!tpu.dma_semaphore, #tpu.memory_space<semaphore_mem>>) src(%dma_wait3A_80 : memref<1664xi32, #tpu.memory_space<hbm>>) dst(%dma_wait3A_79 : memref<1664xi32, #tpu.memory_space<vmem>>)
      %add3A_81 = arith.constant 1 : i32
      %add3A_82 = arith.addi %scan3A_40, %add3A_81 : i32
      %lt3A_83 = arith.constant 6 : i32
      %lt3A_84 = arith.cmpi slt, %add3A_82, %lt3A_83 : i32
      %convert_element_type3A_85 = arith.extui %lt3A_84 : i1 to i32
      %cond3A_86 = arith.constant 0 : i32
      %cond3A_87 = arith.cmpi ne, %convert_element_type3A_85, %cond3A_86 : i32
      scf.if %cond3A_87 {
        %add3A_115 = arith.constant 1 : i32
        %add3A_116 = arith.addi %scan3A_40, %add3A_115 : i32
        %mul3A_117 = arith.constant 1664 : i32
        %mul3A_118 = arith.muli %add3A_116, %mul3A_117 : i32
        %add3A_119 = arith.addi %mul3A_10, %mul3A_118 : i32
        %dma_start3A_120 = tpu.memref_slice %arg6[%mul3A_74] : memref<3328xi32, #tpu.memory_space<vmem>> -> memref<1664xi32, #tpu.memory_space<vmem>>
        %dma_start3A_121 = tpu.memref_slice %arg2[%add3A_119] : memref<320000xi32, #tpu.memory_space<hbm>> -> memref<1664xi32, #tpu.memory_space<hbm>>
        %dma_start3A_122 = tpu.memref_slice %arg6[%mul3A_74] : memref<3328xi32, #tpu.memory_space<vmem>> -> memref<1664xi32, #tpu.memory_space<vmem>>
        %dma_start3A_123 = tpu.memref_slice %arg2[%add3A_119] : memref<320000xi32, #tpu.memory_space<hbm>> -> memref<1664xi32, #tpu.memory_space<hbm>>
        tpu.enqueue_dma source(%dma_start3A_123 : memref<1664xi32, #tpu.memory_space<hbm>>) target(%dma_start3A_122 : memref<1664xi32, #tpu.memory_space<vmem>>) target_semaphore(%arg11 : memref<!tpu.dma_semaphore, #tpu.memory_space<semaphore_mem>>)
      } else {
      }
      %add3A_88 = arith.constant 0 : i32
      %add3A_89 = arith.addi %mul3A_54, %add3A_88 : i32
      "tpu.region"() ({
        %run_scoped3A = tpu.sem_alloc : memref<!tpu.dma_semaphore, #tpu.memory_space<semaphore_mem>>
        %dma_start3A_115 = tpu.memref_slice %arg6[%add3A_89] : memref<3328xi32, #tpu.memory_space<vmem>> -> memref<128xi32, #tpu.memory_space<vmem>>
        %dma_start3A_116 = arith.constant 0 : i32
        %dma_start3A_117 = arith.constant 0 : i32
        %dma_start3A_118 = tpu.memref_slice %arg10[%dma_start3A_116, %dma_start3A_117] : memref<10000x128xf32, #tpu.memory_space<vmem_shared>> -> memref<10000x128xf32, #tpu.memory_space<vmem_shared>>
        tpu.enqueue_indirect_dma source(%arg8 : memref<128x128xf32, #tpu.memory_space<vmem>>) target(%dma_start3A_118 : memref<10000x128xf32, #tpu.memory_space<vmem_shared>>) offsets(%dma_start3A_115 : memref<128xi32, #tpu.memory_space<vmem>>) semaphore(%run_scoped3A : memref<!tpu.dma_semaphore, #tpu.memory_space<semaphore_mem>>) {add = true}
        %dma_wait3A_119 = tpu.memref_slice %arg6[%add3A_89] : memref<3328xi32, #tpu.memory_space<vmem>> -> memref<128xi32, #tpu.memory_space<vmem>>
        %dma_wait3A_120 = arith.constant 0 : i32
        %dma_wait3A_121 = arith.constant 0 : i32
        %dma_wait3A_122 = tpu.memref_slice %arg10[%dma_wait3A_120, %dma_wait3A_121] : memref<10000x128xf32, #tpu.memory_space<vmem_shared>> -> memref<10000x128xf32, #tpu.memory_space<vmem_shared>>
        tpu.wait_indirect_dma semaphore(%run_scoped3A : memref<!tpu.dma_semaphore, #tpu.memory_space<semaphore_mem>>) src(%arg8 : memref<128x128xf32, #tpu.memory_space<vmem>>) dst(%dma_wait3A_122 : memref<10000x128xf32, #tpu.memory_space<vmem_shared>>)
        tpu.yield
      }) : () -> ()
      %add3A_90 = arith.constant 128 : i32
      %add3A_91 = arith.addi %mul3A_54, %add3A_90 : i32
      "tpu.region"() ({
        %run_scoped3A = tpu.sem_alloc : memref<!tpu.dma_semaphore, #tpu.memory_space<semaphore_mem>>
        %dma_start3A_115 = tpu.memref_slice %arg6[%add3A_91] : memref<3328xi32, #tpu.memory_space<vmem>> -> memref<128xi32, #tpu.memory_space<vmem>>
        %dma_start3A_116 = arith.constant 0 : i32
        %dma_start3A_117 = arith.constant 0 : i32
        %dma_start3A_118 = tpu.memref_slice %arg10[%dma_start3A_116, %dma_start3A_117] : memref<10000x128xf32, #tpu.memory_space<vmem_shared>> -> memref<10000x128xf32, #tpu.memory_space<vmem_shared>>
        tpu.enqueue_indirect_dma source(%arg8 : memref<128x128xf32, #tpu.memory_space<vmem>>) target(%dma_start3A_118 : memref<10000x128xf32, #tpu.memory_space<vmem_shared>>) offsets(%dma_start3A_115 : memref<128xi32, #tpu.memory_space<vmem>>) semaphore(%run_scoped3A : memref<!tpu.dma_semaphore, #tpu.memory_space<semaphore_mem>>) {add = true}
        %dma_wait3A_119 = tpu.memref_slice %arg6[%add3A_91] : memref<3328xi32, #tpu.memory_space<vmem>> -> memref<128xi32, #tpu.memory_space<vmem>>
        %dma_wait3A_120 = arith.constant 0 : i32
        %dma_wait3A_121 = arith.constant 0 : i32
        %dma_wait3A_122 = tpu.memref_slice %arg10[%dma_wait3A_120, %dma_wait3A_121] : memref<10000x128xf32, #tpu.memory_space<vmem_shared>> -> memref<10000x128xf32, #tpu.memory_space<vmem_shared>>
        tpu.wait_indirect_dma semaphore(%run_scoped3A : memref<!tpu.dma_semaphore, #tpu.memory_space<semaphore_mem>>) src(%arg8 : memref<128x128xf32, #tpu.memory_space<vmem>>) dst(%dma_wait3A_122 : memref<10000x128xf32, #tpu.memory_space<vmem_shared>>)
        tpu.yield
      }) : () -> ()
      %add3A_92 = arith.constant 256 : i32
      %add3A_93 = arith.addi %mul3A_54, %add3A_92 : i32
      "tpu.region"() ({
        %run_scoped3A = tpu.sem_alloc : memref<!tpu.dma_semaphore, #tpu.memory_space<semaphore_mem>>
        %dma_start3A_115 = tpu.memref_slice %arg6[%add3A_93] : memref<3328xi32, #tpu.memory_space<vmem>> -> memref<128xi32, #tpu.memory_space<vmem>>
        %dma_start3A_116 = arith.constant 0 : i32
        %dma_start3A_117 = arith.constant 0 : i32
        %dma_start3A_118 = tpu.memref_slice %arg10[%dma_start3A_116, %dma_start3A_117] : memref<10000x128xf32, #tpu.memory_space<vmem_shared>> -> memref<10000x128xf32, #tpu.memory_space<vmem_shared>>
        tpu.enqueue_indirect_dma source(%arg8 : memref<128x128xf32, #tpu.memory_space<vmem>>) target(%dma_start3A_118 : memref<10000x128xf32, #tpu.memory_space<vmem_shared>>) offsets(%dma_start3A_115 : memref<128xi32, #tpu.memory_space<vmem>>) semaphore(%run_scoped3A : memref<!tpu.dma_semaphore, #tpu.memory_space<semaphore_mem>>) {add = true}
        %dma_wait3A_119 = tpu.memref_slice %arg6[%add3A_93] : memref<3328xi32, #tpu.memory_space<vmem>> -> memref<128xi32, #tpu.memory_space<vmem>>
        %dma_wait3A_120 = arith.constant 0 : i32
        %dma_wait3A_121 = arith.constant 0 : i32
        %dma_wait3A_122 = tpu.memref_slice %arg10[%dma_wait3A_120, %dma_wait3A_121] : memref<10000x128xf32, #tpu.memory_space<vmem_shared>> -> memref<10000x128xf32, #tpu.memory_space<vmem_shared>>
        tpu.wait_indirect_dma semaphore(%run_scoped3A : memref<!tpu.dma_semaphore, #tpu.memory_space<semaphore_mem>>) src(%arg8 : memref<128x128xf32, #tpu.memory_space<vmem>>) dst(%dma_wait3A_122 : memref<10000x128xf32, #tpu.memory_space<vmem_shared>>)
        tpu.yield
      }) : () -> ()
      %add3A_94 = arith.constant 384 : i32
      %add3A_95 = arith.addi %mul3A_54, %add3A_94 : i32
      "tpu.region"() ({
        %run_scoped3A = tpu.sem_alloc : memref<!tpu.dma_semaphore, #tpu.memory_space<semaphore_mem>>
        %dma_start3A_115 = tpu.memref_slice %arg6[%add3A_95] : memref<3328xi32, #tpu.memory_space<vmem>> -> memref<128xi32, #tpu.memory_space<vmem>>
        %dma_start3A_116 = arith.constant 0 : i32
        %dma_start3A_117 = arith.constant 0 : i32
        %dma_start3A_118 = tpu.memref_slice %arg10[%dma_start3A_116, %dma_start3A_117] : memref<10000x128xf32, #tpu.memory_space<vmem_shared>> -> memref<10000x128xf32, #tpu.memory_space<vmem_shared>>
        tpu.enqueue_indirect_dma source(%arg8 : memref<128x128xf32, #tpu.memory_space<vmem>>) target(%dma_start3A_118 : memref<10000x128xf32, #tpu.memory_space<vmem_shared>>) offsets(%dma_start3A_115 : memref<128xi32, #tpu.memory_space<vmem>>) semaphore(%run_scoped3A : memref<!tpu.dma_semaphore, #tpu.memory_space<semaphore_mem>>) {add = true}
        %dma_wait3A_119 = tpu.memref_slice %arg6[%add3A_95] : memref<3328xi32, #tpu.memory_space<vmem>> -> memref<128xi32, #tpu.memory_space<vmem>>
        %dma_wait3A_120 = arith.constant 0 : i32
        %dma_wait3A_121 = arith.constant 0 : i32
        %dma_wait3A_122 = tpu.memref_slice %arg10[%dma_wait3A_120, %dma_wait3A_121] : memref<10000x128xf32, #tpu.memory_space<vmem_shared>> -> memref<10000x128xf32, #tpu.memory_space<vmem_shared>>
        tpu.wait_indirect_dma semaphore(%run_scoped3A : memref<!tpu.dma_semaphore, #tpu.memory_space<semaphore_mem>>) src(%arg8 : memref<128x128xf32, #tpu.memory_space<vmem>>) dst(%dma_wait3A_122 : memref<10000x128xf32, #tpu.memory_space<vmem_shared>>)
        tpu.yield
      }) : () -> ()
      %add3A_96 = arith.constant 512 : i32
      %add3A_97 = arith.addi %mul3A_54, %add3A_96 : i32
      "tpu.region"() ({
        %run_scoped3A = tpu.sem_alloc : memref<!tpu.dma_semaphore, #tpu.memory_space<semaphore_mem>>
        %dma_start3A_115 = tpu.memref_slice %arg6[%add3A_97] : memref<3328xi32, #tpu.memory_space<vmem>> -> memref<128xi32, #tpu.memory_space<vmem>>
        %dma_start3A_116 = arith.constant 0 : i32
        %dma_start3A_117 = arith.constant 0 : i32
        %dma_start3A_118 = tpu.memref_slice %arg10[%dma_start3A_116, %dma_start3A_117] : memref<10000x128xf32, #tpu.memory_space<vmem_shared>> -> memref<10000x128xf32, #tpu.memory_space<vmem_shared>>
        tpu.enqueue_indirect_dma source(%arg8 : memref<128x128xf32, #tpu.memory_space<vmem>>) target(%dma_start3A_118 : memref<10000x128xf32, #tpu.memory_space<vmem_shared>>) offsets(%dma_start3A_115 : memref<128xi32, #tpu.memory_space<vmem>>) semaphore(%run_scoped3A : memref<!tpu.dma_semaphore, #tpu.memory_space<semaphore_mem>>) {add = true}
        %dma_wait3A_119 = tpu.memref_slice %arg6[%add3A_97] : memref<3328xi32, #tpu.memory_space<vmem>> -> memref<128xi32, #tpu.memory_space<vmem>>
        %dma_wait3A_120 = arith.constant 0 : i32
        %dma_wait3A_121 = arith.constant 0 : i32
        %dma_wait3A_122 = tpu.memref_slice %arg10[%dma_wait3A_120, %dma_wait3A_121] : memref<10000x128xf32, #tpu.memory_space<vmem_shared>> -> memref<10000x128xf32, #tpu.memory_space<vmem_shared>>
        tpu.wait_indirect_dma semaphore(%run_scoped3A : memref<!tpu.dma_semaphore, #tpu.memory_space<semaphore_mem>>) src(%arg8 : memref<128x128xf32, #tpu.memory_space<vmem>>) dst(%dma_wait3A_122 : memref<10000x128xf32, #tpu.memory_space<vmem_shared>>)
        tpu.yield
      }) : () -> ()
      %add3A_98 = arith.constant 640 : i32
      %add3A_99 = arith.addi %mul3A_54, %add3A_98 : i32
      "tpu.region"() ({
        %run_scoped3A = tpu.sem_alloc : memref<!tpu.dma_semaphore, #tpu.memory_space<semaphore_mem>>
        %dma_start3A_115 = tpu.memref_slice %arg6[%add3A_99] : memref<3328xi32, #tpu.memory_space<vmem>> -> memref<128xi32, #tpu.memory_space<vmem>>
        %dma_start3A_116 = arith.constant 0 : i32
        %dma_start3A_117 = arith.constant 0 : i32
        %dma_start3A_118 = tpu.memref_slice %arg10[%dma_start3A_116, %dma_start3A_117] : memref<10000x128xf32, #tpu.memory_space<vmem_shared>> -> memref<10000x128xf32, #tpu.memory_space<vmem_shared>>
        tpu.enqueue_indirect_dma source(%arg8 : memref<128x128xf32, #tpu.memory_space<vmem>>) target(%dma_start3A_118 : memref<10000x128xf32, #tpu.memory_space<vmem_shared>>) offsets(%dma_start3A_115 : memref<128xi32, #tpu.memory_space<vmem>>) semaphore(%run_scoped3A : memref<!tpu.dma_semaphore, #tpu.memory_space<semaphore_mem>>) {add = true}
        %dma_wait3A_119 = tpu.memref_slice %arg6[%add3A_99] : memref<3328xi32, #tpu.memory_space<vmem>> -> memref<128xi32, #tpu.memory_space<vmem>>
        %dma_wait3A_120 = arith.constant 0 : i32
        %dma_wait3A_121 = arith.constant 0 : i32
        %dma_wait3A_122 = tpu.memref_slice %arg10[%dma_wait3A_120, %dma_wait3A_121] : memref<10000x128xf32, #tpu.memory_space<vmem_shared>> -> memref<10000x128xf32, #tpu.memory_space<vmem_shared>>
        tpu.wait_indirect_dma semaphore(%run_scoped3A : memref<!tpu.dma_semaphore, #tpu.memory_space<semaphore_mem>>) src(%arg8 : memref<128x128xf32, #tpu.memory_space<vmem>>) dst(%dma_wait3A_122 : memref<10000x128xf32, #tpu.memory_space<vmem_shared>>)
        tpu.yield
      }) : () -> ()
      %add3A_100 = arith.constant 768 : i32
      %add3A_101 = arith.addi %mul3A_54, %add3A_100 : i32
      "tpu.region"() ({
        %run_scoped3A = tpu.sem_alloc : memref<!tpu.dma_semaphore, #tpu.memory_space<semaphore_mem>>
        %dma_start3A_115 = tpu.memref_slice %arg6[%add3A_101] : memref<3328xi32, #tpu.memory_space<vmem>> -> memref<128xi32, #tpu.memory_space<vmem>>
        %dma_start3A_116 = arith.constant 0 : i32
        %dma_start3A_117 = arith.constant 0 : i32
        %dma_start3A_118 = tpu.memref_slice %arg10[%dma_start3A_116, %dma_start3A_117] : memref<10000x128xf32, #tpu.memory_space<vmem_shared>> -> memref<10000x128xf32, #tpu.memory_space<vmem_shared>>
        tpu.enqueue_indirect_dma source(%arg8 : memref<128x128xf32, #tpu.memory_space<vmem>>) target(%dma_start3A_118 : memref<10000x128xf32, #tpu.memory_space<vmem_shared>>) offsets(%dma_start3A_115 : memref<128xi32, #tpu.memory_space<vmem>>) semaphore(%run_scoped3A : memref<!tpu.dma_semaphore, #tpu.memory_space<semaphore_mem>>) {add = true}
        %dma_wait3A_119 = tpu.memref_slice %arg6[%add3A_101] : memref<3328xi32, #tpu.memory_space<vmem>> -> memref<128xi32, #tpu.memory_space<vmem>>
        %dma_wait3A_120 = arith.constant 0 : i32
        %dma_wait3A_121 = arith.constant 0 : i32
        %dma_wait3A_122 = tpu.memref_slice %arg10[%dma_wait3A_120, %dma_wait3A_121] : memref<10000x128xf32, #tpu.memory_space<vmem_shared>> -> memref<10000x128xf32, #tpu.memory_space<vmem_shared>>
        tpu.wait_indirect_dma semaphore(%run_scoped3A : memref<!tpu.dma_semaphore, #tpu.memory_space<semaphore_mem>>) src(%arg8 : memref<128x128xf32, #tpu.memory_space<vmem>>) dst(%dma_wait3A_122 : memref<10000x128xf32, #tpu.memory_space<vmem_shared>>)
        tpu.yield
      }) : () -> ()
      %add3A_102 = arith.constant 896 : i32
      %add3A_103 = arith.addi %mul3A_54, %add3A_102 : i32
      "tpu.region"() ({
        %run_scoped3A = tpu.sem_alloc : memref<!tpu.dma_semaphore, #tpu.memory_space<semaphore_mem>>
        %dma_start3A_115 = tpu.memref_slice %arg6[%add3A_103] : memref<3328xi32, #tpu.memory_space<vmem>> -> memref<128xi32, #tpu.memory_space<vmem>>
        %dma_start3A_116 = arith.constant 0 : i32
        %dma_start3A_117 = arith.constant 0 : i32
        %dma_start3A_118 = tpu.memref_slice %arg10[%dma_start3A_116, %dma_start3A_117] : memref<10000x128xf32, #tpu.memory_space<vmem_shared>> -> memref<10000x128xf32, #tpu.memory_space<vmem_shared>>
        tpu.enqueue_indirect_dma source(%arg8 : memref<128x128xf32, #tpu.memory_space<vmem>>) target(%dma_start3A_118 : memref<10000x128xf32, #tpu.memory_space<vmem_shared>>) offsets(%dma_start3A_115 : memref<128xi32, #tpu.memory_space<vmem>>) semaphore(%run_scoped3A : memref<!tpu.dma_semaphore, #tpu.memory_space<semaphore_mem>>) {add = true}
        %dma_wait3A_119 = tpu.memref_slice %arg6[%add3A_103] : memref<3328xi32, #tpu.memory_space<vmem>> -> memref<128xi32, #tpu.memory_space<vmem>>
        %dma_wait3A_120 = arith.constant 0 : i32
        %dma_wait3A_121 = arith.constant 0 : i32
        %dma_wait3A_122 = tpu.memref_slice %arg10[%dma_wait3A_120, %dma_wait3A_121] : memref<10000x128xf32, #tpu.memory_space<vmem_shared>> -> memref<10000x128xf32, #tpu.memory_space<vmem_shared>>
        tpu.wait_indirect_dma semaphore(%run_scoped3A : memref<!tpu.dma_semaphore, #tpu.memory_space<semaphore_mem>>) src(%arg8 : memref<128x128xf32, #tpu.memory_space<vmem>>) dst(%dma_wait3A_122 : memref<10000x128xf32, #tpu.memory_space<vmem_shared>>)
        tpu.yield
      }) : () -> ()
      %add3A_104 = arith.constant 1024 : i32
      %add3A_105 = arith.addi %mul3A_54, %add3A_104 : i32
      "tpu.region"() ({
        %run_scoped3A = tpu.sem_alloc : memref<!tpu.dma_semaphore, #tpu.memory_space<semaphore_mem>>
        %dma_start3A_115 = tpu.memref_slice %arg6[%add3A_105] : memref<3328xi32, #tpu.memory_space<vmem>> -> memref<128xi32, #tpu.memory_space<vmem>>
        %dma_start3A_116 = arith.constant 0 : i32
        %dma_start3A_117 = arith.constant 0 : i32
        %dma_start3A_118 = tpu.memref_slice %arg10[%dma_start3A_116, %dma_start3A_117] : memref<10000x128xf32, #tpu.memory_space<vmem_shared>> -> memref<10000x128xf32, #tpu.memory_space<vmem_shared>>
        tpu.enqueue_indirect_dma source(%arg8 : memref<128x128xf32, #tpu.memory_space<vmem>>) target(%dma_start3A_118 : memref<10000x128xf32, #tpu.memory_space<vmem_shared>>) offsets(%dma_start3A_115 : memref<128xi32, #tpu.memory_space<vmem>>) semaphore(%run_scoped3A : memref<!tpu.dma_semaphore, #tpu.memory_space<semaphore_mem>>) {add = true}
        %dma_wait3A_119 = tpu.memref_slice %arg6[%add3A_105] : memref<3328xi32, #tpu.memory_space<vmem>> -> memref<128xi32, #tpu.memory_space<vmem>>
        %dma_wait3A_120 = arith.constant 0 : i32
        %dma_wait3A_121 = arith.constant 0 : i32
        %dma_wait3A_122 = tpu.memref_slice %arg10[%dma_wait3A_120, %dma_wait3A_121] : memref<10000x128xf32, #tpu.memory_space<vmem_shared>> -> memref<10000x128xf32, #tpu.memory_space<vmem_shared>>
        tpu.wait_indirect_dma semaphore(%run_scoped3A : memref<!tpu.dma_semaphore, #tpu.memory_space<semaphore_mem>>) src(%arg8 : memref<128x128xf32, #tpu.memory_space<vmem>>) dst(%dma_wait3A_122 : memref<10000x128xf32, #tpu.memory_space<vmem_shared>>)
        tpu.yield
      }) : () -> ()
      %add3A_106 = arith.constant 1152 : i32
      %add3A_107 = arith.addi %mul3A_54, %add3A_106 : i32
      "tpu.region"() ({
        %run_scoped3A = tpu.sem_alloc : memref<!tpu.dma_semaphore, #tpu.memory_space<semaphore_mem>>
        %dma_start3A_115 = tpu.memref_slice %arg6[%add3A_107] : memref<3328xi32, #tpu.memory_space<vmem>> -> memref<128xi32, #tpu.memory_space<vmem>>
        %dma_start3A_116 = arith.constant 0 : i32
        %dma_start3A_117 = arith.constant 0 : i32
        %dma_start3A_118 = tpu.memref_slice %arg10[%dma_start3A_116, %dma_start3A_117] : memref<10000x128xf32, #tpu.memory_space<vmem_shared>> -> memref<10000x128xf32, #tpu.memory_space<vmem_shared>>
        tpu.enqueue_indirect_dma source(%arg8 : memref<128x128xf32, #tpu.memory_space<vmem>>) target(%dma_start3A_118 : memref<10000x128xf32, #tpu.memory_space<vmem_shared>>) offsets(%dma_start3A_115 : memref<128xi32, #tpu.memory_space<vmem>>) semaphore(%run_scoped3A : memref<!tpu.dma_semaphore, #tpu.memory_space<semaphore_mem>>) {add = true}
        %dma_wait3A_119 = tpu.memref_slice %arg6[%add3A_107] : memref<3328xi32, #tpu.memory_space<vmem>> -> memref<128xi32, #tpu.memory_space<vmem>>
        %dma_wait3A_120 = arith.constant 0 : i32
        %dma_wait3A_121 = arith.constant 0 : i32
        %dma_wait3A_122 = tpu.memref_slice %arg10[%dma_wait3A_120, %dma_wait3A_121] : memref<10000x128xf32, #tpu.memory_space<vmem_shared>> -> memref<10000x128xf32, #tpu.memory_space<vmem_shared>>
        tpu.wait_indirect_dma semaphore(%run_scoped3A : memref<!tpu.dma_semaphore, #tpu.memory_space<semaphore_mem>>) src(%arg8 : memref<128x128xf32, #tpu.memory_space<vmem>>) dst(%dma_wait3A_122 : memref<10000x128xf32, #tpu.memory_space<vmem_shared>>)
        tpu.yield
      }) : () -> ()
      %add3A_108 = arith.constant 1280 : i32
      %add3A_109 = arith.addi %mul3A_54, %add3A_108 : i32
      "tpu.region"() ({
        %run_scoped3A = tpu.sem_alloc : memref<!tpu.dma_semaphore, #tpu.memory_space<semaphore_mem>>
        %dma_start3A_115 = tpu.memref_slice %arg6[%add3A_109] : memref<3328xi32, #tpu.memory_space<vmem>> -> memref<128xi32, #tpu.memory_space<vmem>>
        %dma_start3A_116 = arith.constant 0 : i32
        %dma_start3A_117 = arith.constant 0 : i32
        %dma_start3A_118 = tpu.memref_slice %arg10[%dma_start3A_116, %dma_start3A_117] : memref<10000x128xf32, #tpu.memory_space<vmem_shared>> -> memref<10000x128xf32, #tpu.memory_space<vmem_shared>>
        tpu.enqueue_indirect_dma source(%arg8 : memref<128x128xf32, #tpu.memory_space<vmem>>) target(%dma_start3A_118 : memref<10000x128xf32, #tpu.memory_space<vmem_shared>>) offsets(%dma_start3A_115 : memref<128xi32, #tpu.memory_space<vmem>>) semaphore(%run_scoped3A : memref<!tpu.dma_semaphore, #tpu.memory_space<semaphore_mem>>) {add = true}
        %dma_wait3A_119 = tpu.memref_slice %arg6[%add3A_109] : memref<3328xi32, #tpu.memory_space<vmem>> -> memref<128xi32, #tpu.memory_space<vmem>>
        %dma_wait3A_120 = arith.constant 0 : i32
        %dma_wait3A_121 = arith.constant 0 : i32
        %dma_wait3A_122 = tpu.memref_slice %arg10[%dma_wait3A_120, %dma_wait3A_121] : memref<10000x128xf32, #tpu.memory_space<vmem_shared>> -> memref<10000x128xf32, #tpu.memory_space<vmem_shared>>
        tpu.wait_indirect_dma semaphore(%run_scoped3A : memref<!tpu.dma_semaphore, #tpu.memory_space<semaphore_mem>>) src(%arg8 : memref<128x128xf32, #tpu.memory_space<vmem>>) dst(%dma_wait3A_122 : memref<10000x128xf32, #tpu.memory_space<vmem_shared>>)
        tpu.yield
      }) : () -> ()
      %add3A_110 = arith.constant 1408 : i32
      %add3A_111 = arith.addi %mul3A_54, %add3A_110 : i32
      "tpu.region"() ({
        %run_scoped3A = tpu.sem_alloc : memref<!tpu.dma_semaphore, #tpu.memory_space<semaphore_mem>>
        %dma_start3A_115 = tpu.memref_slice %arg6[%add3A_111] : memref<3328xi32, #tpu.memory_space<vmem>> -> memref<128xi32, #tpu.memory_space<vmem>>
        %dma_start3A_116 = arith.constant 0 : i32
        %dma_start3A_117 = arith.constant 0 : i32
        %dma_start3A_118 = tpu.memref_slice %arg10[%dma_start3A_116, %dma_start3A_117] : memref<10000x128xf32, #tpu.memory_space<vmem_shared>> -> memref<10000x128xf32, #tpu.memory_space<vmem_shared>>
        tpu.enqueue_indirect_dma source(%arg8 : memref<128x128xf32, #tpu.memory_space<vmem>>) target(%dma_start3A_118 : memref<10000x128xf32, #tpu.memory_space<vmem_shared>>) offsets(%dma_start3A_115 : memref<128xi32, #tpu.memory_space<vmem>>) semaphore(%run_scoped3A : memref<!tpu.dma_semaphore, #tpu.memory_space<semaphore_mem>>) {add = true}
        %dma_wait3A_119 = tpu.memref_slice %arg6[%add3A_111] : memref<3328xi32, #tpu.memory_space<vmem>> -> memref<128xi32, #tpu.memory_space<vmem>>
        %dma_wait3A_120 = arith.constant 0 : i32
        %dma_wait3A_121 = arith.constant 0 : i32
        %dma_wait3A_122 = tpu.memref_slice %arg10[%dma_wait3A_120, %dma_wait3A_121] : memref<10000x128xf32, #tpu.memory_space<vmem_shared>> -> memref<10000x128xf32, #tpu.memory_space<vmem_shared>>
        tpu.wait_indirect_dma semaphore(%run_scoped3A : memref<!tpu.dma_semaphore, #tpu.memory_space<semaphore_mem>>) src(%arg8 : memref<128x128xf32, #tpu.memory_space<vmem>>) dst(%dma_wait3A_122 : memref<10000x128xf32, #tpu.memory_space<vmem_shared>>)
        tpu.yield
      }) : () -> ()
      %add3A_112 = arith.constant 1536 : i32
      %add3A_113 = arith.addi %mul3A_54, %add3A_112 : i32
      "tpu.region"() ({
        %run_scoped3A = tpu.sem_alloc : memref<!tpu.dma_semaphore, #tpu.memory_space<semaphore_mem>>
        %dma_start3A_115 = tpu.memref_slice %arg6[%add3A_113] : memref<3328xi32, #tpu.memory_space<vmem>> -> memref<128xi32, #tpu.memory_space<vmem>>
        %dma_start3A_116 = arith.constant 0 : i32
        %dma_start3A_117 = arith.constant 0 : i32
        %dma_start3A_118 = tpu.memref_slice %arg10[%dma_start3A_116, %dma_start3A_117] : memref<10000x128xf32, #tpu.memory_space<vmem_shared>> -> memref<10000x128xf32, #tpu.memory_space<vmem_shared>>
        tpu.enqueue_indirect_dma source(%arg8 : memref<128x128xf32, #tpu.memory_space<vmem>>) target(%dma_start3A_118 : memref<10000x128xf32, #tpu.memory_space<vmem_shared>>) offsets(%dma_start3A_115 : memref<128xi32, #tpu.memory_space<vmem>>) semaphore(%run_scoped3A : memref<!tpu.dma_semaphore, #tpu.memory_space<semaphore_mem>>) {add = true}
        %dma_wait3A_119 = tpu.memref_slice %arg6[%add3A_113] : memref<3328xi32, #tpu.memory_space<vmem>> -> memref<128xi32, #tpu.memory_space<vmem>>
        %dma_wait3A_120 = arith.constant 0 : i32
        %dma_wait3A_121 = arith.constant 0 : i32
        %dma_wait3A_122 = tpu.memref_slice %arg10[%dma_wait3A_120, %dma_wait3A_121] : memref<10000x128xf32, #tpu.memory_space<vmem_shared>> -> memref<10000x128xf32, #tpu.memory_space<vmem_shared>>
        tpu.wait_indirect_dma semaphore(%run_scoped3A : memref<!tpu.dma_semaphore, #tpu.memory_space<semaphore_mem>>) src(%arg8 : memref<128x128xf32, #tpu.memory_space<vmem>>) dst(%dma_wait3A_122 : memref<10000x128xf32, #tpu.memory_space<vmem_shared>>)
        tpu.yield
      }) : () -> ()
      %scan3A_114 = arith.constant 0 : i32
      scf.yield %scan3A_114 : i32
    }
    %scan3A_23 = arith.constant 6 : i32
    %add3A_24 = arith.constant 9984 : i32
    %add3A_25 = arith.addi %mul3A_10, %add3A_24 : i32
    "tpu.region"() ({
      %run_scoped3A = tpu.sem_alloc : memref<!tpu.dma_semaphore, #tpu.memory_space<semaphore_mem>>
      %dma_start3A_40 = tpu.memref_slice %arg2[%add3A_25] : memref<320000xi32, #tpu.memory_space<hbm>> -> memref<16xi32, #tpu.memory_space<hbm>>
      %dma_start3A_41 = tpu.memref_slice %arg2[%add3A_25] : memref<320000xi32, #tpu.memory_space<hbm>> -> memref<16xi32, #tpu.memory_space<hbm>>
      tpu.enqueue_dma source(%dma_start3A_41 : memref<16xi32, #tpu.memory_space<hbm>>) target(%arg7 : memref<16xi32, #tpu.memory_space<vmem>>) target_semaphore(%run_scoped3A : memref<!tpu.dma_semaphore, #tpu.memory_space<semaphore_mem>>)
      %dma_wait3A = tpu.memref_slice %arg2[%add3A_25] : memref<320000xi32, #tpu.memory_space<hbm>> -> memref<16xi32, #tpu.memory_space<hbm>>
      %dma_wait3A_42 = tpu.memref_slice %arg2[%add3A_25] : memref<320000xi32, #tpu.memory_space<hbm>> -> memref<16xi32, #tpu.memory_space<hbm>>
      tpu.wait_dma2 semaphore(%run_scoped3A : memref<!tpu.dma_semaphore, #tpu.memory_space<semaphore_mem>>) src(%dma_wait3A_42 : memref<16xi32, #tpu.memory_space<hbm>>) dst(%arg7 : memref<16xi32, #tpu.memory_space<vmem>>)
      tpu.yield
    }) : () -> ()
    "tpu.region"() ({
      %run_scoped3A = tpu.sem_alloc : memref<!tpu.dma_semaphore, #tpu.memory_space<semaphore_mem>>
      %dma_start3A_40 = arith.constant 0 : i32
      %dma_start3A_41 = arith.constant 0 : i32
      %dma_start3A_42 = tpu.memref_slice %arg10[%dma_start3A_40, %dma_start3A_41] : memref<10000x128xf32, #tpu.memory_space<vmem_shared>> -> memref<10000x128xf32, #tpu.memory_space<vmem_shared>>
      tpu.enqueue_indirect_dma source(%arg9 : memref<16x128xf32, #tpu.memory_space<vmem>>) target(%dma_start3A_42 : memref<10000x128xf32, #tpu.memory_space<vmem_shared>>) offsets(%arg7 : memref<16xi32, #tpu.memory_space<vmem>>) semaphore(%run_scoped3A : memref<!tpu.dma_semaphore, #tpu.memory_space<semaphore_mem>>) {add = true}
      %dma_wait3A = arith.constant 0 : i32
      %dma_wait3A_43 = arith.constant 0 : i32
      %dma_wait3A_44 = tpu.memref_slice %arg10[%dma_wait3A, %dma_wait3A_43] : memref<10000x128xf32, #tpu.memory_space<vmem_shared>> -> memref<10000x128xf32, #tpu.memory_space<vmem_shared>>
      tpu.wait_indirect_dma semaphore(%run_scoped3A : memref<!tpu.dma_semaphore, #tpu.memory_space<semaphore_mem>>) src(%arg9 : memref<16x128xf32, #tpu.memory_space<vmem>>) dst(%dma_wait3A_44 : memref<10000x128xf32, #tpu.memory_space<vmem_shared>>)
      tpu.yield
    }) : () -> ()
    %barrier3A_26 = arith.constant 0 : index
    tpu.barrier barrier_id(%barrier3A_26)
    %mul3A_27 = arith.constant 640 : i32
    %mul3A_28 = arith.muli %arg1, %mul3A_27 : i32
    %multiple_of3A_29 = tpu.assume_multiple %mul3A_28, 8 : i32
    %lt3A_30 = arith.constant 15 : i32
    %lt3A_31 = arith.cmpi slt, %arg1, %lt3A_30 : i32
    %convert_element_type3A_32 = arith.extui %lt3A_31 : i1 to i32
    %cond3A_33 = arith.constant 0 : i32
    %cond3A_34 = arith.cmpi ne, %convert_element_type3A_32, %cond3A_33 : i32
    scf.if %cond3A_34 {
      "tpu.region"() ({
        %run_scoped3A = tpu.sem_alloc : memref<!tpu.dma_semaphore, #tpu.memory_space<semaphore_mem>>
        %dma_start3A_40 = arith.constant 0 : i32
        %dma_start3A_41 = arith.constant 0 : i32
        %dma_start3A_42 = tpu.memref_slice %arg5[%arg0, %dma_start3A_40, %dma_start3A_41] : memref<2x10000x128xf32, #tpu.memory_space<hbm>> -> memref<1x10000x128xf32, #tpu.memory_space<hbm>>
        %dma_start3A_43 = tpu.memref_squeeze %dma_start3A_42 : memref<1x10000x128xf32, #tpu.memory_space<hbm>> -> memref<10000x128xf32, #tpu.memory_space<hbm>>
        %dma_start3A_44 = arith.constant 0 : i32
        %dma_start3A_45 = tpu.memref_slice %dma_start3A_43[%multiple_of3A_29, %dma_start3A_44] : memref<10000x128xf32, #tpu.memory_space<hbm>> -> memref<640x128xf32, #tpu.memory_space<hbm>>
        %dma_start3A_46 = arith.constant 0 : i32
        %dma_start3A_47 = tpu.memref_slice %arg10[%multiple_of3A_29, %dma_start3A_46] : memref<10000x128xf32, #tpu.memory_space<vmem_shared>> -> memref<640x128xf32, #tpu.memory_space<vmem_shared>>
        tpu.enqueue_dma source(%dma_start3A_47 : memref<640x128xf32, #tpu.memory_space<vmem_shared>>) target(%dma_start3A_45 : memref<640x128xf32, #tpu.memory_space<hbm>>) target_semaphore(%run_scoped3A : memref<!tpu.dma_semaphore, #tpu.memory_space<semaphore_mem>>)
        %dma_wait3A = arith.constant 0 : i32
        %dma_wait3A_48 = arith.constant 0 : i32
        %dma_wait3A_49 = tpu.memref_slice %arg5[%arg0, %dma_wait3A, %dma_wait3A_48] : memref<2x10000x128xf32, #tpu.memory_space<hbm>> -> memref<1x10000x128xf32, #tpu.memory_space<hbm>>
        %dma_wait3A_50 = tpu.memref_squeeze %dma_wait3A_49 : memref<1x10000x128xf32, #tpu.memory_space<hbm>> -> memref<10000x128xf32, #tpu.memory_space<hbm>>
        %dma_wait3A_51 = arith.constant 0 : i32
        %dma_wait3A_52 = tpu.memref_slice %dma_wait3A_50[%multiple_of3A_29, %dma_wait3A_51] : memref<10000x128xf32, #tpu.memory_space<hbm>> -> memref<640x128xf32, #tpu.memory_space<hbm>>
        %dma_wait3A_53 = arith.constant 0 : i32
        %dma_wait3A_54 = tpu.memref_slice %arg10[%multiple_of3A_29, %dma_wait3A_53] : memref<10000x128xf32, #tpu.memory_space<vmem_shared>> -> memref<640x128xf32, #tpu.memory_space<vmem_shared>>
        tpu.wait_dma2 semaphore(%run_scoped3A : memref<!tpu.dma_semaphore, #tpu.memory_space<semaphore_mem>>) src(%dma_wait3A_54 : memref<640x128xf32, #tpu.memory_space<vmem_shared>>) dst(%dma_wait3A_52 : memref<640x128xf32, #tpu.memory_space<hbm>>)
        tpu.yield
      }) : () -> ()
    } else {
    }
    %eq3A_35 = arith.constant 15 : i32
    %eq3A_36 = arith.cmpi eq, %arg1, %eq3A_35 : i32
    %convert_element_type3A_37 = arith.extui %eq3A_36 : i1 to i32
    %cond3A_38 = arith.constant 0 : i32
    %cond3A_39 = arith.cmpi ne, %convert_element_type3A_37, %cond3A_38 : i32
    scf.if %cond3A_39 {
      "tpu.region"() ({
        %run_scoped3A = tpu.sem_alloc : memref<!tpu.dma_semaphore, #tpu.memory_space<semaphore_mem>>
        %dma_start3A_40 = arith.constant 0 : i32
        %dma_start3A_41 = arith.constant 0 : i32
        %dma_start3A_42 = tpu.memref_slice %arg5[%arg0, %dma_start3A_40, %dma_start3A_41] : memref<2x10000x128xf32, #tpu.memory_space<hbm>> -> memref<1x10000x128xf32, #tpu.memory_space<hbm>>
        %dma_start3A_43 = tpu.memref_squeeze %dma_start3A_42 : memref<1x10000x128xf32, #tpu.memory_space<hbm>> -> memref<10000x128xf32, #tpu.memory_space<hbm>>
        %dma_start3A_44 = arith.constant 9600 : i32
        %dma_start3A_45 = arith.constant 0 : i32
        %dma_start3A_46 = tpu.memref_slice %dma_start3A_43[%dma_start3A_44, %dma_start3A_45] : memref<10000x128xf32, #tpu.memory_space<hbm>> -> memref<400x128xf32, #tpu.memory_space<hbm>>
        %dma_start3A_47 = arith.constant 9600 : i32
        %dma_start3A_48 = arith.constant 0 : i32
        %dma_start3A_49 = tpu.memref_slice %arg10[%dma_start3A_47, %dma_start3A_48] : memref<10000x128xf32, #tpu.memory_space<vmem_shared>> -> memref<400x128xf32, #tpu.memory_space<vmem_shared>>
        tpu.enqueue_dma source(%dma_start3A_49 : memref<400x128xf32, #tpu.memory_space<vmem_shared>>) target(%dma_start3A_46 : memref<400x128xf32, #tpu.memory_space<hbm>>) target_semaphore(%run_scoped3A : memref<!tpu.dma_semaphore, #tpu.memory_space<semaphore_mem>>)
        %dma_wait3A = arith.constant 0 : i32
        %dma_wait3A_50 = arith.constant 0 : i32
        %dma_wait3A_51 = tpu.memref_slice %arg5[%arg0, %dma_wait3A, %dma_wait3A_50] : memref<2x10000x128xf32, #tpu.memory_space<hbm>> -> memref<1x10000x128xf32, #tpu.memory_space<hbm>>
        %dma_wait3A_52 = tpu.memref_squeeze %dma_wait3A_51 : memref<1x10000x128xf32, #tpu.memory_space<hbm>> -> memref<10000x128xf32, #tpu.memory_space<hbm>>
        %dma_wait3A_53 = arith.constant 9600 : i32
        %dma_wait3A_54 = arith.constant 0 : i32
        %dma_wait3A_55 = tpu.memref_slice %dma_wait3A_52[%dma_wait3A_53, %dma_wait3A_54] : memref<10000x128xf32, #tpu.memory_space<hbm>> -> memref<400x128xf32, #tpu.memory_space<hbm>>
        %dma_wait3A_56 = arith.constant 9600 : i32
        %dma_wait3A_57 = arith.constant 0 : i32
        %dma_wait3A_58 = tpu.memref_slice %arg10[%dma_wait3A_56, %dma_wait3A_57] : memref<10000x128xf32, #tpu.memory_space<vmem_shared>> -> memref<400x128xf32, #tpu.memory_space<vmem_shared>>
        tpu.wait_dma2 semaphore(%run_scoped3A : memref<!tpu.dma_semaphore, #tpu.memory_space<semaphore_mem>>) src(%dma_wait3A_58 : memref<400x128xf32, #tpu.memory_space<vmem_shared>>) dst(%dma_wait3A_55 : memref<400x128xf32, #tpu.memory_space<hbm>>)
        tpu.yield
      }) : () -> ()
    } else {
    }
    return
  }
}

#map = affine_map<(d0, d1) -> (0, 0, 0)>
#map1 = affine_map<(d0, d1) -> (0)>
#map2 = affine_map<(d0, d1) -> (0, 0)>
module attributes {stable_mosaic.version = 14 : i64} {
  func.func @_agg_body(%arg0: i32, %arg1: i32, %arg2: memref<2x10000x128xf32, #tpu.memory_space<hbm>>, %arg3: memref<320000xi32, #tpu.memory_space<hbm>>, %arg4: memref<320000xi32, #tpu.memory_space<hbm>>, %arg5: memref<10000x128xf32, #tpu.memory_space<hbm>>, %arg6: memref<2x10000x128xf32, #tpu.memory_space<hbm>>, %arg7: memref<3072xi32, #tpu.memory_space<vmem>>, %arg8: memref<3072xi32, #tpu.memory_space<vmem>>, %arg9: memref<128x128xf32, #tpu.memory_space<vmem>>, %arg10: memref<128x128xf32, #tpu.memory_space<vmem>>, %arg11: memref<32xi32, #tpu.memory_space<vmem>>, %arg12: memref<32xi32, #tpu.memory_space<vmem>>, %arg13: memref<32x128xf32, #tpu.memory_space<vmem>>, %arg14: memref<10000x128xf32, #tpu.memory_space<vmem_shared>>, %arg15: memref<!tpu.dma_semaphore, #tpu.memory_space<semaphore_mem>>, %arg16: memref<!tpu.dma_semaphore, #tpu.memory_space<semaphore_mem>>, %arg17: memref<!tpu.dma_semaphore, #tpu.memory_space<semaphore_mem>>, %arg18: memref<!tpu.dma_semaphore, #tpu.memory_space<semaphore_mem>>) attributes {dimension_semantics = [#tpu.dimension_semantics<core_parallel>, #tpu.dimension_semantics<subcore_parallel>], iteration_bounds = array<i64: 2, 16>, scalar_prefetch = 0 : i64, scratch_operands = 12 : i64, tpu.core_type = #tpu.core_type<sc_vector_subcore>, window_params = [{transform_indices = #map}, {transform_indices = #map1}, {transform_indices = #map1}, {transform_indices = #map2}, {transform_indices = #map}]} {
    %mul3A = arith.constant 640 : i32
    %mul3A_0 = arith.muli %arg1, %mul3A : i32
    %multiple_of3A = tpu.assume_multiple %mul3A_0, 8 : i32
    %lt3A = arith.constant 15 : i32
    %lt3A_1 = arith.cmpi slt, %arg1, %lt3A : i32
    %convert_element_type3A = arith.extui %lt3A_1 : i1 to i32
    %cond3A = arith.constant 0 : i32
    %cond3A_2 = arith.cmpi ne, %convert_element_type3A, %cond3A : i32
    scf.if %cond3A_2 {
      "tpu.region"() ({
        %run_scoped3A = tpu.sem_alloc : memref<!tpu.dma_semaphore, #tpu.memory_space<semaphore_mem>>
        %dma_start3A_88 = arith.constant 0 : i32
        %dma_start3A_89 = tpu.memref_slice %arg14[%multiple_of3A, %dma_start3A_88] : memref<10000x128xf32, #tpu.memory_space<vmem_shared>> -> memref<640x128xf32, #tpu.memory_space<vmem_shared>>
        %dma_start3A_90 = arith.constant 0 : i32
        %dma_start3A_91 = tpu.memref_slice %arg5[%multiple_of3A, %dma_start3A_90] : memref<10000x128xf32, #tpu.memory_space<hbm>> -> memref<640x128xf32, #tpu.memory_space<hbm>>
        tpu.enqueue_dma source(%dma_start3A_91 : memref<640x128xf32, #tpu.memory_space<hbm>>) target(%dma_start3A_89 : memref<640x128xf32, #tpu.memory_space<vmem_shared>>) target_semaphore(%run_scoped3A : memref<!tpu.dma_semaphore, #tpu.memory_space<semaphore_mem>>)
        %dma_wait3A_92 = arith.constant 0 : i32
        %dma_wait3A_93 = tpu.memref_slice %arg14[%multiple_of3A, %dma_wait3A_92] : memref<10000x128xf32, #tpu.memory_space<vmem_shared>> -> memref<640x128xf32, #tpu.memory_space<vmem_shared>>
        %dma_wait3A_94 = arith.constant 0 : i32
        %dma_wait3A_95 = tpu.memref_slice %arg5[%multiple_of3A, %dma_wait3A_94] : memref<10000x128xf32, #tpu.memory_space<hbm>> -> memref<640x128xf32, #tpu.memory_space<hbm>>
        tpu.wait_dma2 semaphore(%run_scoped3A : memref<!tpu.dma_semaphore, #tpu.memory_space<semaphore_mem>>) src(%dma_wait3A_95 : memref<640x128xf32, #tpu.memory_space<hbm>>) dst(%dma_wait3A_93 : memref<640x128xf32, #tpu.memory_space<vmem_shared>>)
        tpu.yield
      }) : () -> ()
    } else {
    }
    %eq3A = arith.constant 15 : i32
    %eq3A_3 = arith.cmpi eq, %arg1, %eq3A : i32
    %convert_element_type3A_4 = arith.extui %eq3A_3 : i1 to i32
    %cond3A_5 = arith.constant 0 : i32
    %cond3A_6 = arith.cmpi ne, %convert_element_type3A_4, %cond3A_5 : i32
    scf.if %cond3A_6 {
      "tpu.region"() ({
        %run_scoped3A = tpu.sem_alloc : memref<!tpu.dma_semaphore, #tpu.memory_space<semaphore_mem>>
        %dma_start3A_88 = arith.constant 9600 : i32
        %dma_start3A_89 = arith.constant 0 : i32
        %dma_start3A_90 = tpu.memref_slice %arg14[%dma_start3A_88, %dma_start3A_89] : memref<10000x128xf32, #tpu.memory_space<vmem_shared>> -> memref<400x128xf32, #tpu.memory_space<vmem_shared>>
        %dma_start3A_91 = arith.constant 9600 : i32
        %dma_start3A_92 = arith.constant 0 : i32
        %dma_start3A_93 = tpu.memref_slice %arg5[%dma_start3A_91, %dma_start3A_92] : memref<10000x128xf32, #tpu.memory_space<hbm>> -> memref<400x128xf32, #tpu.memory_space<hbm>>
        tpu.enqueue_dma source(%dma_start3A_93 : memref<400x128xf32, #tpu.memory_space<hbm>>) target(%dma_start3A_90 : memref<400x128xf32, #tpu.memory_space<vmem_shared>>) target_semaphore(%run_scoped3A : memref<!tpu.dma_semaphore, #tpu.memory_space<semaphore_mem>>)
        %dma_wait3A_94 = arith.constant 9600 : i32
        %dma_wait3A_95 = arith.constant 0 : i32
        %dma_wait3A_96 = tpu.memref_slice %arg14[%dma_wait3A_94, %dma_wait3A_95] : memref<10000x128xf32, #tpu.memory_space<vmem_shared>> -> memref<400x128xf32, #tpu.memory_space<vmem_shared>>
        %dma_wait3A_97 = arith.constant 9600 : i32
        %dma_wait3A_98 = arith.constant 0 : i32
        %dma_wait3A_99 = tpu.memref_slice %arg5[%dma_wait3A_97, %dma_wait3A_98] : memref<10000x128xf32, #tpu.memory_space<hbm>> -> memref<400x128xf32, #tpu.memory_space<hbm>>
        tpu.wait_dma2 semaphore(%run_scoped3A : memref<!tpu.dma_semaphore, #tpu.memory_space<semaphore_mem>>) src(%dma_wait3A_99 : memref<400x128xf32, #tpu.memory_space<hbm>>) dst(%dma_wait3A_96 : memref<400x128xf32, #tpu.memory_space<vmem_shared>>)
        tpu.yield
      }) : () -> ()
    } else {
    }
    %barrier3A = arith.constant 0 : index
    tpu.barrier barrier_id(%barrier3A)
    %mul3A_7 = arith.constant 20000 : i32
    %mul3A_8 = arith.muli %arg1, %mul3A_7 : i32
    %add3A = arith.constant 0 : i32
    %add3A_9 = arith.addi %mul3A_8, %add3A : i32
    %dma_start3A = arith.constant 0 : i32
    %dma_start3A_10 = tpu.memref_slice %arg7[%dma_start3A] : memref<3072xi32, #tpu.memory_space<vmem>> -> memref<1536xi32, #tpu.memory_space<vmem>>
    %dma_start3A_11 = tpu.memref_slice %arg3[%add3A_9] : memref<320000xi32, #tpu.memory_space<hbm>> -> memref<1536xi32, #tpu.memory_space<hbm>>
    %dma_start3A_12 = arith.constant 0 : i32
    %dma_start3A_13 = tpu.memref_slice %arg7[%dma_start3A_12] : memref<3072xi32, #tpu.memory_space<vmem>> -> memref<1536xi32, #tpu.memory_space<vmem>>
    %dma_start3A_14 = tpu.memref_slice %arg3[%add3A_9] : memref<320000xi32, #tpu.memory_space<hbm>> -> memref<1536xi32, #tpu.memory_space<hbm>>
    tpu.enqueue_dma source(%dma_start3A_14 : memref<1536xi32, #tpu.memory_space<hbm>>) target(%dma_start3A_13 : memref<1536xi32, #tpu.memory_space<vmem>>) target_semaphore(%arg17 : memref<!tpu.dma_semaphore, #tpu.memory_space<semaphore_mem>>)
    %dma_start3A_15 = arith.constant 0 : i32
    %dma_start3A_16 = tpu.memref_slice %arg8[%dma_start3A_15] : memref<3072xi32, #tpu.memory_space<vmem>> -> memref<1536xi32, #tpu.memory_space<vmem>>
    %dma_start3A_17 = tpu.memref_slice %arg4[%add3A_9] : memref<320000xi32, #tpu.memory_space<hbm>> -> memref<1536xi32, #tpu.memory_space<hbm>>
    %dma_start3A_18 = arith.constant 0 : i32
    %dma_start3A_19 = tpu.memref_slice %arg8[%dma_start3A_18] : memref<3072xi32, #tpu.memory_space<vmem>> -> memref<1536xi32, #tpu.memory_space<vmem>>
    %dma_start3A_20 = tpu.memref_slice %arg4[%add3A_9] : memref<320000xi32, #tpu.memory_space<hbm>> -> memref<1536xi32, #tpu.memory_space<hbm>>
    tpu.enqueue_dma source(%dma_start3A_20 : memref<1536xi32, #tpu.memory_space<hbm>>) target(%dma_start3A_19 : memref<1536xi32, #tpu.memory_space<vmem>>) target_semaphore(%arg18 : memref<!tpu.dma_semaphore, #tpu.memory_space<semaphore_mem>>)
    %add3A_21 = arith.constant 0 : i32
    %add3A_22 = arith.addi %mul3A_8, %add3A_21 : i32
    %dma_wait3A = arith.constant 0 : i32
    %dma_wait3A_23 = tpu.memref_slice %arg7[%dma_wait3A] : memref<3072xi32, #tpu.memory_space<vmem>> -> memref<1536xi32, #tpu.memory_space<vmem>>
    %dma_wait3A_24 = tpu.memref_slice %arg3[%add3A_22] : memref<320000xi32, #tpu.memory_space<hbm>> -> memref<1536xi32, #tpu.memory_space<hbm>>
    %dma_wait3A_25 = arith.constant 0 : i32
    %dma_wait3A_26 = tpu.memref_slice %arg7[%dma_wait3A_25] : memref<3072xi32, #tpu.memory_space<vmem>> -> memref<1536xi32, #tpu.memory_space<vmem>>
    %dma_wait3A_27 = tpu.memref_slice %arg3[%add3A_22] : memref<320000xi32, #tpu.memory_space<hbm>> -> memref<1536xi32, #tpu.memory_space<hbm>>
    tpu.wait_dma2 semaphore(%arg17 : memref<!tpu.dma_semaphore, #tpu.memory_space<semaphore_mem>>) src(%dma_wait3A_27 : memref<1536xi32, #tpu.memory_space<hbm>>) dst(%dma_wait3A_26 : memref<1536xi32, #tpu.memory_space<vmem>>)
    %dma_wait3A_28 = arith.constant 0 : i32
    %dma_wait3A_29 = tpu.memref_slice %arg8[%dma_wait3A_28] : memref<3072xi32, #tpu.memory_space<vmem>> -> memref<1536xi32, #tpu.memory_space<vmem>>
    %dma_wait3A_30 = tpu.memref_slice %arg4[%add3A_22] : memref<320000xi32, #tpu.memory_space<hbm>> -> memref<1536xi32, #tpu.memory_space<hbm>>
    %dma_wait3A_31 = arith.constant 0 : i32
    %dma_wait3A_32 = tpu.memref_slice %arg8[%dma_wait3A_31] : memref<3072xi32, #tpu.memory_space<vmem>> -> memref<1536xi32, #tpu.memory_space<vmem>>
    %dma_wait3A_33 = tpu.memref_slice %arg4[%add3A_22] : memref<320000xi32, #tpu.memory_space<hbm>> -> memref<1536xi32, #tpu.memory_space<hbm>>
    tpu.wait_dma2 semaphore(%arg18 : memref<!tpu.dma_semaphore, #tpu.memory_space<semaphore_mem>>) src(%dma_wait3A_33 : memref<1536xi32, #tpu.memory_space<hbm>>) dst(%dma_wait3A_32 : memref<1536xi32, #tpu.memory_space<vmem>>)
    %dma_start3A_34 = arith.constant 0 : i32
    %dma_start3A_35 = tpu.memref_slice %arg7[%dma_start3A_34] : memref<3072xi32, #tpu.memory_space<vmem>> -> memref<128xi32, #tpu.memory_space<vmem>>
    %dma_start3A_36 = arith.constant 0 : i32
    %dma_start3A_37 = arith.constant 0 : i32
    %dma_start3A_38 = tpu.memref_slice %arg2[%arg0, %dma_start3A_36, %dma_start3A_37] : memref<2x10000x128xf32, #tpu.memory_space<hbm>> -> memref<1x10000x128xf32, #tpu.memory_space<hbm>>
    %dma_start3A_39 = tpu.memref_squeeze %dma_start3A_38 : memref<1x10000x128xf32, #tpu.memory_space<hbm>> -> memref<10000x128xf32, #tpu.memory_space<hbm>>
    %dma_start3A_40 = arith.constant 0 : i32
    %dma_start3A_41 = arith.constant 0 : i32
    %dma_start3A_42 = tpu.memref_slice %dma_start3A_39[%dma_start3A_40, %dma_start3A_41] : memref<10000x128xf32, #tpu.memory_space<hbm>> -> memref<10000x128xf32, #tpu.memory_space<hbm>>
    tpu.enqueue_indirect_dma source(%dma_start3A_42 : memref<10000x128xf32, #tpu.memory_space<hbm>>) target(%arg9 : memref<128x128xf32, #tpu.memory_space<vmem>>) offsets(%dma_start3A_35 : memref<128xi32, #tpu.memory_space<vmem>>) semaphore(%arg15 : memref<!tpu.dma_semaphore, #tpu.memory_space<semaphore_mem>>)
    %dma_start3A_43 = arith.constant 128 : i32
    %dma_start3A_44 = tpu.memref_slice %arg7[%dma_start3A_43] : memref<3072xi32, #tpu.memory_space<vmem>> -> memref<128xi32, #tpu.memory_space<vmem>>
    %dma_start3A_45 = arith.constant 0 : i32
    %dma_start3A_46 = arith.constant 0 : i32
    %dma_start3A_47 = tpu.memref_slice %arg2[%arg0, %dma_start3A_45, %dma_start3A_46] : memref<2x10000x128xf32, #tpu.memory_space<hbm>> -> memref<1x10000x128xf32, #tpu.memory_space<hbm>>
    %dma_start3A_48 = tpu.memref_squeeze %dma_start3A_47 : memref<1x10000x128xf32, #tpu.memory_space<hbm>> -> memref<10000x128xf32, #tpu.memory_space<hbm>>
    %dma_start3A_49 = arith.constant 0 : i32
    %dma_start3A_50 = arith.constant 0 : i32
    %dma_start3A_51 = tpu.memref_slice %dma_start3A_48[%dma_start3A_49, %dma_start3A_50] : memref<10000x128xf32, #tpu.memory_space<hbm>> -> memref<10000x128xf32, #tpu.memory_space<hbm>>
    tpu.enqueue_indirect_dma source(%dma_start3A_51 : memref<10000x128xf32, #tpu.memory_space<hbm>>) target(%arg10 : memref<128x128xf32, #tpu.memory_space<vmem>>) offsets(%dma_start3A_44 : memref<128xi32, #tpu.memory_space<vmem>>) semaphore(%arg16 : memref<!tpu.dma_semaphore, #tpu.memory_space<semaphore_mem>>)
    %scan3A = arith.constant 0 : i32
    %scan3A_52 = arith.constant 0 : i32
    %scan3A_53 = arith.constant 13 : i32
    %scan3A_54 = arith.addi %scan3A_52, %scan3A_53 : i32
    %scan3A_55 = arith.constant 1 : i32
    %scan3A_56 = scf.for %scan3A_88 = %scan3A_52 to %scan3A_54 step %scan3A_55 iter_args(%scan3A_89 = %scan3A) -> (i32)  : i32 {
      %jit3A = arith.constant 2 : i32
      %eq3A_90 = arith.constant 0 : i32
      %eq3A_91 = arith.cmpi eq, %jit3A, %eq3A_90 : i32
      %jit3A_92 = arith.constant 1 : i32
      %select_n3A = arith.select %eq3A_91, %jit3A_92, %jit3A : i32
      %rem3A = arith.remsi %scan3A_88, %select_n3A : i32
      %ne3A = arith.constant 0 : i32
      %ne3A_93 = arith.cmpi ne, %rem3A, %ne3A : i32
      %lt3A_94 = arith.constant 0 : i32
      %lt3A_95 = arith.cmpi slt, %rem3A, %lt3A_94 : i32
      %lt3A_96 = arith.constant 0 : i32
      %lt3A_97 = arith.cmpi slt, %select_n3A, %lt3A_96 : i32
      %ne3A_98 = arith.xori %lt3A_95, %lt3A_97 : i1
      %and3A = arith.andi %ne3A_98, %ne3A_93 : i1
      %add3A_99 = arith.addi %rem3A, %select_n3A : i32
      %select_n3A_100 = arith.select %and3A, %add3A_99, %rem3A : i32
      %mul3A_101 = arith.constant 1536 : i32
      %mul3A_102 = arith.muli %select_n3A_100, %mul3A_101 : i32
      %add3A_103 = arith.constant 1 : i32
      %add3A_104 = arith.addi %scan3A_88, %add3A_103 : i32
      %jit3A_105 = arith.constant 2 : i32
      %eq3A_106 = arith.constant 0 : i32
      %eq3A_107 = arith.cmpi eq, %jit3A_105, %eq3A_106 : i32
      %jit3A_108 = arith.constant 1 : i32
      %select_n3A_109 = arith.select %eq3A_107, %jit3A_108, %jit3A_105 : i32
      %rem3A_110 = arith.remsi %add3A_104, %select_n3A_109 : i32
      %ne3A_111 = arith.constant 0 : i32
      %ne3A_112 = arith.cmpi ne, %rem3A_110, %ne3A_111 : i32
      %lt3A_113 = arith.constant 0 : i32
      %lt3A_114 = arith.cmpi slt, %rem3A_110, %lt3A_113 : i32
      %lt3A_115 = arith.constant 0 : i32
      %lt3A_116 = arith.cmpi slt, %select_n3A_109, %lt3A_115 : i32
      %ne3A_117 = arith.xori %lt3A_114, %lt3A_116 : i1
      %and3A_118 = arith.andi %ne3A_117, %ne3A_112 : i1
      %add3A_119 = arith.addi %rem3A_110, %select_n3A_109 : i32
      %select_n3A_120 = arith.select %and3A_118, %add3A_119, %rem3A_110 : i32
      %mul3A_121 = arith.constant 1536 : i32
      %mul3A_122 = arith.muli %select_n3A_120, %mul3A_121 : i32
      %add3A_123 = arith.constant 1 : i32
      %add3A_124 = arith.addi %scan3A_88, %add3A_123 : i32
      %lt3A_125 = arith.constant 13 : i32
      %lt3A_126 = arith.cmpi slt, %add3A_124, %lt3A_125 : i32
      %convert_element_type3A_127 = arith.extui %lt3A_126 : i1 to i32
      %cond3A_128 = arith.constant 0 : i32
      %cond3A_129 = arith.cmpi ne, %convert_element_type3A_127, %cond3A_128 : i32
      scf.if %cond3A_129 {
        %add3A_365 = arith.constant 1 : i32
        %add3A_366 = arith.addi %scan3A_88, %add3A_365 : i32
        %mul3A_367 = arith.constant 1536 : i32
        %mul3A_368 = arith.muli %add3A_366, %mul3A_367 : i32
        %add3A_369 = arith.addi %mul3A_8, %mul3A_368 : i32
        %dma_start3A_370 = tpu.memref_slice %arg7[%mul3A_122] : memref<3072xi32, #tpu.memory_space<vmem>> -> memref<1536xi32, #tpu.memory_space<vmem>>
        %dma_start3A_371 = tpu.memref_slice %arg3[%add3A_369] : memref<320000xi32, #tpu.memory_space<hbm>> -> memref<1536xi32, #tpu.memory_space<hbm>>
        %dma_start3A_372 = tpu.memref_slice %arg7[%mul3A_122] : memref<3072xi32, #tpu.memory_space<vmem>> -> memref<1536xi32, #tpu.memory_space<vmem>>
        %dma_start3A_373 = tpu.memref_slice %arg3[%add3A_369] : memref<320000xi32, #tpu.memory_space<hbm>> -> memref<1536xi32, #tpu.memory_space<hbm>>
        tpu.enqueue_dma source(%dma_start3A_373 : memref<1536xi32, #tpu.memory_space<hbm>>) target(%dma_start3A_372 : memref<1536xi32, #tpu.memory_space<vmem>>) target_semaphore(%arg17 : memref<!tpu.dma_semaphore, #tpu.memory_space<semaphore_mem>>)
        %dma_start3A_374 = tpu.memref_slice %arg8[%mul3A_122] : memref<3072xi32, #tpu.memory_space<vmem>> -> memref<1536xi32, #tpu.memory_space<vmem>>
        %dma_start3A_375 = tpu.memref_slice %arg4[%add3A_369] : memref<320000xi32, #tpu.memory_space<hbm>> -> memref<1536xi32, #tpu.memory_space<hbm>>
        %dma_start3A_376 = tpu.memref_slice %arg8[%mul3A_122] : memref<3072xi32, #tpu.memory_space<vmem>> -> memref<1536xi32, #tpu.memory_space<vmem>>
        %dma_start3A_377 = tpu.memref_slice %arg4[%add3A_369] : memref<320000xi32, #tpu.memory_space<hbm>> -> memref<1536xi32, #tpu.memory_space<hbm>>
        tpu.enqueue_dma source(%dma_start3A_377 : memref<1536xi32, #tpu.memory_space<hbm>>) target(%dma_start3A_376 : memref<1536xi32, #tpu.memory_space<vmem>>) target_semaphore(%arg18 : memref<!tpu.dma_semaphore, #tpu.memory_space<semaphore_mem>>)
      } else {
      }
      %add3A_130 = arith.constant 0 : i32
      %add3A_131 = arith.addi %mul3A_102, %add3A_130 : i32
      %dma_wait3A_132 = tpu.memref_slice %arg7[%add3A_131] : memref<3072xi32, #tpu.memory_space<vmem>> -> memref<128xi32, #tpu.memory_space<vmem>>
      %dma_wait3A_133 = arith.constant 0 : i32
      %dma_wait3A_134 = arith.constant 0 : i32
      %dma_wait3A_135 = tpu.memref_slice %arg2[%arg0, %dma_wait3A_133, %dma_wait3A_134] : memref<2x10000x128xf32, #tpu.memory_space<hbm>> -> memref<1x10000x128xf32, #tpu.memory_space<hbm>>
      %dma_wait3A_136 = tpu.memref_squeeze %dma_wait3A_135 : memref<1x10000x128xf32, #tpu.memory_space<hbm>> -> memref<10000x128xf32, #tpu.memory_space<hbm>>
      %dma_wait3A_137 = arith.constant 0 : i32
      %dma_wait3A_138 = arith.constant 0 : i32
      %dma_wait3A_139 = tpu.memref_slice %dma_wait3A_136[%dma_wait3A_137, %dma_wait3A_138] : memref<10000x128xf32, #tpu.memory_space<hbm>> -> memref<10000x128xf32, #tpu.memory_space<hbm>>
      tpu.wait_indirect_dma semaphore(%arg15 : memref<!tpu.dma_semaphore, #tpu.memory_space<semaphore_mem>>) src(%dma_wait3A_139 : memref<10000x128xf32, #tpu.memory_space<hbm>>) dst(%arg9 : memref<128x128xf32, #tpu.memory_space<vmem>>)
      "tpu.region"() ({
        %run_scoped3A = tpu.sem_alloc : memref<!tpu.dma_semaphore, #tpu.memory_space<semaphore_mem>>
        %dma_start3A_365 = tpu.memref_slice %arg8[%add3A_131] : memref<3072xi32, #tpu.memory_space<vmem>> -> memref<128xi32, #tpu.memory_space<vmem>>
        %dma_start3A_366 = arith.constant 0 : i32
        %dma_start3A_367 = arith.constant 0 : i32
        %dma_start3A_368 = tpu.memref_slice %arg14[%dma_start3A_366, %dma_start3A_367] : memref<10000x128xf32, #tpu.memory_space<vmem_shared>> -> memref<10000x128xf32, #tpu.memory_space<vmem_shared>>
        tpu.enqueue_indirect_dma source(%arg9 : memref<128x128xf32, #tpu.memory_space<vmem>>) target(%dma_start3A_368 : memref<10000x128xf32, #tpu.memory_space<vmem_shared>>) offsets(%dma_start3A_365 : memref<128xi32, #tpu.memory_space<vmem>>) semaphore(%run_scoped3A : memref<!tpu.dma_semaphore, #tpu.memory_space<semaphore_mem>>) {add = true}
        %dma_wait3A_369 = tpu.memref_slice %arg8[%add3A_131] : memref<3072xi32, #tpu.memory_space<vmem>> -> memref<128xi32, #tpu.memory_space<vmem>>
        %dma_wait3A_370 = arith.constant 0 : i32
        %dma_wait3A_371 = arith.constant 0 : i32
        %dma_wait3A_372 = tpu.memref_slice %arg14[%dma_wait3A_370, %dma_wait3A_371] : memref<10000x128xf32, #tpu.memory_space<vmem_shared>> -> memref<10000x128xf32, #tpu.memory_space<vmem_shared>>
        tpu.wait_indirect_dma semaphore(%run_scoped3A : memref<!tpu.dma_semaphore, #tpu.memory_space<semaphore_mem>>) src(%arg9 : memref<128x128xf32, #tpu.memory_space<vmem>>) dst(%dma_wait3A_372 : memref<10000x128xf32, #tpu.memory_space<vmem_shared>>)
        tpu.yield
      }) : () -> ()
      %add3A_140 = arith.constant 256 : i32
      %add3A_141 = arith.addi %mul3A_102, %add3A_140 : i32
      %dma_start3A_142 = tpu.memref_slice %arg7[%add3A_141] : memref<3072xi32, #tpu.memory_space<vmem>> -> memref<128xi32, #tpu.memory_space<vmem>>
      %dma_start3A_143 = arith.constant 0 : i32
      %dma_start3A_144 = arith.constant 0 : i32
      %dma_start3A_145 = tpu.memref_slice %arg2[%arg0, %dma_start3A_143, %dma_start3A_144] : memref<2x10000x128xf32, #tpu.memory_space<hbm>> -> memref<1x10000x128xf32, #tpu.memory_space<hbm>>
      %dma_start3A_146 = tpu.memref_squeeze %dma_start3A_145 : memref<1x10000x128xf32, #tpu.memory_space<hbm>> -> memref<10000x128xf32, #tpu.memory_space<hbm>>
      %dma_start3A_147 = arith.constant 0 : i32
      %dma_start3A_148 = arith.constant 0 : i32
      %dma_start3A_149 = tpu.memref_slice %dma_start3A_146[%dma_start3A_147, %dma_start3A_148] : memref<10000x128xf32, #tpu.memory_space<hbm>> -> memref<10000x128xf32, #tpu.memory_space<hbm>>
      tpu.enqueue_indirect_dma source(%dma_start3A_149 : memref<10000x128xf32, #tpu.memory_space<hbm>>) target(%arg9 : memref<128x128xf32, #tpu.memory_space<vmem>>) offsets(%dma_start3A_142 : memref<128xi32, #tpu.memory_space<vmem>>) semaphore(%arg15 : memref<!tpu.dma_semaphore, #tpu.memory_space<semaphore_mem>>)
      %add3A_150 = arith.constant 128 : i32
      %add3A_151 = arith.addi %mul3A_102, %add3A_150 : i32
      %dma_wait3A_152 = tpu.memref_slice %arg7[%add3A_151] : memref<3072xi32, #tpu.memory_space<vmem>> -> memref<128xi32, #tpu.memory_space<vmem>>
      %dma_wait3A_153 = arith.constant 0 : i32
      %dma_wait3A_154 = arith.constant 0 : i32
      %dma_wait3A_155 = tpu.memref_slice %arg2[%arg0, %dma_wait3A_153, %dma_wait3A_154] : memref<2x10000x128xf32, #tpu.memory_space<hbm>> -> memref<1x10000x128xf32, #tpu.memory_space<hbm>>
      %dma_wait3A_156 = tpu.memref_squeeze %dma_wait3A_155 : memref<1x10000x128xf32, #tpu.memory_space<hbm>> -> memref<10000x128xf32, #tpu.memory_space<hbm>>
      %dma_wait3A_157 = arith.constant 0 : i32
      %dma_wait3A_158 = arith.constant 0 : i32
      %dma_wait3A_159 = tpu.memref_slice %dma_wait3A_156[%dma_wait3A_157, %dma_wait3A_158] : memref<10000x128xf32, #tpu.memory_space<hbm>> -> memref<10000x128xf32, #tpu.memory_space<hbm>>
      tpu.wait_indirect_dma semaphore(%arg16 : memref<!tpu.dma_semaphore, #tpu.memory_space<semaphore_mem>>) src(%dma_wait3A_159 : memref<10000x128xf32, #tpu.memory_space<hbm>>) dst(%arg10 : memref<128x128xf32, #tpu.memory_space<vmem>>)
      "tpu.region"() ({
        %run_scoped3A = tpu.sem_alloc : memref<!tpu.dma_semaphore, #tpu.memory_space<semaphore_mem>>
        %dma_start3A_365 = tpu.memref_slice %arg8[%add3A_151] : memref<3072xi32, #tpu.memory_space<vmem>> -> memref<128xi32, #tpu.memory_space<vmem>>
        %dma_start3A_366 = arith.constant 0 : i32
        %dma_start3A_367 = arith.constant 0 : i32
        %dma_start3A_368 = tpu.memref_slice %arg14[%dma_start3A_366, %dma_start3A_367] : memref<10000x128xf32, #tpu.memory_space<vmem_shared>> -> memref<10000x128xf32, #tpu.memory_space<vmem_shared>>
        tpu.enqueue_indirect_dma source(%arg10 : memref<128x128xf32, #tpu.memory_space<vmem>>) target(%dma_start3A_368 : memref<10000x128xf32, #tpu.memory_space<vmem_shared>>) offsets(%dma_start3A_365 : memref<128xi32, #tpu.memory_space<vmem>>) semaphore(%run_scoped3A : memref<!tpu.dma_semaphore, #tpu.memory_space<semaphore_mem>>) {add = true}
        %dma_wait3A_369 = tpu.memref_slice %arg8[%add3A_151] : memref<3072xi32, #tpu.memory_space<vmem>> -> memref<128xi32, #tpu.memory_space<vmem>>
        %dma_wait3A_370 = arith.constant 0 : i32
        %dma_wait3A_371 = arith.constant 0 : i32
        %dma_wait3A_372 = tpu.memref_slice %arg14[%dma_wait3A_370, %dma_wait3A_371] : memref<10000x128xf32, #tpu.memory_space<vmem_shared>> -> memref<10000x128xf32, #tpu.memory_space<vmem_shared>>
        tpu.wait_indirect_dma semaphore(%run_scoped3A : memref<!tpu.dma_semaphore, #tpu.memory_space<semaphore_mem>>) src(%arg10 : memref<128x128xf32, #tpu.memory_space<vmem>>) dst(%dma_wait3A_372 : memref<10000x128xf32, #tpu.memory_space<vmem_shared>>)
        tpu.yield
      }) : () -> ()
      %add3A_160 = arith.constant 384 : i32
      %add3A_161 = arith.addi %mul3A_102, %add3A_160 : i32
      %dma_start3A_162 = tpu.memref_slice %arg7[%add3A_161] : memref<3072xi32, #tpu.memory_space<vmem>> -> memref<128xi32, #tpu.memory_space<vmem>>
      %dma_start3A_163 = arith.constant 0 : i32
      %dma_start3A_164 = arith.constant 0 : i32
      %dma_start3A_165 = tpu.memref_slice %arg2[%arg0, %dma_start3A_163, %dma_start3A_164] : memref<2x10000x128xf32, #tpu.memory_space<hbm>> -> memref<1x10000x128xf32, #tpu.memory_space<hbm>>
      %dma_start3A_166 = tpu.memref_squeeze %dma_start3A_165 : memref<1x10000x128xf32, #tpu.memory_space<hbm>> -> memref<10000x128xf32, #tpu.memory_space<hbm>>
      %dma_start3A_167 = arith.constant 0 : i32
      %dma_start3A_168 = arith.constant 0 : i32
      %dma_start3A_169 = tpu.memref_slice %dma_start3A_166[%dma_start3A_167, %dma_start3A_168] : memref<10000x128xf32, #tpu.memory_space<hbm>> -> memref<10000x128xf32, #tpu.memory_space<hbm>>
      tpu.enqueue_indirect_dma source(%dma_start3A_169 : memref<10000x128xf32, #tpu.memory_space<hbm>>) target(%arg10 : memref<128x128xf32, #tpu.memory_space<vmem>>) offsets(%dma_start3A_162 : memref<128xi32, #tpu.memory_space<vmem>>) semaphore(%arg16 : memref<!tpu.dma_semaphore, #tpu.memory_space<semaphore_mem>>)
      %add3A_170 = arith.constant 256 : i32
      %add3A_171 = arith.addi %mul3A_102, %add3A_170 : i32
      %dma_wait3A_172 = tpu.memref_slice %arg7[%add3A_171] : memref<3072xi32, #tpu.memory_space<vmem>> -> memref<128xi32, #tpu.memory_space<vmem>>
      %dma_wait3A_173 = arith.constant 0 : i32
      %dma_wait3A_174 = arith.constant 0 : i32
      %dma_wait3A_175 = tpu.memref_slice %arg2[%arg0, %dma_wait3A_173, %dma_wait3A_174] : memref<2x10000x128xf32, #tpu.memory_space<hbm>> -> memref<1x10000x128xf32, #tpu.memory_space<hbm>>
      %dma_wait3A_176 = tpu.memref_squeeze %dma_wait3A_175 : memref<1x10000x128xf32, #tpu.memory_space<hbm>> -> memref<10000x128xf32, #tpu.memory_space<hbm>>
      %dma_wait3A_177 = arith.constant 0 : i32
      %dma_wait3A_178 = arith.constant 0 : i32
      %dma_wait3A_179 = tpu.memref_slice %dma_wait3A_176[%dma_wait3A_177, %dma_wait3A_178] : memref<10000x128xf32, #tpu.memory_space<hbm>> -> memref<10000x128xf32, #tpu.memory_space<hbm>>
      tpu.wait_indirect_dma semaphore(%arg15 : memref<!tpu.dma_semaphore, #tpu.memory_space<semaphore_mem>>) src(%dma_wait3A_179 : memref<10000x128xf32, #tpu.memory_space<hbm>>) dst(%arg9 : memref<128x128xf32, #tpu.memory_space<vmem>>)
      "tpu.region"() ({
        %run_scoped3A = tpu.sem_alloc : memref<!tpu.dma_semaphore, #tpu.memory_space<semaphore_mem>>
        %dma_start3A_365 = tpu.memref_slice %arg8[%add3A_171] : memref<3072xi32, #tpu.memory_space<vmem>> -> memref<128xi32, #tpu.memory_space<vmem>>
        %dma_start3A_366 = arith.constant 0 : i32
        %dma_start3A_367 = arith.constant 0 : i32
        %dma_start3A_368 = tpu.memref_slice %arg14[%dma_start3A_366, %dma_start3A_367] : memref<10000x128xf32, #tpu.memory_space<vmem_shared>> -> memref<10000x128xf32, #tpu.memory_space<vmem_shared>>
        tpu.enqueue_indirect_dma source(%arg9 : memref<128x128xf32, #tpu.memory_space<vmem>>) target(%dma_start3A_368 : memref<10000x128xf32, #tpu.memory_space<vmem_shared>>) offsets(%dma_start3A_365 : memref<128xi32, #tpu.memory_space<vmem>>) semaphore(%run_scoped3A : memref<!tpu.dma_semaphore, #tpu.memory_space<semaphore_mem>>) {add = true}
        %dma_wait3A_369 = tpu.memref_slice %arg8[%add3A_171] : memref<3072xi32, #tpu.memory_space<vmem>> -> memref<128xi32, #tpu.memory_space<vmem>>
        %dma_wait3A_370 = arith.constant 0 : i32
        %dma_wait3A_371 = arith.constant 0 : i32
        %dma_wait3A_372 = tpu.memref_slice %arg14[%dma_wait3A_370, %dma_wait3A_371] : memref<10000x128xf32, #tpu.memory_space<vmem_shared>> -> memref<10000x128xf32, #tpu.memory_space<vmem_shared>>
        tpu.wait_indirect_dma semaphore(%run_scoped3A : memref<!tpu.dma_semaphore, #tpu.memory_space<semaphore_mem>>) src(%arg9 : memref<128x128xf32, #tpu.memory_space<vmem>>) dst(%dma_wait3A_372 : memref<10000x128xf32, #tpu.memory_space<vmem_shared>>)
        tpu.yield
      }) : () -> ()
      %add3A_180 = arith.constant 512 : i32
      %add3A_181 = arith.addi %mul3A_102, %add3A_180 : i32
      %dma_start3A_182 = tpu.memref_slice %arg7[%add3A_181] : memref<3072xi32, #tpu.memory_space<vmem>> -> memref<128xi32, #tpu.memory_space<vmem>>
      %dma_start3A_183 = arith.constant 0 : i32
      %dma_start3A_184 = arith.constant 0 : i32
      %dma_start3A_185 = tpu.memref_slice %arg2[%arg0, %dma_start3A_183, %dma_start3A_184] : memref<2x10000x128xf32, #tpu.memory_space<hbm>> -> memref<1x10000x128xf32, #tpu.memory_space<hbm>>
      %dma_start3A_186 = tpu.memref_squeeze %dma_start3A_185 : memref<1x10000x128xf32, #tpu.memory_space<hbm>> -> memref<10000x128xf32, #tpu.memory_space<hbm>>
      %dma_start3A_187 = arith.constant 0 : i32
      %dma_start3A_188 = arith.constant 0 : i32
      %dma_start3A_189 = tpu.memref_slice %dma_start3A_186[%dma_start3A_187, %dma_start3A_188] : memref<10000x128xf32, #tpu.memory_space<hbm>> -> memref<10000x128xf32, #tpu.memory_space<hbm>>
      tpu.enqueue_indirect_dma source(%dma_start3A_189 : memref<10000x128xf32, #tpu.memory_space<hbm>>) target(%arg9 : memref<128x128xf32, #tpu.memory_space<vmem>>) offsets(%dma_start3A_182 : memref<128xi32, #tpu.memory_space<vmem>>) semaphore(%arg15 : memref<!tpu.dma_semaphore, #tpu.memory_space<semaphore_mem>>)
      %add3A_190 = arith.constant 384 : i32
      %add3A_191 = arith.addi %mul3A_102, %add3A_190 : i32
      %dma_wait3A_192 = tpu.memref_slice %arg7[%add3A_191] : memref<3072xi32, #tpu.memory_space<vmem>> -> memref<128xi32, #tpu.memory_space<vmem>>
      %dma_wait3A_193 = arith.constant 0 : i32
      %dma_wait3A_194 = arith.constant 0 : i32
      %dma_wait3A_195 = tpu.memref_slice %arg2[%arg0, %dma_wait3A_193, %dma_wait3A_194] : memref<2x10000x128xf32, #tpu.memory_space<hbm>> -> memref<1x10000x128xf32, #tpu.memory_space<hbm>>
      %dma_wait3A_196 = tpu.memref_squeeze %dma_wait3A_195 : memref<1x10000x128xf32, #tpu.memory_space<hbm>> -> memref<10000x128xf32, #tpu.memory_space<hbm>>
      %dma_wait3A_197 = arith.constant 0 : i32
      %dma_wait3A_198 = arith.constant 0 : i32
      %dma_wait3A_199 = tpu.memref_slice %dma_wait3A_196[%dma_wait3A_197, %dma_wait3A_198] : memref<10000x128xf32, #tpu.memory_space<hbm>> -> memref<10000x128xf32, #tpu.memory_space<hbm>>
      tpu.wait_indirect_dma semaphore(%arg16 : memref<!tpu.dma_semaphore, #tpu.memory_space<semaphore_mem>>) src(%dma_wait3A_199 : memref<10000x128xf32, #tpu.memory_space<hbm>>) dst(%arg10 : memref<128x128xf32, #tpu.memory_space<vmem>>)
      "tpu.region"() ({
        %run_scoped3A = tpu.sem_alloc : memref<!tpu.dma_semaphore, #tpu.memory_space<semaphore_mem>>
        %dma_start3A_365 = tpu.memref_slice %arg8[%add3A_191] : memref<3072xi32, #tpu.memory_space<vmem>> -> memref<128xi32, #tpu.memory_space<vmem>>
        %dma_start3A_366 = arith.constant 0 : i32
        %dma_start3A_367 = arith.constant 0 : i32
        %dma_start3A_368 = tpu.memref_slice %arg14[%dma_start3A_366, %dma_start3A_367] : memref<10000x128xf32, #tpu.memory_space<vmem_shared>> -> memref<10000x128xf32, #tpu.memory_space<vmem_shared>>
        tpu.enqueue_indirect_dma source(%arg10 : memref<128x128xf32, #tpu.memory_space<vmem>>) target(%dma_start3A_368 : memref<10000x128xf32, #tpu.memory_space<vmem_shared>>) offsets(%dma_start3A_365 : memref<128xi32, #tpu.memory_space<vmem>>) semaphore(%run_scoped3A : memref<!tpu.dma_semaphore, #tpu.memory_space<semaphore_mem>>) {add = true}
        %dma_wait3A_369 = tpu.memref_slice %arg8[%add3A_191] : memref<3072xi32, #tpu.memory_space<vmem>> -> memref<128xi32, #tpu.memory_space<vmem>>
        %dma_wait3A_370 = arith.constant 0 : i32
        %dma_wait3A_371 = arith.constant 0 : i32
        %dma_wait3A_372 = tpu.memref_slice %arg14[%dma_wait3A_370, %dma_wait3A_371] : memref<10000x128xf32, #tpu.memory_space<vmem_shared>> -> memref<10000x128xf32, #tpu.memory_space<vmem_shared>>
        tpu.wait_indirect_dma semaphore(%run_scoped3A : memref<!tpu.dma_semaphore, #tpu.memory_space<semaphore_mem>>) src(%arg10 : memref<128x128xf32, #tpu.memory_space<vmem>>) dst(%dma_wait3A_372 : memref<10000x128xf32, #tpu.memory_space<vmem_shared>>)
        tpu.yield
      }) : () -> ()
      %add3A_200 = arith.constant 640 : i32
      %add3A_201 = arith.addi %mul3A_102, %add3A_200 : i32
      %dma_start3A_202 = tpu.memref_slice %arg7[%add3A_201] : memref<3072xi32, #tpu.memory_space<vmem>> -> memref<128xi32, #tpu.memory_space<vmem>>
      %dma_start3A_203 = arith.constant 0 : i32
      %dma_start3A_204 = arith.constant 0 : i32
      %dma_start3A_205 = tpu.memref_slice %arg2[%arg0, %dma_start3A_203, %dma_start3A_204] : memref<2x10000x128xf32, #tpu.memory_space<hbm>> -> memref<1x10000x128xf32, #tpu.memory_space<hbm>>
      %dma_start3A_206 = tpu.memref_squeeze %dma_start3A_205 : memref<1x10000x128xf32, #tpu.memory_space<hbm>> -> memref<10000x128xf32, #tpu.memory_space<hbm>>
      %dma_start3A_207 = arith.constant 0 : i32
      %dma_start3A_208 = arith.constant 0 : i32
      %dma_start3A_209 = tpu.memref_slice %dma_start3A_206[%dma_start3A_207, %dma_start3A_208] : memref<10000x128xf32, #tpu.memory_space<hbm>> -> memref<10000x128xf32, #tpu.memory_space<hbm>>
      tpu.enqueue_indirect_dma source(%dma_start3A_209 : memref<10000x128xf32, #tpu.memory_space<hbm>>) target(%arg10 : memref<128x128xf32, #tpu.memory_space<vmem>>) offsets(%dma_start3A_202 : memref<128xi32, #tpu.memory_space<vmem>>) semaphore(%arg16 : memref<!tpu.dma_semaphore, #tpu.memory_space<semaphore_mem>>)
      %add3A_210 = arith.constant 512 : i32
      %add3A_211 = arith.addi %mul3A_102, %add3A_210 : i32
      %dma_wait3A_212 = tpu.memref_slice %arg7[%add3A_211] : memref<3072xi32, #tpu.memory_space<vmem>> -> memref<128xi32, #tpu.memory_space<vmem>>
      %dma_wait3A_213 = arith.constant 0 : i32
      %dma_wait3A_214 = arith.constant 0 : i32
      %dma_wait3A_215 = tpu.memref_slice %arg2[%arg0, %dma_wait3A_213, %dma_wait3A_214] : memref<2x10000x128xf32, #tpu.memory_space<hbm>> -> memref<1x10000x128xf32, #tpu.memory_space<hbm>>
      %dma_wait3A_216 = tpu.memref_squeeze %dma_wait3A_215 : memref<1x10000x128xf32, #tpu.memory_space<hbm>> -> memref<10000x128xf32, #tpu.memory_space<hbm>>
      %dma_wait3A_217 = arith.constant 0 : i32
      %dma_wait3A_218 = arith.constant 0 : i32
      %dma_wait3A_219 = tpu.memref_slice %dma_wait3A_216[%dma_wait3A_217, %dma_wait3A_218] : memref<10000x128xf32, #tpu.memory_space<hbm>> -> memref<10000x128xf32, #tpu.memory_space<hbm>>
      tpu.wait_indirect_dma semaphore(%arg15 : memref<!tpu.dma_semaphore, #tpu.memory_space<semaphore_mem>>) src(%dma_wait3A_219 : memref<10000x128xf32, #tpu.memory_space<hbm>>) dst(%arg9 : memref<128x128xf32, #tpu.memory_space<vmem>>)
      "tpu.region"() ({
        %run_scoped3A = tpu.sem_alloc : memref<!tpu.dma_semaphore, #tpu.memory_space<semaphore_mem>>
        %dma_start3A_365 = tpu.memref_slice %arg8[%add3A_211] : memref<3072xi32, #tpu.memory_space<vmem>> -> memref<128xi32, #tpu.memory_space<vmem>>
        %dma_start3A_366 = arith.constant 0 : i32
        %dma_start3A_367 = arith.constant 0 : i32
        %dma_start3A_368 = tpu.memref_slice %arg14[%dma_start3A_366, %dma_start3A_367] : memref<10000x128xf32, #tpu.memory_space<vmem_shared>> -> memref<10000x128xf32, #tpu.memory_space<vmem_shared>>
        tpu.enqueue_indirect_dma source(%arg9 : memref<128x128xf32, #tpu.memory_space<vmem>>) target(%dma_start3A_368 : memref<10000x128xf32, #tpu.memory_space<vmem_shared>>) offsets(%dma_start3A_365 : memref<128xi32, #tpu.memory_space<vmem>>) semaphore(%run_scoped3A : memref<!tpu.dma_semaphore, #tpu.memory_space<semaphore_mem>>) {add = true}
        %dma_wait3A_369 = tpu.memref_slice %arg8[%add3A_211] : memref<3072xi32, #tpu.memory_space<vmem>> -> memref<128xi32, #tpu.memory_space<vmem>>
        %dma_wait3A_370 = arith.constant 0 : i32
        %dma_wait3A_371 = arith.constant 0 : i32
        %dma_wait3A_372 = tpu.memref_slice %arg14[%dma_wait3A_370, %dma_wait3A_371] : memref<10000x128xf32, #tpu.memory_space<vmem_shared>> -> memref<10000x128xf32, #tpu.memory_space<vmem_shared>>
        tpu.wait_indirect_dma semaphore(%run_scoped3A : memref<!tpu.dma_semaphore, #tpu.memory_space<semaphore_mem>>) src(%arg9 : memref<128x128xf32, #tpu.memory_space<vmem>>) dst(%dma_wait3A_372 : memref<10000x128xf32, #tpu.memory_space<vmem_shared>>)
        tpu.yield
      }) : () -> ()
      %add3A_220 = arith.constant 768 : i32
      %add3A_221 = arith.addi %mul3A_102, %add3A_220 : i32
      %dma_start3A_222 = tpu.memref_slice %arg7[%add3A_221] : memref<3072xi32, #tpu.memory_space<vmem>> -> memref<128xi32, #tpu.memory_space<vmem>>
      %dma_start3A_223 = arith.constant 0 : i32
      %dma_start3A_224 = arith.constant 0 : i32
      %dma_start3A_225 = tpu.memref_slice %arg2[%arg0, %dma_start3A_223, %dma_start3A_224] : memref<2x10000x128xf32, #tpu.memory_space<hbm>> -> memref<1x10000x128xf32, #tpu.memory_space<hbm>>
      %dma_start3A_226 = tpu.memref_squeeze %dma_start3A_225 : memref<1x10000x128xf32, #tpu.memory_space<hbm>> -> memref<10000x128xf32, #tpu.memory_space<hbm>>
      %dma_start3A_227 = arith.constant 0 : i32
      %dma_start3A_228 = arith.constant 0 : i32
      %dma_start3A_229 = tpu.memref_slice %dma_start3A_226[%dma_start3A_227, %dma_start3A_228] : memref<10000x128xf32, #tpu.memory_space<hbm>> -> memref<10000x128xf32, #tpu.memory_space<hbm>>
      tpu.enqueue_indirect_dma source(%dma_start3A_229 : memref<10000x128xf32, #tpu.memory_space<hbm>>) target(%arg9 : memref<128x128xf32, #tpu.memory_space<vmem>>) offsets(%dma_start3A_222 : memref<128xi32, #tpu.memory_space<vmem>>) semaphore(%arg15 : memref<!tpu.dma_semaphore, #tpu.memory_space<semaphore_mem>>)
      %add3A_230 = arith.constant 640 : i32
      %add3A_231 = arith.addi %mul3A_102, %add3A_230 : i32
      %dma_wait3A_232 = tpu.memref_slice %arg7[%add3A_231] : memref<3072xi32, #tpu.memory_space<vmem>> -> memref<128xi32, #tpu.memory_space<vmem>>
      %dma_wait3A_233 = arith.constant 0 : i32
      %dma_wait3A_234 = arith.constant 0 : i32
      %dma_wait3A_235 = tpu.memref_slice %arg2[%arg0, %dma_wait3A_233, %dma_wait3A_234] : memref<2x10000x128xf32, #tpu.memory_space<hbm>> -> memref<1x10000x128xf32, #tpu.memory_space<hbm>>
      %dma_wait3A_236 = tpu.memref_squeeze %dma_wait3A_235 : memref<1x10000x128xf32, #tpu.memory_space<hbm>> -> memref<10000x128xf32, #tpu.memory_space<hbm>>
      %dma_wait3A_237 = arith.constant 0 : i32
      %dma_wait3A_238 = arith.constant 0 : i32
      %dma_wait3A_239 = tpu.memref_slice %dma_wait3A_236[%dma_wait3A_237, %dma_wait3A_238] : memref<10000x128xf32, #tpu.memory_space<hbm>> -> memref<10000x128xf32, #tpu.memory_space<hbm>>
      tpu.wait_indirect_dma semaphore(%arg16 : memref<!tpu.dma_semaphore, #tpu.memory_space<semaphore_mem>>) src(%dma_wait3A_239 : memref<10000x128xf32, #tpu.memory_space<hbm>>) dst(%arg10 : memref<128x128xf32, #tpu.memory_space<vmem>>)
      "tpu.region"() ({
        %run_scoped3A = tpu.sem_alloc : memref<!tpu.dma_semaphore, #tpu.memory_space<semaphore_mem>>
        %dma_start3A_365 = tpu.memref_slice %arg8[%add3A_231] : memref<3072xi32, #tpu.memory_space<vmem>> -> memref<128xi32, #tpu.memory_space<vmem>>
        %dma_start3A_366 = arith.constant 0 : i32
        %dma_start3A_367 = arith.constant 0 : i32
        %dma_start3A_368 = tpu.memref_slice %arg14[%dma_start3A_366, %dma_start3A_367] : memref<10000x128xf32, #tpu.memory_space<vmem_shared>> -> memref<10000x128xf32, #tpu.memory_space<vmem_shared>>
        tpu.enqueue_indirect_dma source(%arg10 : memref<128x128xf32, #tpu.memory_space<vmem>>) target(%dma_start3A_368 : memref<10000x128xf32, #tpu.memory_space<vmem_shared>>) offsets(%dma_start3A_365 : memref<128xi32, #tpu.memory_space<vmem>>) semaphore(%run_scoped3A : memref<!tpu.dma_semaphore, #tpu.memory_space<semaphore_mem>>) {add = true}
        %dma_wait3A_369 = tpu.memref_slice %arg8[%add3A_231] : memref<3072xi32, #tpu.memory_space<vmem>> -> memref<128xi32, #tpu.memory_space<vmem>>
        %dma_wait3A_370 = arith.constant 0 : i32
        %dma_wait3A_371 = arith.constant 0 : i32
        %dma_wait3A_372 = tpu.memref_slice %arg14[%dma_wait3A_370, %dma_wait3A_371] : memref<10000x128xf32, #tpu.memory_space<vmem_shared>> -> memref<10000x128xf32, #tpu.memory_space<vmem_shared>>
        tpu.wait_indirect_dma semaphore(%run_scoped3A : memref<!tpu.dma_semaphore, #tpu.memory_space<semaphore_mem>>) src(%arg10 : memref<128x128xf32, #tpu.memory_space<vmem>>) dst(%dma_wait3A_372 : memref<10000x128xf32, #tpu.memory_space<vmem_shared>>)
        tpu.yield
      }) : () -> ()
      %add3A_240 = arith.constant 896 : i32
      %add3A_241 = arith.addi %mul3A_102, %add3A_240 : i32
      %dma_start3A_242 = tpu.memref_slice %arg7[%add3A_241] : memref<3072xi32, #tpu.memory_space<vmem>> -> memref<128xi32, #tpu.memory_space<vmem>>
      %dma_start3A_243 = arith.constant 0 : i32
      %dma_start3A_244 = arith.constant 0 : i32
      %dma_start3A_245 = tpu.memref_slice %arg2[%arg0, %dma_start3A_243, %dma_start3A_244] : memref<2x10000x128xf32, #tpu.memory_space<hbm>> -> memref<1x10000x128xf32, #tpu.memory_space<hbm>>
      %dma_start3A_246 = tpu.memref_squeeze %dma_start3A_245 : memref<1x10000x128xf32, #tpu.memory_space<hbm>> -> memref<10000x128xf32, #tpu.memory_space<hbm>>
      %dma_start3A_247 = arith.constant 0 : i32
      %dma_start3A_248 = arith.constant 0 : i32
      %dma_start3A_249 = tpu.memref_slice %dma_start3A_246[%dma_start3A_247, %dma_start3A_248] : memref<10000x128xf32, #tpu.memory_space<hbm>> -> memref<10000x128xf32, #tpu.memory_space<hbm>>
      tpu.enqueue_indirect_dma source(%dma_start3A_249 : memref<10000x128xf32, #tpu.memory_space<hbm>>) target(%arg10 : memref<128x128xf32, #tpu.memory_space<vmem>>) offsets(%dma_start3A_242 : memref<128xi32, #tpu.memory_space<vmem>>) semaphore(%arg16 : memref<!tpu.dma_semaphore, #tpu.memory_space<semaphore_mem>>)
      %add3A_250 = arith.constant 768 : i32
      %add3A_251 = arith.addi %mul3A_102, %add3A_250 : i32
      %dma_wait3A_252 = tpu.memref_slice %arg7[%add3A_251] : memref<3072xi32, #tpu.memory_space<vmem>> -> memref<128xi32, #tpu.memory_space<vmem>>
      %dma_wait3A_253 = arith.constant 0 : i32
      %dma_wait3A_254 = arith.constant 0 : i32
      %dma_wait3A_255 = tpu.memref_slice %arg2[%arg0, %dma_wait3A_253, %dma_wait3A_254] : memref<2x10000x128xf32, #tpu.memory_space<hbm>> -> memref<1x10000x128xf32, #tpu.memory_space<hbm>>
      %dma_wait3A_256 = tpu.memref_squeeze %dma_wait3A_255 : memref<1x10000x128xf32, #tpu.memory_space<hbm>> -> memref<10000x128xf32, #tpu.memory_space<hbm>>
      %dma_wait3A_257 = arith.constant 0 : i32
      %dma_wait3A_258 = arith.constant 0 : i32
      %dma_wait3A_259 = tpu.memref_slice %dma_wait3A_256[%dma_wait3A_257, %dma_wait3A_258] : memref<10000x128xf32, #tpu.memory_space<hbm>> -> memref<10000x128xf32, #tpu.memory_space<hbm>>
      tpu.wait_indirect_dma semaphore(%arg15 : memref<!tpu.dma_semaphore, #tpu.memory_space<semaphore_mem>>) src(%dma_wait3A_259 : memref<10000x128xf32, #tpu.memory_space<hbm>>) dst(%arg9 : memref<128x128xf32, #tpu.memory_space<vmem>>)
      "tpu.region"() ({
        %run_scoped3A = tpu.sem_alloc : memref<!tpu.dma_semaphore, #tpu.memory_space<semaphore_mem>>
        %dma_start3A_365 = tpu.memref_slice %arg8[%add3A_251] : memref<3072xi32, #tpu.memory_space<vmem>> -> memref<128xi32, #tpu.memory_space<vmem>>
        %dma_start3A_366 = arith.constant 0 : i32
        %dma_start3A_367 = arith.constant 0 : i32
        %dma_start3A_368 = tpu.memref_slice %arg14[%dma_start3A_366, %dma_start3A_367] : memref<10000x128xf32, #tpu.memory_space<vmem_shared>> -> memref<10000x128xf32, #tpu.memory_space<vmem_shared>>
        tpu.enqueue_indirect_dma source(%arg9 : memref<128x128xf32, #tpu.memory_space<vmem>>) target(%dma_start3A_368 : memref<10000x128xf32, #tpu.memory_space<vmem_shared>>) offsets(%dma_start3A_365 : memref<128xi32, #tpu.memory_space<vmem>>) semaphore(%run_scoped3A : memref<!tpu.dma_semaphore, #tpu.memory_space<semaphore_mem>>) {add = true}
        %dma_wait3A_369 = tpu.memref_slice %arg8[%add3A_251] : memref<3072xi32, #tpu.memory_space<vmem>> -> memref<128xi32, #tpu.memory_space<vmem>>
        %dma_wait3A_370 = arith.constant 0 : i32
        %dma_wait3A_371 = arith.constant 0 : i32
        %dma_wait3A_372 = tpu.memref_slice %arg14[%dma_wait3A_370, %dma_wait3A_371] : memref<10000x128xf32, #tpu.memory_space<vmem_shared>> -> memref<10000x128xf32, #tpu.memory_space<vmem_shared>>
        tpu.wait_indirect_dma semaphore(%run_scoped3A : memref<!tpu.dma_semaphore, #tpu.memory_space<semaphore_mem>>) src(%arg9 : memref<128x128xf32, #tpu.memory_space<vmem>>) dst(%dma_wait3A_372 : memref<10000x128xf32, #tpu.memory_space<vmem_shared>>)
        tpu.yield
      }) : () -> ()
      %add3A_260 = arith.constant 1024 : i32
      %add3A_261 = arith.addi %mul3A_102, %add3A_260 : i32
      %dma_start3A_262 = tpu.memref_slice %arg7[%add3A_261] : memref<3072xi32, #tpu.memory_space<vmem>> -> memref<128xi32, #tpu.memory_space<vmem>>
      %dma_start3A_263 = arith.constant 0 : i32
      %dma_start3A_264 = arith.constant 0 : i32
      %dma_start3A_265 = tpu.memref_slice %arg2[%arg0, %dma_start3A_263, %dma_start3A_264] : memref<2x10000x128xf32, #tpu.memory_space<hbm>> -> memref<1x10000x128xf32, #tpu.memory_space<hbm>>
      %dma_start3A_266 = tpu.memref_squeeze %dma_start3A_265 : memref<1x10000x128xf32, #tpu.memory_space<hbm>> -> memref<10000x128xf32, #tpu.memory_space<hbm>>
      %dma_start3A_267 = arith.constant 0 : i32
      %dma_start3A_268 = arith.constant 0 : i32
      %dma_start3A_269 = tpu.memref_slice %dma_start3A_266[%dma_start3A_267, %dma_start3A_268] : memref<10000x128xf32, #tpu.memory_space<hbm>> -> memref<10000x128xf32, #tpu.memory_space<hbm>>
      tpu.enqueue_indirect_dma source(%dma_start3A_269 : memref<10000x128xf32, #tpu.memory_space<hbm>>) target(%arg9 : memref<128x128xf32, #tpu.memory_space<vmem>>) offsets(%dma_start3A_262 : memref<128xi32, #tpu.memory_space<vmem>>) semaphore(%arg15 : memref<!tpu.dma_semaphore, #tpu.memory_space<semaphore_mem>>)
      %add3A_270 = arith.constant 896 : i32
      %add3A_271 = arith.addi %mul3A_102, %add3A_270 : i32
      %dma_wait3A_272 = tpu.memref_slice %arg7[%add3A_271] : memref<3072xi32, #tpu.memory_space<vmem>> -> memref<128xi32, #tpu.memory_space<vmem>>
      %dma_wait3A_273 = arith.constant 0 : i32
      %dma_wait3A_274 = arith.constant 0 : i32
      %dma_wait3A_275 = tpu.memref_slice %arg2[%arg0, %dma_wait3A_273, %dma_wait3A_274] : memref<2x10000x128xf32, #tpu.memory_space<hbm>> -> memref<1x10000x128xf32, #tpu.memory_space<hbm>>
      %dma_wait3A_276 = tpu.memref_squeeze %dma_wait3A_275 : memref<1x10000x128xf32, #tpu.memory_space<hbm>> -> memref<10000x128xf32, #tpu.memory_space<hbm>>
      %dma_wait3A_277 = arith.constant 0 : i32
      %dma_wait3A_278 = arith.constant 0 : i32
      %dma_wait3A_279 = tpu.memref_slice %dma_wait3A_276[%dma_wait3A_277, %dma_wait3A_278] : memref<10000x128xf32, #tpu.memory_space<hbm>> -> memref<10000x128xf32, #tpu.memory_space<hbm>>
      tpu.wait_indirect_dma semaphore(%arg16 : memref<!tpu.dma_semaphore, #tpu.memory_space<semaphore_mem>>) src(%dma_wait3A_279 : memref<10000x128xf32, #tpu.memory_space<hbm>>) dst(%arg10 : memref<128x128xf32, #tpu.memory_space<vmem>>)
      "tpu.region"() ({
        %run_scoped3A = tpu.sem_alloc : memref<!tpu.dma_semaphore, #tpu.memory_space<semaphore_mem>>
        %dma_start3A_365 = tpu.memref_slice %arg8[%add3A_271] : memref<3072xi32, #tpu.memory_space<vmem>> -> memref<128xi32, #tpu.memory_space<vmem>>
        %dma_start3A_366 = arith.constant 0 : i32
        %dma_start3A_367 = arith.constant 0 : i32
        %dma_start3A_368 = tpu.memref_slice %arg14[%dma_start3A_366, %dma_start3A_367] : memref<10000x128xf32, #tpu.memory_space<vmem_shared>> -> memref<10000x128xf32, #tpu.memory_space<vmem_shared>>
        tpu.enqueue_indirect_dma source(%arg10 : memref<128x128xf32, #tpu.memory_space<vmem>>) target(%dma_start3A_368 : memref<10000x128xf32, #tpu.memory_space<vmem_shared>>) offsets(%dma_start3A_365 : memref<128xi32, #tpu.memory_space<vmem>>) semaphore(%run_scoped3A : memref<!tpu.dma_semaphore, #tpu.memory_space<semaphore_mem>>) {add = true}
        %dma_wait3A_369 = tpu.memref_slice %arg8[%add3A_271] : memref<3072xi32, #tpu.memory_space<vmem>> -> memref<128xi32, #tpu.memory_space<vmem>>
        %dma_wait3A_370 = arith.constant 0 : i32
        %dma_wait3A_371 = arith.constant 0 : i32
        %dma_wait3A_372 = tpu.memref_slice %arg14[%dma_wait3A_370, %dma_wait3A_371] : memref<10000x128xf32, #tpu.memory_space<vmem_shared>> -> memref<10000x128xf32, #tpu.memory_space<vmem_shared>>
        tpu.wait_indirect_dma semaphore(%run_scoped3A : memref<!tpu.dma_semaphore, #tpu.memory_space<semaphore_mem>>) src(%arg10 : memref<128x128xf32, #tpu.memory_space<vmem>>) dst(%dma_wait3A_372 : memref<10000x128xf32, #tpu.memory_space<vmem_shared>>)
        tpu.yield
      }) : () -> ()
      %add3A_280 = arith.constant 1152 : i32
      %add3A_281 = arith.addi %mul3A_102, %add3A_280 : i32
      %dma_start3A_282 = tpu.memref_slice %arg7[%add3A_281] : memref<3072xi32, #tpu.memory_space<vmem>> -> memref<128xi32, #tpu.memory_space<vmem>>
      %dma_start3A_283 = arith.constant 0 : i32
      %dma_start3A_284 = arith.constant 0 : i32
      %dma_start3A_285 = tpu.memref_slice %arg2[%arg0, %dma_start3A_283, %dma_start3A_284] : memref<2x10000x128xf32, #tpu.memory_space<hbm>> -> memref<1x10000x128xf32, #tpu.memory_space<hbm>>
      %dma_start3A_286 = tpu.memref_squeeze %dma_start3A_285 : memref<1x10000x128xf32, #tpu.memory_space<hbm>> -> memref<10000x128xf32, #tpu.memory_space<hbm>>
      %dma_start3A_287 = arith.constant 0 : i32
      %dma_start3A_288 = arith.constant 0 : i32
      %dma_start3A_289 = tpu.memref_slice %dma_start3A_286[%dma_start3A_287, %dma_start3A_288] : memref<10000x128xf32, #tpu.memory_space<hbm>> -> memref<10000x128xf32, #tpu.memory_space<hbm>>
      tpu.enqueue_indirect_dma source(%dma_start3A_289 : memref<10000x128xf32, #tpu.memory_space<hbm>>) target(%arg10 : memref<128x128xf32, #tpu.memory_space<vmem>>) offsets(%dma_start3A_282 : memref<128xi32, #tpu.memory_space<vmem>>) semaphore(%arg16 : memref<!tpu.dma_semaphore, #tpu.memory_space<semaphore_mem>>)
      %add3A_290 = arith.constant 1024 : i32
      %add3A_291 = arith.addi %mul3A_102, %add3A_290 : i32
      %dma_wait3A_292 = tpu.memref_slice %arg7[%add3A_291] : memref<3072xi32, #tpu.memory_space<vmem>> -> memref<128xi32, #tpu.memory_space<vmem>>
      %dma_wait3A_293 = arith.constant 0 : i32
      %dma_wait3A_294 = arith.constant 0 : i32
      %dma_wait3A_295 = tpu.memref_slice %arg2[%arg0, %dma_wait3A_293, %dma_wait3A_294] : memref<2x10000x128xf32, #tpu.memory_space<hbm>> -> memref<1x10000x128xf32, #tpu.memory_space<hbm>>
      %dma_wait3A_296 = tpu.memref_squeeze %dma_wait3A_295 : memref<1x10000x128xf32, #tpu.memory_space<hbm>> -> memref<10000x128xf32, #tpu.memory_space<hbm>>
      %dma_wait3A_297 = arith.constant 0 : i32
      %dma_wait3A_298 = arith.constant 0 : i32
      %dma_wait3A_299 = tpu.memref_slice %dma_wait3A_296[%dma_wait3A_297, %dma_wait3A_298] : memref<10000x128xf32, #tpu.memory_space<hbm>> -> memref<10000x128xf32, #tpu.memory_space<hbm>>
      tpu.wait_indirect_dma semaphore(%arg15 : memref<!tpu.dma_semaphore, #tpu.memory_space<semaphore_mem>>) src(%dma_wait3A_299 : memref<10000x128xf32, #tpu.memory_space<hbm>>) dst(%arg9 : memref<128x128xf32, #tpu.memory_space<vmem>>)
      "tpu.region"() ({
        %run_scoped3A = tpu.sem_alloc : memref<!tpu.dma_semaphore, #tpu.memory_space<semaphore_mem>>
        %dma_start3A_365 = tpu.memref_slice %arg8[%add3A_291] : memref<3072xi32, #tpu.memory_space<vmem>> -> memref<128xi32, #tpu.memory_space<vmem>>
        %dma_start3A_366 = arith.constant 0 : i32
        %dma_start3A_367 = arith.constant 0 : i32
        %dma_start3A_368 = tpu.memref_slice %arg14[%dma_start3A_366, %dma_start3A_367] : memref<10000x128xf32, #tpu.memory_space<vmem_shared>> -> memref<10000x128xf32, #tpu.memory_space<vmem_shared>>
        tpu.enqueue_indirect_dma source(%arg9 : memref<128x128xf32, #tpu.memory_space<vmem>>) target(%dma_start3A_368 : memref<10000x128xf32, #tpu.memory_space<vmem_shared>>) offsets(%dma_start3A_365 : memref<128xi32, #tpu.memory_space<vmem>>) semaphore(%run_scoped3A : memref<!tpu.dma_semaphore, #tpu.memory_space<semaphore_mem>>) {add = true}
        %dma_wait3A_369 = tpu.memref_slice %arg8[%add3A_291] : memref<3072xi32, #tpu.memory_space<vmem>> -> memref<128xi32, #tpu.memory_space<vmem>>
        %dma_wait3A_370 = arith.constant 0 : i32
        %dma_wait3A_371 = arith.constant 0 : i32
        %dma_wait3A_372 = tpu.memref_slice %arg14[%dma_wait3A_370, %dma_wait3A_371] : memref<10000x128xf32, #tpu.memory_space<vmem_shared>> -> memref<10000x128xf32, #tpu.memory_space<vmem_shared>>
        tpu.wait_indirect_dma semaphore(%run_scoped3A : memref<!tpu.dma_semaphore, #tpu.memory_space<semaphore_mem>>) src(%arg9 : memref<128x128xf32, #tpu.memory_space<vmem>>) dst(%dma_wait3A_372 : memref<10000x128xf32, #tpu.memory_space<vmem_shared>>)
        tpu.yield
      }) : () -> ()
      %add3A_300 = arith.constant 1280 : i32
      %add3A_301 = arith.addi %mul3A_102, %add3A_300 : i32
      %dma_start3A_302 = tpu.memref_slice %arg7[%add3A_301] : memref<3072xi32, #tpu.memory_space<vmem>> -> memref<128xi32, #tpu.memory_space<vmem>>
      %dma_start3A_303 = arith.constant 0 : i32
      %dma_start3A_304 = arith.constant 0 : i32
      %dma_start3A_305 = tpu.memref_slice %arg2[%arg0, %dma_start3A_303, %dma_start3A_304] : memref<2x10000x128xf32, #tpu.memory_space<hbm>> -> memref<1x10000x128xf32, #tpu.memory_space<hbm>>
      %dma_start3A_306 = tpu.memref_squeeze %dma_start3A_305 : memref<1x10000x128xf32, #tpu.memory_space<hbm>> -> memref<10000x128xf32, #tpu.memory_space<hbm>>
      %dma_start3A_307 = arith.constant 0 : i32
      %dma_start3A_308 = arith.constant 0 : i32
      %dma_start3A_309 = tpu.memref_slice %dma_start3A_306[%dma_start3A_307, %dma_start3A_308] : memref<10000x128xf32, #tpu.memory_space<hbm>> -> memref<10000x128xf32, #tpu.memory_space<hbm>>
      tpu.enqueue_indirect_dma source(%dma_start3A_309 : memref<10000x128xf32, #tpu.memory_space<hbm>>) target(%arg9 : memref<128x128xf32, #tpu.memory_space<vmem>>) offsets(%dma_start3A_302 : memref<128xi32, #tpu.memory_space<vmem>>) semaphore(%arg15 : memref<!tpu.dma_semaphore, #tpu.memory_space<semaphore_mem>>)
      %add3A_310 = arith.constant 1152 : i32
      %add3A_311 = arith.addi %mul3A_102, %add3A_310 : i32
      %dma_wait3A_312 = tpu.memref_slice %arg7[%add3A_311] : memref<3072xi32, #tpu.memory_space<vmem>> -> memref<128xi32, #tpu.memory_space<vmem>>
      %dma_wait3A_313 = arith.constant 0 : i32
      %dma_wait3A_314 = arith.constant 0 : i32
      %dma_wait3A_315 = tpu.memref_slice %arg2[%arg0, %dma_wait3A_313, %dma_wait3A_314] : memref<2x10000x128xf32, #tpu.memory_space<hbm>> -> memref<1x10000x128xf32, #tpu.memory_space<hbm>>
      %dma_wait3A_316 = tpu.memref_squeeze %dma_wait3A_315 : memref<1x10000x128xf32, #tpu.memory_space<hbm>> -> memref<10000x128xf32, #tpu.memory_space<hbm>>
      %dma_wait3A_317 = arith.constant 0 : i32
      %dma_wait3A_318 = arith.constant 0 : i32
      %dma_wait3A_319 = tpu.memref_slice %dma_wait3A_316[%dma_wait3A_317, %dma_wait3A_318] : memref<10000x128xf32, #tpu.memory_space<hbm>> -> memref<10000x128xf32, #tpu.memory_space<hbm>>
      tpu.wait_indirect_dma semaphore(%arg16 : memref<!tpu.dma_semaphore, #tpu.memory_space<semaphore_mem>>) src(%dma_wait3A_319 : memref<10000x128xf32, #tpu.memory_space<hbm>>) dst(%arg10 : memref<128x128xf32, #tpu.memory_space<vmem>>)
      "tpu.region"() ({
        %run_scoped3A = tpu.sem_alloc : memref<!tpu.dma_semaphore, #tpu.memory_space<semaphore_mem>>
        %dma_start3A_365 = tpu.memref_slice %arg8[%add3A_311] : memref<3072xi32, #tpu.memory_space<vmem>> -> memref<128xi32, #tpu.memory_space<vmem>>
        %dma_start3A_366 = arith.constant 0 : i32
        %dma_start3A_367 = arith.constant 0 : i32
        %dma_start3A_368 = tpu.memref_slice %arg14[%dma_start3A_366, %dma_start3A_367] : memref<10000x128xf32, #tpu.memory_space<vmem_shared>> -> memref<10000x128xf32, #tpu.memory_space<vmem_shared>>
        tpu.enqueue_indirect_dma source(%arg10 : memref<128x128xf32, #tpu.memory_space<vmem>>) target(%dma_start3A_368 : memref<10000x128xf32, #tpu.memory_space<vmem_shared>>) offsets(%dma_start3A_365 : memref<128xi32, #tpu.memory_space<vmem>>) semaphore(%run_scoped3A : memref<!tpu.dma_semaphore, #tpu.memory_space<semaphore_mem>>) {add = true}
        %dma_wait3A_369 = tpu.memref_slice %arg8[%add3A_311] : memref<3072xi32, #tpu.memory_space<vmem>> -> memref<128xi32, #tpu.memory_space<vmem>>
        %dma_wait3A_370 = arith.constant 0 : i32
        %dma_wait3A_371 = arith.constant 0 : i32
        %dma_wait3A_372 = tpu.memref_slice %arg14[%dma_wait3A_370, %dma_wait3A_371] : memref<10000x128xf32, #tpu.memory_space<vmem_shared>> -> memref<10000x128xf32, #tpu.memory_space<vmem_shared>>
        tpu.wait_indirect_dma semaphore(%run_scoped3A : memref<!tpu.dma_semaphore, #tpu.memory_space<semaphore_mem>>) src(%arg10 : memref<128x128xf32, #tpu.memory_space<vmem>>) dst(%dma_wait3A_372 : memref<10000x128xf32, #tpu.memory_space<vmem_shared>>)
        tpu.yield
      }) : () -> ()
      %add3A_320 = arith.constant 1408 : i32
      %add3A_321 = arith.addi %mul3A_102, %add3A_320 : i32
      %dma_start3A_322 = tpu.memref_slice %arg7[%add3A_321] : memref<3072xi32, #tpu.memory_space<vmem>> -> memref<128xi32, #tpu.memory_space<vmem>>
      %dma_start3A_323 = arith.constant 0 : i32
      %dma_start3A_324 = arith.constant 0 : i32
      %dma_start3A_325 = tpu.memref_slice %arg2[%arg0, %dma_start3A_323, %dma_start3A_324] : memref<2x10000x128xf32, #tpu.memory_space<hbm>> -> memref<1x10000x128xf32, #tpu.memory_space<hbm>>
      %dma_start3A_326 = tpu.memref_squeeze %dma_start3A_325 : memref<1x10000x128xf32, #tpu.memory_space<hbm>> -> memref<10000x128xf32, #tpu.memory_space<hbm>>
      %dma_start3A_327 = arith.constant 0 : i32
      %dma_start3A_328 = arith.constant 0 : i32
      %dma_start3A_329 = tpu.memref_slice %dma_start3A_326[%dma_start3A_327, %dma_start3A_328] : memref<10000x128xf32, #tpu.memory_space<hbm>> -> memref<10000x128xf32, #tpu.memory_space<hbm>>
      tpu.enqueue_indirect_dma source(%dma_start3A_329 : memref<10000x128xf32, #tpu.memory_space<hbm>>) target(%arg10 : memref<128x128xf32, #tpu.memory_space<vmem>>) offsets(%dma_start3A_322 : memref<128xi32, #tpu.memory_space<vmem>>) semaphore(%arg16 : memref<!tpu.dma_semaphore, #tpu.memory_space<semaphore_mem>>)
      %add3A_330 = arith.constant 1280 : i32
      %add3A_331 = arith.addi %mul3A_102, %add3A_330 : i32
      %dma_wait3A_332 = tpu.memref_slice %arg7[%add3A_331] : memref<3072xi32, #tpu.memory_space<vmem>> -> memref<128xi32, #tpu.memory_space<vmem>>
      %dma_wait3A_333 = arith.constant 0 : i32
      %dma_wait3A_334 = arith.constant 0 : i32
      %dma_wait3A_335 = tpu.memref_slice %arg2[%arg0, %dma_wait3A_333, %dma_wait3A_334] : memref<2x10000x128xf32, #tpu.memory_space<hbm>> -> memref<1x10000x128xf32, #tpu.memory_space<hbm>>
      %dma_wait3A_336 = tpu.memref_squeeze %dma_wait3A_335 : memref<1x10000x128xf32, #tpu.memory_space<hbm>> -> memref<10000x128xf32, #tpu.memory_space<hbm>>
      %dma_wait3A_337 = arith.constant 0 : i32
      %dma_wait3A_338 = arith.constant 0 : i32
      %dma_wait3A_339 = tpu.memref_slice %dma_wait3A_336[%dma_wait3A_337, %dma_wait3A_338] : memref<10000x128xf32, #tpu.memory_space<hbm>> -> memref<10000x128xf32, #tpu.memory_space<hbm>>
      tpu.wait_indirect_dma semaphore(%arg15 : memref<!tpu.dma_semaphore, #tpu.memory_space<semaphore_mem>>) src(%dma_wait3A_339 : memref<10000x128xf32, #tpu.memory_space<hbm>>) dst(%arg9 : memref<128x128xf32, #tpu.memory_space<vmem>>)
      "tpu.region"() ({
        %run_scoped3A = tpu.sem_alloc : memref<!tpu.dma_semaphore, #tpu.memory_space<semaphore_mem>>
        %dma_start3A_365 = tpu.memref_slice %arg8[%add3A_331] : memref<3072xi32, #tpu.memory_space<vmem>> -> memref<128xi32, #tpu.memory_space<vmem>>
        %dma_start3A_366 = arith.constant 0 : i32
        %dma_start3A_367 = arith.constant 0 : i32
        %dma_start3A_368 = tpu.memref_slice %arg14[%dma_start3A_366, %dma_start3A_367] : memref<10000x128xf32, #tpu.memory_space<vmem_shared>> -> memref<10000x128xf32, #tpu.memory_space<vmem_shared>>
        tpu.enqueue_indirect_dma source(%arg9 : memref<128x128xf32, #tpu.memory_space<vmem>>) target(%dma_start3A_368 : memref<10000x128xf32, #tpu.memory_space<vmem_shared>>) offsets(%dma_start3A_365 : memref<128xi32, #tpu.memory_space<vmem>>) semaphore(%run_scoped3A : memref<!tpu.dma_semaphore, #tpu.memory_space<semaphore_mem>>) {add = true}
        %dma_wait3A_369 = tpu.memref_slice %arg8[%add3A_331] : memref<3072xi32, #tpu.memory_space<vmem>> -> memref<128xi32, #tpu.memory_space<vmem>>
        %dma_wait3A_370 = arith.constant 0 : i32
        %dma_wait3A_371 = arith.constant 0 : i32
        %dma_wait3A_372 = tpu.memref_slice %arg14[%dma_wait3A_370, %dma_wait3A_371] : memref<10000x128xf32, #tpu.memory_space<vmem_shared>> -> memref<10000x128xf32, #tpu.memory_space<vmem_shared>>
        tpu.wait_indirect_dma semaphore(%run_scoped3A : memref<!tpu.dma_semaphore, #tpu.memory_space<semaphore_mem>>) src(%arg9 : memref<128x128xf32, #tpu.memory_space<vmem>>) dst(%dma_wait3A_372 : memref<10000x128xf32, #tpu.memory_space<vmem_shared>>)
        tpu.yield
      }) : () -> ()
      %add3A_340 = arith.constant 1 : i32
      %add3A_341 = arith.addi %scan3A_88, %add3A_340 : i32
      %lt3A_342 = arith.constant 13 : i32
      %lt3A_343 = arith.cmpi slt, %add3A_341, %lt3A_342 : i32
      %convert_element_type3A_344 = arith.extui %lt3A_343 : i1 to i32
      %cond3A_345 = arith.constant 0 : i32
      %cond3A_346 = arith.cmpi ne, %convert_element_type3A_344, %cond3A_345 : i32
      scf.if %cond3A_346 {
        %add3A_365 = arith.constant 1 : i32
        %add3A_366 = arith.addi %scan3A_88, %add3A_365 : i32
        %mul3A_367 = arith.constant 1536 : i32
        %mul3A_368 = arith.muli %add3A_366, %mul3A_367 : i32
        %add3A_369 = arith.addi %mul3A_8, %mul3A_368 : i32
        %dma_wait3A_370 = tpu.memref_slice %arg7[%mul3A_122] : memref<3072xi32, #tpu.memory_space<vmem>> -> memref<1536xi32, #tpu.memory_space<vmem>>
        %dma_wait3A_371 = tpu.memref_slice %arg3[%add3A_369] : memref<320000xi32, #tpu.memory_space<hbm>> -> memref<1536xi32, #tpu.memory_space<hbm>>
        %dma_wait3A_372 = tpu.memref_slice %arg7[%mul3A_122] : memref<3072xi32, #tpu.memory_space<vmem>> -> memref<1536xi32, #tpu.memory_space<vmem>>
        %dma_wait3A_373 = tpu.memref_slice %arg3[%add3A_369] : memref<320000xi32, #tpu.memory_space<hbm>> -> memref<1536xi32, #tpu.memory_space<hbm>>
        tpu.wait_dma2 semaphore(%arg17 : memref<!tpu.dma_semaphore, #tpu.memory_space<semaphore_mem>>) src(%dma_wait3A_373 : memref<1536xi32, #tpu.memory_space<hbm>>) dst(%dma_wait3A_372 : memref<1536xi32, #tpu.memory_space<vmem>>)
        %dma_wait3A_374 = tpu.memref_slice %arg8[%mul3A_122] : memref<3072xi32, #tpu.memory_space<vmem>> -> memref<1536xi32, #tpu.memory_space<vmem>>
        %dma_wait3A_375 = tpu.memref_slice %arg4[%add3A_369] : memref<320000xi32, #tpu.memory_space<hbm>> -> memref<1536xi32, #tpu.memory_space<hbm>>
        %dma_wait3A_376 = tpu.memref_slice %arg8[%mul3A_122] : memref<3072xi32, #tpu.memory_space<vmem>> -> memref<1536xi32, #tpu.memory_space<vmem>>
        %dma_wait3A_377 = tpu.memref_slice %arg4[%add3A_369] : memref<320000xi32, #tpu.memory_space<hbm>> -> memref<1536xi32, #tpu.memory_space<hbm>>
        tpu.wait_dma2 semaphore(%arg18 : memref<!tpu.dma_semaphore, #tpu.memory_space<semaphore_mem>>) src(%dma_wait3A_377 : memref<1536xi32, #tpu.memory_space<hbm>>) dst(%dma_wait3A_376 : memref<1536xi32, #tpu.memory_space<vmem>>)
        %add3A_378 = arith.constant 0 : i32
        %add3A_379 = arith.addi %mul3A_122, %add3A_378 : i32
        %dma_start3A_380 = tpu.memref_slice %arg7[%add3A_379] : memref<3072xi32, #tpu.memory_space<vmem>> -> memref<128xi32, #tpu.memory_space<vmem>>
        %dma_start3A_381 = arith.constant 0 : i32
        %dma_start3A_382 = arith.constant 0 : i32
        %dma_start3A_383 = tpu.memref_slice %arg2[%arg0, %dma_start3A_381, %dma_start3A_382] : memref<2x10000x128xf32, #tpu.memory_space<hbm>> -> memref<1x10000x128xf32, #tpu.memory_space<hbm>>
        %dma_start3A_384 = tpu.memref_squeeze %dma_start3A_383 : memref<1x10000x128xf32, #tpu.memory_space<hbm>> -> memref<10000x128xf32, #tpu.memory_space<hbm>>
        %dma_start3A_385 = arith.constant 0 : i32
        %dma_start3A_386 = arith.constant 0 : i32
        %dma_start3A_387 = tpu.memref_slice %dma_start3A_384[%dma_start3A_385, %dma_start3A_386] : memref<10000x128xf32, #tpu.memory_space<hbm>> -> memref<10000x128xf32, #tpu.memory_space<hbm>>
        tpu.enqueue_indirect_dma source(%dma_start3A_387 : memref<10000x128xf32, #tpu.memory_space<hbm>>) target(%arg9 : memref<128x128xf32, #tpu.memory_space<vmem>>) offsets(%dma_start3A_380 : memref<128xi32, #tpu.memory_space<vmem>>) semaphore(%arg15 : memref<!tpu.dma_semaphore, #tpu.memory_space<semaphore_mem>>)
      } else {
      }
      %add3A_347 = arith.constant 1408 : i32
      %add3A_348 = arith.addi %mul3A_102, %add3A_347 : i32
      %dma_wait3A_349 = tpu.memref_slice %arg7[%add3A_348] : memref<3072xi32, #tpu.memory_space<vmem>> -> memref<128xi32, #tpu.memory_space<vmem>>
      %dma_wait3A_350 = arith.constant 0 : i32
      %dma_wait3A_351 = arith.constant 0 : i32
      %dma_wait3A_352 = tpu.memref_slice %arg2[%arg0, %dma_wait3A_350, %dma_wait3A_351] : memref<2x10000x128xf32, #tpu.memory_space<hbm>> -> memref<1x10000x128xf32, #tpu.memory_space<hbm>>
      %dma_wait3A_353 = tpu.memref_squeeze %dma_wait3A_352 : memref<1x10000x128xf32, #tpu.memory_space<hbm>> -> memref<10000x128xf32, #tpu.memory_space<hbm>>
      %dma_wait3A_354 = arith.constant 0 : i32
      %dma_wait3A_355 = arith.constant 0 : i32
      %dma_wait3A_356 = tpu.memref_slice %dma_wait3A_353[%dma_wait3A_354, %dma_wait3A_355] : memref<10000x128xf32, #tpu.memory_space<hbm>> -> memref<10000x128xf32, #tpu.memory_space<hbm>>
      tpu.wait_indirect_dma semaphore(%arg16 : memref<!tpu.dma_semaphore, #tpu.memory_space<semaphore_mem>>) src(%dma_wait3A_356 : memref<10000x128xf32, #tpu.memory_space<hbm>>) dst(%arg10 : memref<128x128xf32, #tpu.memory_space<vmem>>)
      "tpu.region"() ({
        %run_scoped3A = tpu.sem_alloc : memref<!tpu.dma_semaphore, #tpu.memory_space<semaphore_mem>>
        %dma_start3A_365 = tpu.memref_slice %arg8[%add3A_348] : memref<3072xi32, #tpu.memory_space<vmem>> -> memref<128xi32, #tpu.memory_space<vmem>>
        %dma_start3A_366 = arith.constant 0 : i32
        %dma_start3A_367 = arith.constant 0 : i32
        %dma_start3A_368 = tpu.memref_slice %arg14[%dma_start3A_366, %dma_start3A_367] : memref<10000x128xf32, #tpu.memory_space<vmem_shared>> -> memref<10000x128xf32, #tpu.memory_space<vmem_shared>>
        tpu.enqueue_indirect_dma source(%arg10 : memref<128x128xf32, #tpu.memory_space<vmem>>) target(%dma_start3A_368 : memref<10000x128xf32, #tpu.memory_space<vmem_shared>>) offsets(%dma_start3A_365 : memref<128xi32, #tpu.memory_space<vmem>>) semaphore(%run_scoped3A : memref<!tpu.dma_semaphore, #tpu.memory_space<semaphore_mem>>) {add = true}
        %dma_wait3A_369 = tpu.memref_slice %arg8[%add3A_348] : memref<3072xi32, #tpu.memory_space<vmem>> -> memref<128xi32, #tpu.memory_space<vmem>>
        %dma_wait3A_370 = arith.constant 0 : i32
        %dma_wait3A_371 = arith.constant 0 : i32
        %dma_wait3A_372 = tpu.memref_slice %arg14[%dma_wait3A_370, %dma_wait3A_371] : memref<10000x128xf32, #tpu.memory_space<vmem_shared>> -> memref<10000x128xf32, #tpu.memory_space<vmem_shared>>
        tpu.wait_indirect_dma semaphore(%run_scoped3A : memref<!tpu.dma_semaphore, #tpu.memory_space<semaphore_mem>>) src(%arg10 : memref<128x128xf32, #tpu.memory_space<vmem>>) dst(%dma_wait3A_372 : memref<10000x128xf32, #tpu.memory_space<vmem_shared>>)
        tpu.yield
      }) : () -> ()
      %add3A_357 = arith.constant 1 : i32
      %add3A_358 = arith.addi %scan3A_88, %add3A_357 : i32
      %lt3A_359 = arith.constant 13 : i32
      %lt3A_360 = arith.cmpi slt, %add3A_358, %lt3A_359 : i32
      %convert_element_type3A_361 = arith.extui %lt3A_360 : i1 to i32
      %cond3A_362 = arith.constant 0 : i32
      %cond3A_363 = arith.cmpi ne, %convert_element_type3A_361, %cond3A_362 : i32
      scf.if %cond3A_363 {
        %add3A_365 = arith.constant 128 : i32
        %add3A_366 = arith.addi %mul3A_122, %add3A_365 : i32
        %dma_start3A_367 = tpu.memref_slice %arg7[%add3A_366] : memref<3072xi32, #tpu.memory_space<vmem>> -> memref<128xi32, #tpu.memory_space<vmem>>
        %dma_start3A_368 = arith.constant 0 : i32
        %dma_start3A_369 = arith.constant 0 : i32
        %dma_start3A_370 = tpu.memref_slice %arg2[%arg0, %dma_start3A_368, %dma_start3A_369] : memref<2x10000x128xf32, #tpu.memory_space<hbm>> -> memref<1x10000x128xf32, #tpu.memory_space<hbm>>
        %dma_start3A_371 = tpu.memref_squeeze %dma_start3A_370 : memref<1x10000x128xf32, #tpu.memory_space<hbm>> -> memref<10000x128xf32, #tpu.memory_space<hbm>>
        %dma_start3A_372 = arith.constant 0 : i32
        %dma_start3A_373 = arith.constant 0 : i32
        %dma_start3A_374 = tpu.memref_slice %dma_start3A_371[%dma_start3A_372, %dma_start3A_373] : memref<10000x128xf32, #tpu.memory_space<hbm>> -> memref<10000x128xf32, #tpu.memory_space<hbm>>
        tpu.enqueue_indirect_dma source(%dma_start3A_374 : memref<10000x128xf32, #tpu.memory_space<hbm>>) target(%arg10 : memref<128x128xf32, #tpu.memory_space<vmem>>) offsets(%dma_start3A_367 : memref<128xi32, #tpu.memory_space<vmem>>) semaphore(%arg16 : memref<!tpu.dma_semaphore, #tpu.memory_space<semaphore_mem>>)
      } else {
      }
      %scan3A_364 = arith.constant 0 : i32
      scf.yield %scan3A_364 : i32
    }
    %scan3A_57 = arith.constant 13 : i32
    %add3A_58 = arith.constant 19968 : i32
    %add3A_59 = arith.addi %mul3A_8, %add3A_58 : i32
    "tpu.region"() ({
      %run_scoped3A = tpu.sem_alloc : memref<!tpu.dma_semaphore, #tpu.memory_space<semaphore_mem>>
      %dma_start3A_88 = tpu.memref_slice %arg3[%add3A_59] : memref<320000xi32, #tpu.memory_space<hbm>> -> memref<32xi32, #tpu.memory_space<hbm>>
      %dma_start3A_89 = tpu.memref_slice %arg3[%add3A_59] : memref<320000xi32, #tpu.memory_space<hbm>> -> memref<32xi32, #tpu.memory_space<hbm>>
      tpu.enqueue_dma source(%dma_start3A_89 : memref<32xi32, #tpu.memory_space<hbm>>) target(%arg11 : memref<32xi32, #tpu.memory_space<vmem>>) target_semaphore(%run_scoped3A : memref<!tpu.dma_semaphore, #tpu.memory_space<semaphore_mem>>)
      %dma_wait3A_90 = tpu.memref_slice %arg3[%add3A_59] : memref<320000xi32, #tpu.memory_space<hbm>> -> memref<32xi32, #tpu.memory_space<hbm>>
      %dma_wait3A_91 = tpu.memref_slice %arg3[%add3A_59] : memref<320000xi32, #tpu.memory_space<hbm>> -> memref<32xi32, #tpu.memory_space<hbm>>
      tpu.wait_dma2 semaphore(%run_scoped3A : memref<!tpu.dma_semaphore, #tpu.memory_space<semaphore_mem>>) src(%dma_wait3A_91 : memref<32xi32, #tpu.memory_space<hbm>>) dst(%arg11 : memref<32xi32, #tpu.memory_space<vmem>>)
      tpu.yield
    }) : () -> ()
    "tpu.region"() ({
      %run_scoped3A = tpu.sem_alloc : memref<!tpu.dma_semaphore, #tpu.memory_space<semaphore_mem>>
      %dma_start3A_88 = tpu.memref_slice %arg4[%add3A_59] : memref<320000xi32, #tpu.memory_space<hbm>> -> memref<32xi32, #tpu.memory_space<hbm>>
      %dma_start3A_89 = tpu.memref_slice %arg4[%add3A_59] : memref<320000xi32, #tpu.memory_space<hbm>> -> memref<32xi32, #tpu.memory_space<hbm>>
      tpu.enqueue_dma source(%dma_start3A_89 : memref<32xi32, #tpu.memory_space<hbm>>) target(%arg12 : memref<32xi32, #tpu.memory_space<vmem>>) target_semaphore(%run_scoped3A : memref<!tpu.dma_semaphore, #tpu.memory_space<semaphore_mem>>)
      %dma_wait3A_90 = tpu.memref_slice %arg4[%add3A_59] : memref<320000xi32, #tpu.memory_space<hbm>> -> memref<32xi32, #tpu.memory_space<hbm>>
      %dma_wait3A_91 = tpu.memref_slice %arg4[%add3A_59] : memref<320000xi32, #tpu.memory_space<hbm>> -> memref<32xi32, #tpu.memory_space<hbm>>
      tpu.wait_dma2 semaphore(%run_scoped3A : memref<!tpu.dma_semaphore, #tpu.memory_space<semaphore_mem>>) src(%dma_wait3A_91 : memref<32xi32, #tpu.memory_space<hbm>>) dst(%arg12 : memref<32xi32, #tpu.memory_space<vmem>>)
      tpu.yield
    }) : () -> ()
    %dma_start3A_60 = arith.constant 0 : i32
    %dma_start3A_61 = arith.constant 0 : i32
    %dma_start3A_62 = tpu.memref_slice %arg2[%arg0, %dma_start3A_60, %dma_start3A_61] : memref<2x10000x128xf32, #tpu.memory_space<hbm>> -> memref<1x10000x128xf32, #tpu.memory_space<hbm>>
    %dma_start3A_63 = tpu.memref_squeeze %dma_start3A_62 : memref<1x10000x128xf32, #tpu.memory_space<hbm>> -> memref<10000x128xf32, #tpu.memory_space<hbm>>
    %dma_start3A_64 = arith.constant 0 : i32
    %dma_start3A_65 = arith.constant 0 : i32
    %dma_start3A_66 = tpu.memref_slice %dma_start3A_63[%dma_start3A_64, %dma_start3A_65] : memref<10000x128xf32, #tpu.memory_space<hbm>> -> memref<10000x128xf32, #tpu.memory_space<hbm>>
    tpu.enqueue_indirect_dma source(%dma_start3A_66 : memref<10000x128xf32, #tpu.memory_space<hbm>>) target(%arg13 : memref<32x128xf32, #tpu.memory_space<vmem>>) offsets(%arg11 : memref<32xi32, #tpu.memory_space<vmem>>) semaphore(%arg15 : memref<!tpu.dma_semaphore, #tpu.memory_space<semaphore_mem>>)
    %dma_wait3A_67 = arith.constant 0 : i32
    %dma_wait3A_68 = arith.constant 0 : i32
    %dma_wait3A_69 = tpu.memref_slice %arg2[%arg0, %dma_wait3A_67, %dma_wait3A_68] : memref<2x10000x128xf32, #tpu.memory_space<hbm>> -> memref<1x10000x128xf32, #tpu.memory_space<hbm>>
    %dma_wait3A_70 = tpu.memref_squeeze %dma_wait3A_69 : memref<1x10000x128xf32, #tpu.memory_space<hbm>> -> memref<10000x128xf32, #tpu.memory_space<hbm>>
    %dma_wait3A_71 = arith.constant 0 : i32
    %dma_wait3A_72 = arith.constant 0 : i32
    %dma_wait3A_73 = tpu.memref_slice %dma_wait3A_70[%dma_wait3A_71, %dma_wait3A_72] : memref<10000x128xf32, #tpu.memory_space<hbm>> -> memref<10000x128xf32, #tpu.memory_space<hbm>>
    tpu.wait_indirect_dma semaphore(%arg15 : memref<!tpu.dma_semaphore, #tpu.memory_space<semaphore_mem>>) src(%dma_wait3A_73 : memref<10000x128xf32, #tpu.memory_space<hbm>>) dst(%arg13 : memref<32x128xf32, #tpu.memory_space<vmem>>)
    "tpu.region"() ({
      %run_scoped3A = tpu.sem_alloc : memref<!tpu.dma_semaphore, #tpu.memory_space<semaphore_mem>>
      %dma_start3A_88 = arith.constant 0 : i32
      %dma_start3A_89 = arith.constant 0 : i32
      %dma_start3A_90 = tpu.memref_slice %arg14[%dma_start3A_88, %dma_start3A_89] : memref<10000x128xf32, #tpu.memory_space<vmem_shared>> -> memref<10000x128xf32, #tpu.memory_space<vmem_shared>>
      tpu.enqueue_indirect_dma source(%arg13 : memref<32x128xf32, #tpu.memory_space<vmem>>) target(%dma_start3A_90 : memref<10000x128xf32, #tpu.memory_space<vmem_shared>>) offsets(%arg12 : memref<32xi32, #tpu.memory_space<vmem>>) semaphore(%run_scoped3A : memref<!tpu.dma_semaphore, #tpu.memory_space<semaphore_mem>>) {add = true}
      %dma_wait3A_91 = arith.constant 0 : i32
      %dma_wait3A_92 = arith.constant 0 : i32
      %dma_wait3A_93 = tpu.memref_slice %arg14[%dma_wait3A_91, %dma_wait3A_92] : memref<10000x128xf32, #tpu.memory_space<vmem_shared>> -> memref<10000x128xf32, #tpu.memory_space<vmem_shared>>
      tpu.wait_indirect_dma semaphore(%run_scoped3A : memref<!tpu.dma_semaphore, #tpu.memory_space<semaphore_mem>>) src(%arg13 : memref<32x128xf32, #tpu.memory_space<vmem>>) dst(%dma_wait3A_93 : memref<10000x128xf32, #tpu.memory_space<vmem_shared>>)
      tpu.yield
    }) : () -> ()
    %barrier3A_74 = arith.constant 0 : index
    tpu.barrier barrier_id(%barrier3A_74)
    %mul3A_75 = arith.constant 640 : i32
    %mul3A_76 = arith.muli %arg1, %mul3A_75 : i32
    %multiple_of3A_77 = tpu.assume_multiple %mul3A_76, 8 : i32
    %lt3A_78 = arith.constant 15 : i32
    %lt3A_79 = arith.cmpi slt, %arg1, %lt3A_78 : i32
    %convert_element_type3A_80 = arith.extui %lt3A_79 : i1 to i32
    %cond3A_81 = arith.constant 0 : i32
    %cond3A_82 = arith.cmpi ne, %convert_element_type3A_80, %cond3A_81 : i32
    scf.if %cond3A_82 {
      "tpu.region"() ({
        %run_scoped3A = tpu.sem_alloc : memref<!tpu.dma_semaphore, #tpu.memory_space<semaphore_mem>>
        %dma_start3A_88 = arith.constant 0 : i32
        %dma_start3A_89 = arith.constant 0 : i32
        %dma_start3A_90 = tpu.memref_slice %arg6[%arg0, %dma_start3A_88, %dma_start3A_89] : memref<2x10000x128xf32, #tpu.memory_space<hbm>> -> memref<1x10000x128xf32, #tpu.memory_space<hbm>>
        %dma_start3A_91 = tpu.memref_squeeze %dma_start3A_90 : memref<1x10000x128xf32, #tpu.memory_space<hbm>> -> memref<10000x128xf32, #tpu.memory_space<hbm>>
        %dma_start3A_92 = arith.constant 0 : i32
        %dma_start3A_93 = tpu.memref_slice %dma_start3A_91[%multiple_of3A_77, %dma_start3A_92] : memref<10000x128xf32, #tpu.memory_space<hbm>> -> memref<640x128xf32, #tpu.memory_space<hbm>>
        %dma_start3A_94 = arith.constant 0 : i32
        %dma_start3A_95 = tpu.memref_slice %arg14[%multiple_of3A_77, %dma_start3A_94] : memref<10000x128xf32, #tpu.memory_space<vmem_shared>> -> memref<640x128xf32, #tpu.memory_space<vmem_shared>>
        tpu.enqueue_dma source(%dma_start3A_95 : memref<640x128xf32, #tpu.memory_space<vmem_shared>>) target(%dma_start3A_93 : memref<640x128xf32, #tpu.memory_space<hbm>>) target_semaphore(%run_scoped3A : memref<!tpu.dma_semaphore, #tpu.memory_space<semaphore_mem>>)
        %dma_wait3A_96 = arith.constant 0 : i32
        %dma_wait3A_97 = arith.constant 0 : i32
        %dma_wait3A_98 = tpu.memref_slice %arg6[%arg0, %dma_wait3A_96, %dma_wait3A_97] : memref<2x10000x128xf32, #tpu.memory_space<hbm>> -> memref<1x10000x128xf32, #tpu.memory_space<hbm>>
        %dma_wait3A_99 = tpu.memref_squeeze %dma_wait3A_98 : memref<1x10000x128xf32, #tpu.memory_space<hbm>> -> memref<10000x128xf32, #tpu.memory_space<hbm>>
        %dma_wait3A_100 = arith.constant 0 : i32
        %dma_wait3A_101 = tpu.memref_slice %dma_wait3A_99[%multiple_of3A_77, %dma_wait3A_100] : memref<10000x128xf32, #tpu.memory_space<hbm>> -> memref<640x128xf32, #tpu.memory_space<hbm>>
        %dma_wait3A_102 = arith.constant 0 : i32
        %dma_wait3A_103 = tpu.memref_slice %arg14[%multiple_of3A_77, %dma_wait3A_102] : memref<10000x128xf32, #tpu.memory_space<vmem_shared>> -> memref<640x128xf32, #tpu.memory_space<vmem_shared>>
        tpu.wait_dma2 semaphore(%run_scoped3A : memref<!tpu.dma_semaphore, #tpu.memory_space<semaphore_mem>>) src(%dma_wait3A_103 : memref<640x128xf32, #tpu.memory_space<vmem_shared>>) dst(%dma_wait3A_101 : memref<640x128xf32, #tpu.memory_space<hbm>>)
        tpu.yield
      }) : () -> ()
    } else {
    }
    %eq3A_83 = arith.constant 15 : i32
    %eq3A_84 = arith.cmpi eq, %arg1, %eq3A_83 : i32
    %convert_element_type3A_85 = arith.extui %eq3A_84 : i1 to i32
    %cond3A_86 = arith.constant 0 : i32
    %cond3A_87 = arith.cmpi ne, %convert_element_type3A_85, %cond3A_86 : i32
    scf.if %cond3A_87 {
      "tpu.region"() ({
        %run_scoped3A = tpu.sem_alloc : memref<!tpu.dma_semaphore, #tpu.memory_space<semaphore_mem>>
        %dma_start3A_88 = arith.constant 0 : i32
        %dma_start3A_89 = arith.constant 0 : i32
        %dma_start3A_90 = tpu.memref_slice %arg6[%arg0, %dma_start3A_88, %dma_start3A_89] : memref<2x10000x128xf32, #tpu.memory_space<hbm>> -> memref<1x10000x128xf32, #tpu.memory_space<hbm>>
        %dma_start3A_91 = tpu.memref_squeeze %dma_start3A_90 : memref<1x10000x128xf32, #tpu.memory_space<hbm>> -> memref<10000x128xf32, #tpu.memory_space<hbm>>
        %dma_start3A_92 = arith.constant 9600 : i32
        %dma_start3A_93 = arith.constant 0 : i32
        %dma_start3A_94 = tpu.memref_slice %dma_start3A_91[%dma_start3A_92, %dma_start3A_93] : memref<10000x128xf32, #tpu.memory_space<hbm>> -> memref<400x128xf32, #tpu.memory_space<hbm>>
        %dma_start3A_95 = arith.constant 9600 : i32
        %dma_start3A_96 = arith.constant 0 : i32
        %dma_start3A_97 = tpu.memref_slice %arg14[%dma_start3A_95, %dma_start3A_96] : memref<10000x128xf32, #tpu.memory_space<vmem_shared>> -> memref<400x128xf32, #tpu.memory_space<vmem_shared>>
        tpu.enqueue_dma source(%dma_start3A_97 : memref<400x128xf32, #tpu.memory_space<vmem_shared>>) target(%dma_start3A_94 : memref<400x128xf32, #tpu.memory_space<hbm>>) target_semaphore(%run_scoped3A : memref<!tpu.dma_semaphore, #tpu.memory_space<semaphore_mem>>)
        %dma_wait3A_98 = arith.constant 0 : i32
        %dma_wait3A_99 = arith.constant 0 : i32
        %dma_wait3A_100 = tpu.memref_slice %arg6[%arg0, %dma_wait3A_98, %dma_wait3A_99] : memref<2x10000x128xf32, #tpu.memory_space<hbm>> -> memref<1x10000x128xf32, #tpu.memory_space<hbm>>
        %dma_wait3A_101 = tpu.memref_squeeze %dma_wait3A_100 : memref<1x10000x128xf32, #tpu.memory_space<hbm>> -> memref<10000x128xf32, #tpu.memory_space<hbm>>
        %dma_wait3A_102 = arith.constant 9600 : i32
        %dma_wait3A_103 = arith.constant 0 : i32
        %dma_wait3A_104 = tpu.memref_slice %dma_wait3A_101[%dma_wait3A_102, %dma_wait3A_103] : memref<10000x128xf32, #tpu.memory_space<hbm>> -> memref<400x128xf32, #tpu.memory_space<hbm>>
        %dma_wait3A_105 = arith.constant 9600 : i32
        %dma_wait3A_106 = arith.constant 0 : i32
        %dma_wait3A_107 = tpu.memref_slice %arg14[%dma_wait3A_105, %dma_wait3A_106] : memref<10000x128xf32, #tpu.memory_space<vmem_shared>> -> memref<400x128xf32, #tpu.memory_space<vmem_shared>>
        tpu.wait_dma2 semaphore(%run_scoped3A : memref<!tpu.dma_semaphore, #tpu.memory_space<semaphore_mem>>) src(%dma_wait3A_107 : memref<400x128xf32, #tpu.memory_space<vmem_shared>>) dst(%dma_wait3A_104 : memref<400x128xf32, #tpu.memory_space<hbm>>)
        tpu.yield
      }) : () -> ()
    } else {
    }
    return
  }
}

module attributes {stable_mosaic.version = 14 : i64} {
  func.func @_pre_body(%arg0: i32, %arg1: memref<2x1000x128xf32, #tpu.memory_space<vmem>>, %arg2: memref<1000x128xf32, #tpu.memory_space<vmem>>, %arg3: memref<1000x128xf32, #tpu.memory_space<vmem>>, %arg4: memref<1000x1xf32, #tpu.memory_space<vmem>>, %arg5: memref<2x1000x128xf32, #tpu.memory_space<vmem>>) attributes {dimension_semantics = [#tpu.dimension_semantics<arbitrary>], iteration_bounds = array<i64: 10>, scalar_prefetch = 0 : i64, scratch_operands = 0 : i64, tpu.core_type = #tpu.core_type<tc>, window_params = [{transform_indices = @transform_0, window_bounds = array<i64: 2, 1000, 128>}, {transform_indices = @transform_1, window_bounds = array<i64: 1000, 128>}, {transform_indices = @transform_2, window_bounds = array<i64: 1000, 128>}, {transform_indices = @transform_3, window_bounds = array<i64: 1000, 1>}, {transform_indices = @transform_4, window_bounds = array<i64: 2, 1000, 128>}]} {
    %get3A = arith.constant 0 : index
    %get3A_0 = arith.constant 0 : index
    %get3A_1 = arith.constant 0 : index
    %get3A_2 = vector.load %arg1[%get3A, %get3A_0, %get3A_1] : memref<2x1000x128xf32, #tpu.memory_space<vmem>>, vector<1x1000x1xf32>
    %get3A_3 = vector.shape_cast %get3A_2 : vector<1x1000x1xf32> to vector<1000x1xf32>
    %get3A_4 = arith.constant 1 : index
    %get3A_5 = arith.constant 0 : index
    %get3A_6 = arith.constant 0 : index
    %get3A_7 = vector.load %arg1[%get3A_4, %get3A_5, %get3A_6] : memref<2x1000x128xf32, #tpu.memory_space<vmem>>, vector<1x1000x1xf32>
    %get3A_8 = vector.shape_cast %get3A_7 : vector<1x1000x1xf32> to vector<1000x1xf32>
    %add3A = arith.addf %get3A_3, %get3A_8 : vector<1000x1xf32>
    %max3A = arith.constant 1.000000e+00 : f32
    %max3A_9 = vector.broadcast %max3A : f32 to vector<1000x1xf32>
    %max3A_10 = arith.maximumf %add3A, %max3A_9 : vector<1000x1xf32>
    %rsqrt3A = math.rsqrt %max3A_10 : vector<1000x1xf32>
    %swap3A = arith.constant 0 : index
    %swap3A_11 = arith.constant 0 : index
    %swap3A_12 = vector.load %arg4[%swap3A, %swap3A_11] : memref<1000x1xf32, #tpu.memory_space<vmem>>, vector<1000x1xf32>
    tpu.vector_store %arg4[%swap3A, %swap3A_11], %rsqrt3A {strides = array<i32>} : memref<1000x1xf32, #tpu.memory_space<vmem>>, vector<1000x1xf32>,
    %get3A_13 = arith.constant 0 : index
    %get3A_14 = arith.constant 0 : index
    %get3A_15 = vector.load %arg2[%get3A_13, %get3A_14] : memref<1000x128xf32, #tpu.memory_space<vmem>>, vector<1000x128xf32>
    %mul3A = vector.broadcast %rsqrt3A : vector<1000x1xf32> to vector<1000x128xf32>
    %mul3A_16 = arith.mulf %get3A_15, %mul3A : vector<1000x128xf32>
    %swap3A_17 = arith.constant 0 : index
    %swap3A_18 = arith.constant 0 : index
    %swap3A_19 = arith.constant 0 : index
    %swap3A_20 = vector.load %arg5[%swap3A_17, %swap3A_18, %swap3A_19] : memref<2x1000x128xf32, #tpu.memory_space<vmem>>, vector<1x1000x128xf32>
    %swap3A_21 = vector.shape_cast %swap3A_20 : vector<1x1000x128xf32> to vector<1000x128xf32>
    %swap3A_22 = vector.shape_cast %mul3A_16 : vector<1000x128xf32> to vector<1x1000x128xf32>
    tpu.vector_store %arg5[%swap3A_17, %swap3A_18, %swap3A_19], %swap3A_22 {strides = array<i32>} : memref<2x1000x128xf32, #tpu.memory_space<vmem>>, vector<1x1000x128xf32>,
    %get3A_23 = arith.constant 0 : index
    %get3A_24 = arith.constant 0 : index
    %get3A_25 = vector.load %arg3[%get3A_23, %get3A_24] : memref<1000x128xf32, #tpu.memory_space<vmem>>, vector<1000x128xf32>
    %mul3A_26 = vector.broadcast %rsqrt3A : vector<1000x1xf32> to vector<1000x128xf32>
    %mul3A_27 = arith.mulf %get3A_25, %mul3A_26 : vector<1000x128xf32>
    %swap3A_28 = arith.constant 1 : index
    %swap3A_29 = arith.constant 0 : index
    %swap3A_30 = arith.constant 0 : index
    %swap3A_31 = vector.load %arg5[%swap3A_28, %swap3A_29, %swap3A_30] : memref<2x1000x128xf32, #tpu.memory_space<vmem>>, vector<1x1000x128xf32>
    %swap3A_32 = vector.shape_cast %swap3A_31 : vector<1x1000x128xf32> to vector<1000x128xf32>
    %swap3A_33 = vector.shape_cast %mul3A_27 : vector<1000x128xf32> to vector<1x1000x128xf32>
    tpu.vector_store %arg5[%swap3A_28, %swap3A_29, %swap3A_30], %swap3A_33 {strides = array<i32>} : memref<2x1000x128xf32, #tpu.memory_space<vmem>>, vector<1x1000x128xf32>,
    return
  }
  func.func @transform_0(%arg0: i32) -> (i32, i32, i32) {
    %c0_i32 = arith.constant 0 : i32
    %c0_i32_0 = arith.constant 0 : i32
    %c0_i32_1 = arith.constant 0 : i32
    return %c0_i32, %arg0, %c0_i32_0 : i32, i32, i32
  }
  func.func @transform_1(%arg0: i32) -> (i32, i32) {
    %c0_i32 = arith.constant 0 : i32
    %c0_i32_0 = arith.constant 0 : i32
    return %arg0, %c0_i32 : i32, i32
  }
  func.func @transform_2(%arg0: i32) -> (i32, i32) {
    %c0_i32 = arith.constant 0 : i32
    %c0_i32_0 = arith.constant 0 : i32
    return %arg0, %c0_i32 : i32, i32
  }
  func.func @transform_3(%arg0: i32) -> (i32, i32) {
    %c0_i32 = arith.constant 0 : i32
    %c0_i32_0 = arith.constant 0 : i32
    return %arg0, %c0_i32 : i32, i32
  }
  func.func @transform_4(%arg0: i32) -> (i32, i32, i32) {
    %c0_i32 = arith.constant 0 : i32
    %c0_i32_0 = arith.constant 0 : i32
    %c0_i32_1 = arith.constant 0 : i32
    return %c0_i32, %arg0, %c0_i32_0 : i32, i32, i32
  }
}

module attributes {stable_mosaic.version = 14 : i64} {
  func.func @_post_body(%arg0: i32, %arg1: memref<2x1000x128xf32, #tpu.memory_space<vmem>>, %arg2: memref<1000x1xf32, #tpu.memory_space<vmem>>, %arg3: memref<1000x128xf32, #tpu.memory_space<vmem>>, %arg4: memref<1000x128xf32, #tpu.memory_space<vmem>>, %arg5: memref<128x384xf32, #tpu.memory_space<vmem>>, %arg6: memref<128x384xf32, #tpu.memory_space<vmem>>, %arg7: memref<128x384xf32, #tpu.memory_space<vmem>>, %arg8: memref<128x384xf32, #tpu.memory_space<vmem>>, %arg9: memref<1x384xf32, #tpu.memory_space<vmem>>, %arg10: memref<1x384xf32, #tpu.memory_space<vmem>>, %arg11: memref<1000x128xf32, #tpu.memory_space<vmem>>) attributes {dimension_semantics = [#tpu.dimension_semantics<arbitrary>], iteration_bounds = array<i64: 10>, scalar_prefetch = 0 : i64, scratch_operands = 0 : i64, tpu.core_type = #tpu.core_type<tc>, window_params = [{transform_indices = @transform_0, window_bounds = array<i64: 2, 1000, 128>}, {transform_indices = @transform_1, window_bounds = array<i64: 1000, 1>}, {transform_indices = @transform_2, window_bounds = array<i64: 1000, 128>}, {transform_indices = @transform_3, window_bounds = array<i64: 1000, 128>}, {pipeline_mode = #tpu.pipeline_mode<synchronous>, transform_indices = @transform_4, window_bounds = array<i64: 128, 384>}, {pipeline_mode = #tpu.pipeline_mode<synchronous>, transform_indices = @transform_5, window_bounds = array<i64: 128, 384>}, {pipeline_mode = #tpu.pipeline_mode<synchronous>, transform_indices = @transform_6, window_bounds = array<i64: 128, 384>}, {pipeline_mode = #tpu.pipeline_mode<synchronous>, transform_indices = @transform_7, window_bounds = array<i64: 128, 384>}, {pipeline_mode = #tpu.pipeline_mode<synchronous>, transform_indices = @transform_8, window_bounds = array<i64: 1, 384>}, {pipeline_mode = #tpu.pipeline_mode<synchronous>, transform_indices = @transform_9, window_bounds = array<i64: 1, 384>}, {transform_indices = @transform_10, window_bounds = array<i64: 1000, 128>}]} {
    %get3A = arith.constant 0 : index
    %get3A_0 = arith.constant 0 : index
    %get3A_1 = vector.load %arg2[%get3A, %get3A_0] : memref<1000x1xf32, #tpu.memory_space<vmem>>, vector<1000x1xf32>
    %get3A_2 = arith.constant 0 : index
    %get3A_3 = arith.constant 0 : index
    %get3A_4 = arith.constant 0 : index
    %get3A_5 = vector.load %arg1[%get3A_2, %get3A_3, %get3A_4] : memref<2x1000x128xf32, #tpu.memory_space<vmem>>, vector<1x1000x128xf32>
    %get3A_6 = vector.shape_cast %get3A_5 : vector<1x1000x128xf32> to vector<1000x128xf32>
    %neg3A = arith.constant 0.000000e+00 : f32
    %neg3A_7 = vector.broadcast %neg3A : f32 to vector<1000x1xf32>
    %neg3A_8 = arith.subf %neg3A_7, %get3A_1 : vector<1000x1xf32>
    %mul3A = vector.broadcast %neg3A_8 : vector<1000x1xf32> to vector<1000x128xf32>
    %mul3A_9 = arith.mulf %get3A_6, %mul3A : vector<1000x128xf32>
    %get3A_10 = arith.constant 1 : index
    %get3A_11 = arith.constant 0 : index
    %get3A_12 = arith.constant 0 : index
    %get3A_13 = vector.load %arg1[%get3A_10, %get3A_11, %get3A_12] : memref<2x1000x128xf32, #tpu.memory_space<vmem>>, vector<1x1000x128xf32>
    %get3A_14 = vector.shape_cast %get3A_13 : vector<1x1000x128xf32> to vector<1000x128xf32>
    %neg3A_15 = arith.constant 0.000000e+00 : f32
    %neg3A_16 = vector.broadcast %neg3A_15 : f32 to vector<1000x1xf32>
    %neg3A_17 = arith.subf %neg3A_16, %get3A_1 : vector<1000x1xf32>
    %mul3A_18 = vector.broadcast %neg3A_17 : vector<1000x1xf32> to vector<1000x128xf32>
    %mul3A_19 = arith.mulf %get3A_14, %mul3A_18 : vector<1000x128xf32>
    %get3A_20 = arith.constant 0 : index
    %get3A_21 = arith.constant 0 : index
    %get3A_22 = vector.load %arg3[%get3A_20, %get3A_21] : memref<1000x128xf32, #tpu.memory_space<vmem>>, vector<1000x128xf32>
    %get3A_23 = arith.constant 0 : index
    %get3A_24 = arith.constant 0 : index
    %get3A_25 = vector.load %arg4[%get3A_23, %get3A_24] : memref<1000x128xf32, #tpu.memory_space<vmem>>, vector<1000x128xf32>
    %get3A_26 = arith.constant 0 : index
    %get3A_27 = arith.constant 0 : index
    %get3A_28 = vector.load %arg5[%get3A_26, %get3A_27] : memref<128x384xf32, #tpu.memory_space<vmem>>, vector<128x384xf32>
    %dot_general3A = arith.constant dense<0.000000e+00> : vector<1000x384xf32>
    %dot_general3A_29 = tpu.matmul %get3A_22, %get3A_28, %dot_general3A {dimension_numbers = #tpu.dot_dimension_numbers<[1], [0], [0], [1], [0, 0, 1, 1], [], []>, transpose_lhs_hint = false} : vector<1000x128xf32>, vector<128x384xf32>, vector<1000x384xf32> -> vector<1000x384xf32>
    %get3A_30 = arith.constant 0 : index
    %get3A_31 = arith.constant 0 : index
    %get3A_32 = vector.load %arg6[%get3A_30, %get3A_31] : memref<128x384xf32, #tpu.memory_space<vmem>>, vector<128x384xf32>
    %dot_general3A_33 = arith.constant dense<0.000000e+00> : vector<1000x384xf32>
    %dot_general3A_34 = tpu.matmul %mul3A_9, %get3A_32, %dot_general3A_33 {dimension_numbers = #tpu.dot_dimension_numbers<[1], [0], [0], [1], [0, 0, 1, 1], [], []>, transpose_lhs_hint = false} : vector<1000x128xf32>, vector<128x384xf32>, vector<1000x384xf32> -> vector<1000x384xf32>
    %add3A = arith.addf %dot_general3A_29, %dot_general3A_34 : vector<1000x384xf32>
    %get3A_35 = arith.constant 0 : index
    %get3A_36 = arith.constant 0 : index
    %get3A_37 = vector.load %arg9[%get3A_35, %get3A_36] : memref<1x384xf32, #tpu.memory_space<vmem>>, vector<1x384xf32>
    %add3A_38 = vector.broadcast %get3A_37 : vector<1x384xf32> to vector<1000x384xf32>
    %add3A_39 = arith.addf %add3A, %add3A_38 : vector<1000x384xf32>
    %get3A_40 = arith.constant 0 : index
    %get3A_41 = arith.constant 0 : index
    %get3A_42 = vector.load %arg7[%get3A_40, %get3A_41] : memref<128x384xf32, #tpu.memory_space<vmem>>, vector<128x384xf32>
    %dot_general3A_43 = arith.constant dense<0.000000e+00> : vector<1000x384xf32>
    %dot_general3A_44 = tpu.matmul %get3A_25, %get3A_42, %dot_general3A_43 {dimension_numbers = #tpu.dot_dimension_numbers<[1], [0], [0], [1], [0, 0, 1, 1], [], []>, transpose_lhs_hint = false} : vector<1000x128xf32>, vector<128x384xf32>, vector<1000x384xf32> -> vector<1000x384xf32>
    %get3A_45 = arith.constant 0 : index
    %get3A_46 = arith.constant 0 : index
    %get3A_47 = vector.load %arg8[%get3A_45, %get3A_46] : memref<128x384xf32, #tpu.memory_space<vmem>>, vector<128x384xf32>
    %dot_general3A_48 = arith.constant dense<0.000000e+00> : vector<1000x384xf32>
    %dot_general3A_49 = tpu.matmul %mul3A_19, %get3A_47, %dot_general3A_48 {dimension_numbers = #tpu.dot_dimension_numbers<[1], [0], [0], [1], [0, 0, 1, 1], [], []>, transpose_lhs_hint = false} : vector<1000x128xf32>, vector<128x384xf32>, vector<1000x384xf32> -> vector<1000x384xf32>
    %add3A_50 = arith.addf %dot_general3A_44, %dot_general3A_49 : vector<1000x384xf32>
    %get3A_51 = arith.constant 0 : index
    %get3A_52 = arith.constant 0 : index
    %get3A_53 = vector.load %arg10[%get3A_51, %get3A_52] : memref<1x384xf32, #tpu.memory_space<vmem>>, vector<1x384xf32>
    %add3A_54 = vector.broadcast %get3A_53 : vector<1x384xf32> to vector<1000x384xf32>
    %add3A_55 = arith.addf %add3A_50, %add3A_54 : vector<1000x384xf32>
    %slice3A = vector.extract_strided_slice %add3A_39 {offsets = [0, 0], sizes = [1000, 128], strides = [1, 1]} : vector<1000x384xf32> to vector<1000x128xf32>
    %slice3A_56 = vector.extract_strided_slice %add3A_55 {offsets = [0, 0], sizes = [1000, 128], strides = [1, 1]} : vector<1000x384xf32> to vector<1000x128xf32>
    %add3A_57 = arith.addf %slice3A, %slice3A_56 : vector<1000x128xf32>
    %logistic3A = arith.negf %add3A_57 : vector<1000x128xf32>
    %logistic3A_58 = math.exp %logistic3A : vector<1000x128xf32>
    %logistic3A_59 = arith.constant 1.000000e+00 : f32
    %logistic3A_60 = vector.broadcast %logistic3A_59 : f32 to vector<1000x128xf32>
    %logistic3A_61 = arith.addf %logistic3A_60, %logistic3A_58 : vector<1000x128xf32>
    %logistic3A_62 = arith.divf %logistic3A_60, %logistic3A_61 : vector<1000x128xf32>
    %slice3A_63 = vector.extract_strided_slice %add3A_39 {offsets = [0, 128], sizes = [1000, 128], strides = [1, 1]} : vector<1000x384xf32> to vector<1000x128xf32>
    %slice3A_64 = vector.extract_strided_slice %add3A_55 {offsets = [0, 128], sizes = [1000, 128], strides = [1, 1]} : vector<1000x384xf32> to vector<1000x128xf32>
    %add3A_65 = arith.addf %slice3A_63, %slice3A_64 : vector<1000x128xf32>
    %logistic3A_66 = arith.negf %add3A_65 : vector<1000x128xf32>
    %logistic3A_67 = math.exp %logistic3A_66 : vector<1000x128xf32>
    %logistic3A_68 = arith.constant 1.000000e+00 : f32
    %logistic3A_69 = vector.broadcast %logistic3A_68 : f32 to vector<1000x128xf32>
    %logistic3A_70 = arith.addf %logistic3A_69, %logistic3A_67 : vector<1000x128xf32>
    %logistic3A_71 = arith.divf %logistic3A_69, %logistic3A_70 : vector<1000x128xf32>
    %slice3A_72 = vector.extract_strided_slice %add3A_39 {offsets = [0, 256], sizes = [1000, 128], strides = [1, 1]} : vector<1000x384xf32> to vector<1000x128xf32>
    %slice3A_73 = vector.extract_strided_slice %add3A_55 {offsets = [0, 256], sizes = [1000, 128], strides = [1, 1]} : vector<1000x384xf32> to vector<1000x128xf32>
    %mul3A_74 = arith.mulf %slice3A_73, %logistic3A_62 : vector<1000x128xf32>
    %add3A_75 = arith.addf %slice3A_72, %mul3A_74 : vector<1000x128xf32>
    %logistic3A_76 = arith.negf %add3A_75 : vector<1000x128xf32>
    %logistic3A_77 = math.exp %logistic3A_76 : vector<1000x128xf32>
    %logistic3A_78 = arith.constant 1.000000e+00 : f32
    %logistic3A_79 = vector.broadcast %logistic3A_78 : f32 to vector<1000x128xf32>
    %logistic3A_80 = arith.addf %logistic3A_79, %logistic3A_77 : vector<1000x128xf32>
    %logistic3A_81 = arith.divf %logistic3A_79, %logistic3A_80 : vector<1000x128xf32>
    %mul3A_82 = arith.mulf %logistic3A_71, %get3A_25 : vector<1000x128xf32>
    %sub3A = arith.constant 1.000000e+00 : f32
    %sub3A_83 = vector.broadcast %sub3A : f32 to vector<1000x128xf32>
    %sub3A_84 = arith.subf %sub3A_83, %logistic3A_71 : vector<1000x128xf32>
    %mul3A_85 = arith.mulf %sub3A_84, %logistic3A_81 : vector<1000x128xf32>
    %add3A_86 = arith.addf %mul3A_82, %mul3A_85 : vector<1000x128xf32>
    %swap3A = arith.constant 0 : index
    %swap3A_87 = arith.constant 0 : index
    %swap3A_88 = vector.load %arg11[%swap3A, %swap3A_87] : memref<1000x128xf32, #tpu.memory_space<vmem>>, vector<1000x128xf32>
    tpu.vector_store %arg11[%swap3A, %swap3A_87], %add3A_86 {strides = array<i32>} : memref<1000x128xf32, #tpu.memory_space<vmem>>, vector<1000x128xf32>,
    return
  }
  func.func @transform_0(%arg0: i32) -> (i32, i32, i32) {
    %c0_i32 = arith.constant 0 : i32
    %c0_i32_0 = arith.constant 0 : i32
    %c0_i32_1 = arith.constant 0 : i32
    return %c0_i32, %arg0, %c0_i32_0 : i32, i32, i32
  }
  func.func @transform_1(%arg0: i32) -> (i32, i32) {
    %c0_i32 = arith.constant 0 : i32
    %c0_i32_0 = arith.constant 0 : i32
    return %arg0, %c0_i32 : i32, i32
  }
  func.func @transform_2(%arg0: i32) -> (i32, i32) {
    %c0_i32 = arith.constant 0 : i32
    %c0_i32_0 = arith.constant 0 : i32
    return %arg0, %c0_i32 : i32, i32
  }
  func.func @transform_3(%arg0: i32) -> (i32, i32) {
    %c0_i32 = arith.constant 0 : i32
    %c0_i32_0 = arith.constant 0 : i32
    return %arg0, %c0_i32 : i32, i32
  }
  func.func @transform_4(%arg0: i32) -> (i32, i32) {
    %c0_i32 = arith.constant 0 : i32
    %c0_i32_0 = arith.constant 0 : i32
    %c0_i32_1 = arith.constant 0 : i32
    return %c0_i32, %c0_i32_0 : i32, i32
  }
  func.func @transform_5(%arg0: i32) -> (i32, i32) {
    %c0_i32 = arith.constant 0 : i32
    %c0_i32_0 = arith.constant 0 : i32
    %c0_i32_1 = arith.constant 0 : i32
    return %c0_i32, %c0_i32_0 : i32, i32
  }
  func.func @transform_6(%arg0: i32) -> (i32, i32) {
    %c0_i32 = arith.constant 0 : i32
    %c0_i32_0 = arith.constant 0 : i32
    %c0_i32_1 = arith.constant 0 : i32
    return %c0_i32, %c0_i32_0 : i32, i32
  }
  func.func @transform_7(%arg0: i32) -> (i32, i32) {
    %c0_i32 = arith.constant 0 : i32
    %c0_i32_0 = arith.constant 0 : i32
    %c0_i32_1 = arith.constant 0 : i32
    return %c0_i32, %c0_i32_0 : i32, i32
  }
  func.func @transform_8(%arg0: i32) -> (i32, i32) {
    %c0_i32 = arith.constant 0 : i32
    %c0_i32_0 = arith.constant 0 : i32
    %c0_i32_1 = arith.constant 0 : i32
    return %c0_i32, %c0_i32_0 : i32, i32
  }
  func.func @transform_9(%arg0: i32) -> (i32, i32) {
    %c0_i32 = arith.constant 0 : i32
    %c0_i32_0 = arith.constant 0 : i32
    %c0_i32_1 = arith.constant 0 : i32
    return %c0_i32, %c0_i32_0 : i32, i32
  }
  func.func @transform_10(%arg0: i32) -> (i32, i32) {
    %c0_i32 = arith.constant 0 : i32
    %c0_i32_0 = arith.constant 0 : i32
    return %arg0, %c0_i32 : i32, i32
  }
}

</mosaic_0001>

<sc_bundles>
// kernel: kernel.6.cloned.1.call-start
scs
__scs_entry_jumppad:
0x0: {  	(pc) =	sbr.rel $0x88, $3  }
0x1: {  	(tag) =	ssettag $0x0;
	lr =	simm.s32 $0x1  }
0x2: {  	[smem:$0x3F8C] =	sst lr;
	_ =	strace $0xD0000000  }
0x3: {  	_ = 	snop  }
0x4: {  	_ = 	snop  }
0x5: {  	_ = 	snop  }
0x6: {  	_ = 	snop  }
0x7: {  	_ = 	snop  }
__scs_overlays_trampoline_lowered:
0x8: {  	[smem:$0x3F9B] =	sst s0  }
0x9: {  	[smem:$0x3F9C] =	sst s1  }
0xa: {  	[smem:$0x3F9D] =	sst s2  }
0xb: {  	[smem:$0x3F9E] =	sst s3  }
0xc: {  	[smem:$0x3F9F] =	sst s4  }
0xd: {  	[smem:$0x3FA0] =	sst s5  }
0xe: {  	[smem:$0x3FA1] =	sst s6  }
0xf: {  	[smem:$0x3FA2] =	sst s7  }
0x10: {  	[smem:$0x3FA3] =	sst s8  }
0x11: {  	[smem:$0x3FA4] =	sst s9;
	s0 =	simm.s32 @!p0 $0x0  }
0x12: {  	s1 =	sld [smem:$0x3F8A];
	s0 =	simm.s32 @p0 $0x1  }
0x13: {  	[smem:$0x3FA5] =	sst s0;
	s0 =	simm.s32 @!p1 $0x0  }
0x14: {  	s2 =	sld [smem:$0x3F89];
	s0 =	simm.s32 @p1 $0x1  }
0x15: {  	[smem:$0x3FA6] =	sst s0;
	s0 =	simm.s32 @!p2 $0x0  }
0x16: {  	s3 =	sld [smem:$0x3FDB];
	s0 =	simm.s32 @p2 $0x1  }
0x17: {  	s4 =	simm.s32 $0x1BF5;
	[smem:$0x3FA8] =	sst s0  }
0x18: {  	s0 =	sld [smem:$0x3F8B];
	_ =	swait.ge [sflag:s4], $0x0  }
0x19: {  	s7 =	sld [smem:$0x3F8C]  }
0x1a: {  	s8 =	sadd.s32 $0xFFFFE003, lr  }
0x1b: {  	s9 =	sadd.s32 $0xFFFFFEF7, lr;
	s5 =	simm.s32 $0xFFFFFFFF;
	p2 =	slt.u32 s8, $0xFFFFF086  }
0x1c: {  	p1 =	slt.u32 s9, $0xF7A;
	s5 =	simm.s32 @!p2 $0x0  }
0x1d: {  	s5 =	simm.s32 @p1 $0x1;
	p0 =	seq.s32 s7, s2  }
0x1e: {  	s7 =	smul.u32 @!p0 $0xF7A, s2;
	p2 =	seq.s32 @!p0 s5, $0x0  }
0x1f: {  	s9 =	smul.u32 $0xF7A, s1;
	s8 =	simm.s32 @!p0 $0x1BF5;
	p2 =	por !p2, p0  }
0x20: {  	[sflag:s8] =	ssyncset.s32 @!p0 $0xFFFFF086;
	s6 =	sadd.s32 @!p0 s3, s7;
	s7 =	simm.s32 @!p0 $0x108  }
0x21: {  	s3 =	sadd.s32 s3, s9;
	s6 =	sadd.s32 @!p0 $0x88, s6;
	s7 =	simm.s32 @p2 $0x1082  }
0x22: {  	[simem:s7], [sflag:s8] =	dma.local @!p0 [hbm:s6], $0xF7A  }
0x23: {  	s9 =	sor.u32 $0xD0000000, s2;
	s6 =	simm.s32 $0x108;
	_ =	swait.ge @!p0 [sflag:s8], $0x0  }
0x24: {  	s3 =	sadd.s32 $0x88, s3;
	s6 =	simm.s32 @!p1 $0x1082;
	[sflag:s4] =	ssyncset.s32 $0xFFFFF086  }
0x25: {  	[simem:s6], [sflag:s4] =	dma.local [hbm:s3], $0xF7A  }
0x26: {  	[smem:$0x3F8C] =	sst s1;
	(tag) =	ssettag s2;
	_ =	strace s9  }
0x27: {  	s1 =	sld [smem:$0x3F9C]  }
0x28: {  	s2 =	sld [smem:$0x3F9D]  }
0x29: {  	s4 =	sld [smem:$0x3F9F]  }
0x2a: {  	p0 =	seq.s32 s5, $0x0;
	s5 =	sld [smem:$0x3FA0]  }
0x2b: {  	s6 =	sld [smem:$0x3FA1]  }
0x2c: {  	s7 =	sld [smem:$0x3FA2]  }
0x2d: {  	s3 =	simm.s32 $0x108;
	s8 =	sld [smem:$0x3FA3]  }
0x2e: {  	s3 =	simm.s32 @!p0 $0x1082;
	s9 =	sld [smem:$0x3FA4]  }
0x2f: {  	lr =	sadd.s32 s0, s3;
	s0 =	sld [smem:$0x3F9B]  }
0x30: {  	s3 =	sld [smem:$0x3F9E]  }
0x31: {  	[smem:$0x3FA7] =	sst s10  }
0x32: {  	s10 =	sld [smem:$0x3FA5];
	_ =	sdelay $0x3  }
0x33: {  	p0 =	seq.s32 s10, $0x1;
	s10 =	sld [smem:$0x3FA7];
	_ =	sdelay $0x3  }
0x34: {  	[smem:$0x3FA7] =	sst s10  }
0x35: {  	s10 =	sld [smem:$0x3FA6];
	_ =	sdelay $0x3  }
0x36: {  	p1 =	seq.s32 s10, $0x1;
	s10 =	sld [smem:$0x3FA7];
	_ =	sdelay $0x3  }
0x37: {  	[smem:$0x3FA7] =	sst s10  }
0x38: {  	s10 =	sld [smem:$0x3FA8]  }
0x39: {  	_ = 	snop;
	(pc) =	sbr.ind lr, $3  }
0x3a: {  	_ = 	snop  }
0x3b: {  	_ = 	snop  }
0x3c: {  	p2 =	seq.s32 s10, $0x1;
	s10 =	sld [smem:$0x3FA7]  }
0x3d: {  	_ =	shalt  }
0x3e: {  	_ =	shalt  }
0x3f: {  	_ =	shalt  }
0x40: {  	_ =	shalt  }
0x41: {  	_ =	shalt  }
0x42: {  	_ =	shalt  }
0x43: {  	_ =	shalt  }
0x44: {  	_ =	shalt  }
0x45: {  	_ =	shalt  }
0x46: {  	_ =	shalt  }
0x47: {  	_ =	shalt  }
0x48: {  	_ =	shalt  }
0x49: {  	_ =	shalt  }
0x4a: {  	_ =	shalt  }
0x4b: {  	_ =	shalt  }
0x4c: {  	_ =	shalt  }
0x4d: {  	_ =	shalt  }
0x4e: {  	_ =	shalt  }
0x4f: {  	_ =	shalt  }
0x50: {  	_ =	shalt  }
0x51: {  	_ =	shalt  }
0x52: {  	_ =	shalt  }
0x53: {  	_ =	shalt  }
0x54: {  	_ =	shalt  }
0x55: {  	_ =	shalt  }
0x56: {  	_ =	shalt  }
0x57: {  	_ =	shalt  }
0x58: {  	_ =	shalt  }
0x59: {  	_ =	shalt  }
0x5a: {  	_ =	shalt  }
0x5b: {  	_ =	shalt  }
0x5c: {  	_ =	shalt  }
0x5d: {  	_ =	shalt  }
0x5e: {  	_ =	shalt  }
0x5f: {  	_ =	shalt  }
0x60: {  	_ =	shalt  }
0x61: {  	_ =	shalt  }
0x62: {  	_ =	shalt  }
0x63: {  	_ =	shalt  }
0x64: {  	_ =	shalt  }
0x65: {  	_ =	shalt  }
0x66: {  	_ =	shalt  }
0x67: {  	_ =	shalt  }
0x68: {  	_ =	shalt  }
0x69: {  	_ =	shalt  }
0x6a: {  	_ =	shalt  }
0x6b: {  	_ =	shalt  }
0x6c: {  	_ =	shalt  }
0x6d: {  	_ =	shalt  }
0x6e: {  	_ =	shalt  }
0x6f: {  	_ =	shalt  }
0x70: {  	_ =	shalt  }
0x71: {  	_ =	shalt  }
0x72: {  	_ =	shalt  }
0x73: {  	_ =	shalt  }
0x74: {  	_ =	shalt  }
0x75: {  	_ =	shalt  }
0x76: {  	_ =	shalt  }
0x77: {  	_ =	shalt  }
0x78: {  	_ =	shalt  }
0x79: {  	_ =	shalt  }
0x7a: {  	_ =	shalt  }
0x7b: {  	_ =	shalt  }
0x7c: {  	_ =	shalt  }
0x7d: {  	_ =	shalt  }
0x7e: {  	_ =	shalt  }
0x7f: {  	_ =	shalt  }
0x80: {  	_ =	shalt  }
0x81: {  	_ =	shalt  }
0x82: {  	_ =	shalt  }
0x83: {  	_ =	shalt  }
0x84: {  	_ =	shalt  }
0x85: {  	_ =	shalt  }
0x86: {  	_ =	shalt  }
0x87: {  	_ =	shalt  }
.Lfunc_end0:
.L_simem_size_0:
called_computation_lowered:
.L_overlay_start_0:
0x88: {  	s2 =	sld [smem:$0x3FD9]  }
0x89: {  	s3 =	sld [smem:$0x3FFE];
	_ =	sdelay $0x1  }
0x8a: {  	s1 =	srdreg.scid  }
0x8b: {  	s0 =	sand.u32 $0x1, s1  }
0x8c: {  	s17 =	sshll.u32 s0, $0xA;
	s2 =	sadd.s32 s3, s2  }
0x8d: {  	s2 =	sadd.s32 s2, s17  }
0x8e: {  	[smem:$0x3FB3] =	sst s2  }
0x8f: {  	_ = 	snop  }
0x90: {  	s2 =	sld [smem:$0x3FD0];
	(tm) =	ssettm $0x1  }
0x91: {  	s18 =	sld [smem:$0x3FFB];
	_ =	sdelay $0x3  }
0x92: {  	_ =	strace s18  }
0x93: {  	s3 =	sld [smem:$0x3FFC];
	_ =	sdelay $0x3  }
0x94: {  	_ =	strace s3  }
0x95: {  	s3 =	sld [smem:$0x3FFD];
	_ =	sdelay $0x3  }
0x96: {  	_ =	strace s3  }
0x97: {  	_ =	strace $0x8FFFFFFF  }
0x98: {  	s19 =	sld [smem:$0x3FDB];
	_ =	sdelay $0x1  }
0x99: {  	s4 =	simm.s32 $_scs_section_size  }
0x9a: {  	s5 =	simm.s32 $_size__tile_overlayer_lowered;
	s6 =	simm.s32 $_tile_overlayer_lowered  }
0x9b: {  	s22 =	simm.s32 $0x1BFF;
	s21 =	sshll.u32 s6, $0x1;
	s3 =	sadd.s32 s4, s19  }
0x9c: {  	s7 =	simm.s32 $0x0;
	s20 =	sshll.u32 s5, $0x1;
	s5 =	sadd.s32 s21, s3  }
0x9d: {  	[timem:s7], [sflag:s22] =	dma.local [hbm:s5], s20  }
0x9e: {  	_ =	swait.ge [sflag:s22], s20  }
0x9f: {  	s4 =	ssub.s32 $0x0, s20;
	[sflag:s22] =	ssyncset.done $0x0  }
0xa0: {  	[sflag:s22] =	ssyncadd.s32 s4;
	_ =	sdelay $0x1  }
0xa1: {  	s23 =	simm.s32 $0x1B8B  }
0xa2: {  	_ =	swait.ge [sflag:s23], $0x1  }
0xa3: {  	[sflag:s23] =	ssyncset.done $0x0  }
0xa4: {  	s25 =	simm.s32 $0x1B8E;
	s24 =	sld [smem:$0x3FFE];
	[sflag:s23] =	ssyncadd.s32 $0xFFFFFFFF  }
0xa5: {  	s26 =	simm.s32 $execute0_lowered;
	[smem:$0x3FD2] =	sst s25  }
0xa6: {  	s5 =	sshll.u32 s26, $0x1;
	_ =	strace $0x80000046;
	[dreg:$0x1] =	wrdreg $0xFFFFFFFF  }
0xa7: {  	s28 =	simm.s32 $_size_execute0_lowered;
	s3 =	sadd.s32 s3, s5;
	[dreg:$0x0] =	wrdreg $0x0  }
0xa8: {  	s5 =	sshll.u32 s28, $0x1;
	[dreg:$0x2] =	wrdreg s3  }
0xa9: {  	[dreg:$0x3] =	wrdreg s5  }
0xaa: {  	[dreg:$0x4] =	wrdreg $0xC0  }
0xab: {  	_ =	task [dreg:s7], $0x5FFFF  }
0xac: {  	[dreg:$0x1] =	wrdreg $0xFFFFFFFF  }
0xad: {  	[dreg:$0x0] =	wrdreg $0x60  }
0xae: {  	[dreg:$0x2] =	wrdreg s24  }
0xaf: {  	[dreg:$0x3] =	wrdreg s2  }
0xb0: {  	[dreg:$0x4] =	wrdreg $0x55800  }
0xb1: {  	[dreg:$0x5] =	wrdreg $0x9  }
0xb2: {  	_ =	task.clear_ibuf [dreg:s7], $0x6FFFF;
	_ =	strace $0x90000046  }
0xb3: {  	s29 =	simm.s32 $0x9;
	_ =	strace $0x80000048  }
0xb4: {  	_ =	swait.ge [sflag:s29], $0x1  }
0xb5: {  	[sflag:s29] =	ssyncadd.s32 $0xFFFFFFFF  }
0xb6: {  	_ =	strace $0x90000048  }
0xb7: {  	_ =	sfence  }
0xb8: {  	s30 =	sld [smem:$0x0];
	_ =	sdelay $0x2  }
0xb9: {  	s31 =	sshll.u32 s1, $0xD;
	s1 =	sshrl.u32 s1, $0x2  }
0xba: {  	s3 =	sand.u32 $0x4000, s31;
	s1 =	sadd.s32 s1, s30  }
0xbb: {  	s0 =	sor.u32 s3, s0;
	s1 =	sshll.u32 s1, $0x11  }
0xbc: {  	s0 =	sor.u32 s1, s0  }
0xbd: {  	s0 =	sadd.s32 $0x8F2B, s0  }
0xbe: {  	[sflag:s0] =	ssyncadd.remote.s32 $0x1  }
0xbf: {  	_ =	sfence.sel $0xFFFF  }
0xc0: {  	[dreg:$0x0] =	wrdreg $0xFFFFFFFF;
	(pc) =	sbr.abs _section_cstart, $3  }
0xc1: {  	[dreg:$0x1] =	wrdreg $0xFFFFFFFF  }
0xc2: {  	_ =	task.clear_ibuf [dreg:s7], $0x2FFFF;
	_ =	strace $0x9FFFFFFF  }
0xc3: {  	(tm) =	ssettm $0x7FFFFFFF  }
tec
execute0_lowered:
.L_overlay_start_1:
0x0: {  	(tag) =	ssettag $0x1  }
0x1: {  	s0 =	rddreg [dreg:$0x0]  }
0x2: {  	s3 =	rddreg [dreg:$0x1]  }
0x3: {  	s1 =	rddreg [dreg:$0x2]  }
0x4: {  	s2 =	simm.s32 $0x0;
	s5 =	srdreg.scid;
	s17 =	stileid.u32  }
0x5: {  	s18 =	simm.s32 $0x2;
	s19 =	simm.s32 $0x4D80;
	s20 =	simm.s32 $0x1  }
0x6: {  	s22 =	simm.s32 $0x80;
	s21 =	simm.s32 $0xC00;
	s23 =	simm.s32 $0xC80  }
0x7: {  	s24 =	simm.s32 $0xD00;
	s25 =	simm.s32 $0x10;
	s26 =	simm.s32 $0x0  }
0x8: {  	[smem:$0x7FF] =	sst s2;
	s4 =	sadd.s32 $0xD800, s0;
	s8 =	smul.u32 $0x50000, s17  }
0x9: {  	s6 =	sand.u32 $0x1, s5;
	s5 =	sadd.s32 $0x17600, s0;
	s14 =	smul.u32 $0x2710, s17  }
0xa: {  	s15 =	sadd.s32 $0x12C000, s1;
	p0 =	seq.s32 s17, $0xF;
	_ =	strace $0x80000047  }
0xb: {  	s12 =	smul.u32 $0x27100, s6;
	s7 =	sshll.u32 s6, $0x4;
	s9 =	ssub.s32 $0x2, s6  }
0xc: {  	s6 =	smul.u32 $0x2800, s17;
	s7 =	sor.u32 s17, s7;
	s10 =	sshrl.u32 s9, $0x1  }
0xd: {  	s8 =	sshrl.u32 s8, $0x2;
	s0 =	sadd.s32 s12, s0;
	s7 =	smul.u32 $0x2710, s7  }
0xe: {  	s13 =	ssub.s32 s9, s10;
	s16 =	sadd.s32 s8, s1;
	s9 =	sadd.s32 $0x25800, s3  }
0xf: {  	s31 =	sadd.s32 s14, s12;
	s14 =	sshrl.u32 @p0 s15, $0x3;
	s11 =	sadd.s32 $0x17E00, s0  }
0x10: {  	s12 =	smax.u32 s13, $0x1;
	s29 =	sadd.s32 $0x680, s31;
	s0 =	sshll.u32 @!p0 s17, $0x6  }
0x11: {  	s16 =	sshrl.u32 @!p0 s16, $0x3;
	s17 =	simm.s32 $0xD80;
	s30 =	sshrl.u32 s7, $0x3  }
0x12: {  	s7 =	sadd.s32 s3, s6;
	s15 =	sor.u32 @!p0 $0x1C02, s0;
	s8 =	sadd.s32 s4, s30  }
0x13: {  	s0 =	simm.s32 $0xB00;
	s3 =	simm.s32 $0xB80;
	s10 =	sadd.s32 $0x4E0, s8  }
.LBB2_1:
0x14: {  	s13 =	simm.s32 @p0 $0x1FC2  }
0x15: {  	[spmem:s14], [sflag:s13] =	dma.local @p0 [hbm:s9], $0x1900  }
0x16: {  	s13 =	simm.s32 @p0 $0x2  }
0x17: {  	_ =	swait.ge @p0 [sflag:s13], $0x1900  }
0x18: {  	[sflag:s13] =	ssyncset.done @p0 $0x0  }
0x19: {  	[sflag:s13] =	ssyncadd.s32 @p0 $0xFFFFE700;
	s13 =	simm.s32 @!p0 $0x2  }
0x1a: {  	[spmem:s16], [sflag:s15] =	dma.local @!p0 [hbm:s7], $0x2800  }
0x1b: {  	_ =	swait.ge @!p0 [sflag:s13], $0x2800  }
0x1c: {  	[sflag:s13] =	ssyncset.done @!p0 $0x0  }
0x1d: {  	[sflag:s13] =	ssyncadd.s32 @!p0 $0xFFFFD800  }
0x1e: {  	[tilespmem:s17], [sflag:$0x2] =	stream.linear.gather [hbm4b:s5+s2], $0x4000, $0x38;
	[tilespmem:$0x18E00] =	vst v63  }
0x1f: {  	_ =	swait.ge [sflag:s18], $0x4000  }
0x20: {  	[sflag:s18] =	ssyncset.done $0x0  }
0x21: {  	[sflag:s18] =	ssyncadd.s32 $0xFFFFC000  }
0x22: {  	[tilespmem:s19], [sflag:$0x2] =	stream.linear.gather [hbm4b:s5+s2], $0x800, $0x38;
	[tilespmem:$0x18E00] =	vst v63  }
0x23: {  	_ =	swait.ge [sflag:s18], $0x800  }
0x24: {  	[sflag:s18] =	ssyncset.done $0x0  }
0x25: {  	[sflag:s18] =	ssyncadd.s32 $0xFFFFF800  }
0x26: {  	[bflag:$0x0] =	sbarrier.arrive $0xFFFF  }
0x27: {  	[tilespmem:s2], [sflag:$0x1] =	stream.linear.gather [hbm4b:s8+s2], $0x680, $0x38;
	[tilespmem:$0x18E00] =	vst v63  }
0x28: {  	s30 =	sand.u32 $0x1, s20;
	s31 =	sshrl.u32 s29, $0x3;
	_ =	swait.ge [sflag:s20], $0x680  }
0x29: {  	s28 =	simm.s32 $0x680;
	p1 =	seq.s32 s30, $0x1;
	[sflag:s20] =	ssyncset.done $0x0  }
0x2a: {  	s28 =	simm.s32 @!p1 $0x0;
	s13 =	sadd.s32 s4, s31;
	[sflag:s20] =	ssyncadd.s32 $0xFFFFF980  }
0x2b: {  	[tilespmem:s28], [sflag:$0x1] =	stream.linear.gather [hbm4b:s13+s2], $0x680, $0x38;
	[tilespmem:$0x18E00] =	vst v63  }
0x2c: {  	s13 =	simm.s32 $0x0  }
0x2d: {  	s13 =	simm.s32 @!p1 $0x680  }
0x2e: {  	[spmem:s1] =	stream.indirect.scatter.add.f32 [tilespmem:s17], [sflag:$0x2], $0x80, s13, s22, $0xb8;
	[tilespmem:$0x18E00] =	vst v63  }
0x2f: {  	_ =	swait.ge [sflag:s18], $0x4000  }
0x30: {  	[sflag:s18] =	ssyncset.done $0x0  }
0x31: {  	s28 =	sadd.s32 $0x80, s13;
	[sflag:s18] =	ssyncadd.s32 $0xFFFFC000  }
0x32: {  	[spmem:s1] =	stream.indirect.scatter.add.f32 [tilespmem:s17], [sflag:$0x2], $0x80, s28, s22, $0xb8;
	[tilespmem:$0x18E00] =	vst v63  }
0x33: {  	_ =	swait.ge [sflag:s18], $0x4000  }
0x34: {  	[sflag:s18] =	ssyncset.done $0x0  }
0x35: {  	s28 =	sor.u32 $0x100, s13;
	[sflag:s18] =	ssyncadd.s32 $0xFFFFC000  }
0x36: {  	[spmem:s1] =	stream.indirect.scatter.add.f32 [tilespmem:s17], [sflag:$0x2], $0x80, s28, s22, $0xb8;
	[tilespmem:$0x18E00] =	vst v63  }
0x37: {  	_ =	swait.ge [sflag:s18], $0x4000  }
0x38: {  	[sflag:s18] =	ssyncset.done $0x0  }
0x39: {  	s28 =	sadd.s32 $0x180, s13;
	[sflag:s18] =	ssyncadd.s32 $0xFFFFC000  }
0x3a: {  	[spmem:s1] =	stream.indirect.scatter.add.f32 [tilespmem:s17], [sflag:$0x2], $0x80, s28, s22, $0xb8;
	[tilespmem:$0x18E00] =	vst v63  }
0x3b: {  	_ =	swait.ge [sflag:s18], $0x4000  }
0x3c: {  	[sflag:s18] =	ssyncset.done $0x0  }
0x3d: {  	s28 =	sadd.s32 $0x200, s13;
	[sflag:s18] =	ssyncadd.s32 $0xFFFFC000  }
0x3e: {  	[spmem:s1] =	stream.indirect.scatter.add.f32 [tilespmem:s17], [sflag:$0x2], $0x80, s28, s22, $0xb8;
	[tilespmem:$0x18E00] =	vst v63  }
0x3f: {  	_ =	swait.ge [sflag:s18], $0x4000  }
0x40: {  	[sflag:s18] =	ssyncset.done $0x0  }
0x41: {  	s28 =	sadd.s32 $0x280, s13;
	[sflag:s18] =	ssyncadd.s32 $0xFFFFC000  }
0x42: {  	[spmem:s1] =	stream.indirect.scatter.add.f32 [tilespmem:s17], [sflag:$0x2], $0x80, s28, s22, $0xb8;
	[tilespmem:$0x18E00] =	vst v63  }
0x43: {  	_ =	swait.ge [sflag:s18], $0x4000  }
0x44: {  	[sflag:s18] =	ssyncset.done $0x0  }
0x45: {  	s28 =	sadd.s32 $0x300, s13;
	[sflag:s18] =	ssyncadd.s32 $0xFFFFC000  }
0x46: {  	[spmem:s1] =	stream.indirect.scatter.add.f32 [tilespmem:s17], [sflag:$0x2], $0x80, s28, s22, $0xb8;
	[tilespmem:$0x18E00] =	vst v63  }
0x47: {  	_ =	swait.ge [sflag:s18], $0x4000  }
0x48: {  	[sflag:s18] =	ssyncset.done $0x0  }
0x49: {  	s28 =	sadd.s32 $0x380, s13;
	[sflag:s18] =	ssyncadd.s32 $0xFFFFC000  }
0x4a: {  	[spmem:s1] =	stream.indirect.scatter.add.f32 [tilespmem:s17], [sflag:$0x2], $0x80, s28, s22, $0xb8;
	[tilespmem:$0x18E00] =	vst v63  }
0x4b: {  	_ =	swait.ge [sflag:s18], $0x4000  }
0x4c: {  	[sflag:s18] =	ssyncset.done $0x0  }
0x4d: {  	s28 =	sadd.s32 $0x400, s13;
	[sflag:s18] =	ssyncadd.s32 $0xFFFFC000  }
0x4e: {  	[spmem:s1] =	stream.indirect.scatter.add.f32 [tilespmem:s17], [sflag:$0x2], $0x80, s28, s22, $0xb8;
	[tilespmem:$0x18E00] =	vst v63  }
0x4f: {  	_ =	swait.ge [sflag:s18], $0x4000  }
0x50: {  	[sflag:s18] =	ssyncset.done $0x0  }
0x51: {  	s28 =	sadd.s32 $0x480, s13;
	[sflag:s18] =	ssyncadd.s32 $0xFFFFC000  }
0x52: {  	[spmem:s1] =	stream.indirect.scatter.add.f32 [tilespmem:s17], [sflag:$0x2], $0x80, s28, s22, $0xb8;
	[tilespmem:$0x18E00] =	vst v63  }
0x53: {  	_ =	swait.ge [sflag:s18], $0x4000  }
0x54: {  	[sflag:s18] =	ssyncset.done $0x0  }
0x55: {  	s28 =	sadd.s32 $0x500, s13;
	[sflag:s18] =	ssyncadd.s32 $0xFFFFC000  }
0x56: {  	[spmem:s1] =	stream.indirect.scatter.add.f32 [tilespmem:s17], [sflag:$0x2], $0x80, s28, s22, $0xb8;
	[tilespmem:$0x18E00] =	vst v63  }
0x57: {  	_ =	swait.ge [sflag:s18], $0x4000  }
0x58: {  	[sflag:s18] =	ssyncset.done $0x0  }
0x59: {  	s28 =	sadd.s32 $0x580, s13;
	[sflag:s18] =	ssyncadd.s32 $0xFFFFC000  }
0x5a: {  	[spmem:s1] =	stream.indirect.scatter.add.f32 [tilespmem:s17], [sflag:$0x2], $0x80, s28, s22, $0xb8;
	[tilespmem:$0x18E00] =	vst v63  }
0x5b: {  	_ =	swait.ge [sflag:s18], $0x4000  }
0x5c: {  	[sflag:s18] =	ssyncset.done $0x0  }
0x5d: {  	s13 =	sadd.s32 $0x600, s13;
	[sflag:s18] =	ssyncadd.s32 $0xFFFFC000  }
0x5e: {  	[spmem:s1] =	stream.indirect.scatter.add.f32 [tilespmem:s17], [sflag:$0x2], $0x80, s13, s22, $0xb8;
	[tilespmem:$0x18E00] =	vst v63  }
0x5f: {  	_ =	swait.ge [sflag:s18], $0x4000  }
0x60: {  	s28 =	simm.s32 $0x2;
	s13 =	smov.u32 s29;
	[sflag:s18] =	ssyncset.done $0x0  }
.LBB2_2:
0x61: {  	p1 =	sne.s32 s28, $0x5  }
0x62: {  	[sflag:s18] =	ssyncadd.s32 $0xFFFFC000;
	s13 =	sadd.s32 $0x680, s13;
	s30 =	sand.u32 $0x1, s28  }
0x63: {  	s28 =	sadd.s32 $0x1, s28;
	s31 =	simm.s32 $0x680;
	_ =	swait.ge [sflag:s20], $0x680  }
0x64: {  	p2 =	seq.s32 s30, $0x1;
	s30 =	sshrl.u32 s13, $0x3;
	[sflag:s20] =	ssyncset.done $0x0  }
0x65: {  	s31 =	simm.s32 @!p2 $0x0;
	s30 =	sadd.s32 s4, s30;
	[sflag:s20] =	ssyncadd.s32 $0xFFFFF980  }
0x66: {  	[tilespmem:s31], [sflag:$0x1] =	stream.linear.gather [hbm4b:s30+s2], $0x680, $0x38;
	[tilespmem:$0x18E00] =	vst v63  }
0x67: {  	s30 =	simm.s32 $0x0  }
0x68: {  	s30 =	simm.s32 @!p2 $0x680  }
0x69: {  	[spmem:s1] =	stream.indirect.scatter.add.f32 [tilespmem:s17], [sflag:$0x2], $0x80, s30, s22, $0xb8;
	[tilespmem:$0x18E00] =	vst v63  }
0x6a: {  	_ =	swait.ge [sflag:s18], $0x4000  }
0x6b: {  	[sflag:s18] =	ssyncset.done $0x0  }
0x6c: {  	s31 =	sadd.s32 $0x80, s30;
	[sflag:s18] =	ssyncadd.s32 $0xFFFFC000  }
0x6d: {  	[spmem:s1] =	stream.indirect.scatter.add.f32 [tilespmem:s17], [sflag:$0x2], $0x80, s31, s22, $0xb8;
	[tilespmem:$0x18E00] =	vst v63  }
0x6e: {  	_ =	swait.ge [sflag:s18], $0x4000  }
0x6f: {  	[sflag:s18] =	ssyncset.done $0x0  }
0x70: {  	s31 =	sor.u32 $0x100, s30;
	[sflag:s18] =	ssyncadd.s32 $0xFFFFC000  }
0x71: {  	[spmem:s1] =	stream.indirect.scatter.add.f32 [tilespmem:s17], [sflag:$0x2], $0x80, s31, s22, $0xb8;
	[tilespmem:$0x18E00] =	vst v63  }
0x72: {  	_ =	swait.ge [sflag:s18], $0x4000  }
0x73: {  	[sflag:s18] =	ssyncset.done $0x0  }
0x74: {  	s31 =	sadd.s32 $0x180, s30;
	[sflag:s18] =	ssyncadd.s32 $0xFFFFC000  }
0x75: {  	[spmem:s1] =	stream.indirect.scatter.add.f32 [tilespmem:s17], [sflag:$0x2], $0x80, s31, s22, $0xb8;
	[tilespmem:$0x18E00] =	vst v63  }
0x76: {  	_ =	swait.ge [sflag:s18], $0x4000  }
0x77: {  	[sflag:s18] =	ssyncset.done $0x0  }
0x78: {  	s31 =	sadd.s32 $0x200, s30;
	[sflag:s18] =	ssyncadd.s32 $0xFFFFC000  }
0x79: {  	[spmem:s1] =	stream.indirect.scatter.add.f32 [tilespmem:s17], [sflag:$0x2], $0x80, s31, s22, $0xb8;
	[tilespmem:$0x18E00] =	vst v63  }
0x7a: {  	_ =	swait.ge [sflag:s18], $0x4000  }
0x7b: {  	[sflag:s18] =	ssyncset.done $0x0  }
0x7c: {  	s31 =	sadd.s32 $0x280, s30;
	[sflag:s18] =	ssyncadd.s32 $0xFFFFC000  }
0x7d: {  	[spmem:s1] =	stream.indirect.scatter.add.f32 [tilespmem:s17], [sflag:$0x2], $0x80, s31, s22, $0xb8;
	[tilespmem:$0x18E00] =	vst v63  }
0x7e: {  	_ =	swait.ge [sflag:s18], $0x4000  }
0x7f: {  	[sflag:s18] =	ssyncset.done $0x0  }
0x80: {  	s31 =	sadd.s32 $0x300, s30;
	[sflag:s18] =	ssyncadd.s32 $0xFFFFC000  }
0x81: {  	[spmem:s1] =	stream.indirect.scatter.add.f32 [tilespmem:s17], [sflag:$0x2], $0x80, s31, s22, $0xb8;
	[tilespmem:$0x18E00] =	vst v63  }
0x82: {  	_ =	swait.ge [sflag:s18], $0x4000  }
0x83: {  	[sflag:s18] =	ssyncset.done $0x0  }
0x84: {  	s31 =	sadd.s32 $0x380, s30;
	[sflag:s18] =	ssyncadd.s32 $0xFFFFC000  }
0x85: {  	[spmem:s1] =	stream.indirect.scatter.add.f32 [tilespmem:s17], [sflag:$0x2], $0x80, s31, s22, $0xb8;
	[tilespmem:$0x18E00] =	vst v63  }
0x86: {  	_ =	swait.ge [sflag:s18], $0x4000  }
0x87: {  	[sflag:s18] =	ssyncset.done $0x0  }
0x88: {  	s31 =	sadd.s32 $0x400, s30;
	[sflag:s18] =	ssyncadd.s32 $0xFFFFC000  }
0x89: {  	[spmem:s1] =	stream.indirect.scatter.add.f32 [tilespmem:s17], [sflag:$0x2], $0x80, s31, s22, $0xb8;
	[tilespmem:$0x18E00] =	vst v63  }
0x8a: {  	_ =	swait.ge [sflag:s18], $0x4000  }
0x8b: {  	[sflag:s18] =	ssyncset.done $0x0  }
0x8c: {  	s31 =	sadd.s32 $0x480, s30;
	[sflag:s18] =	ssyncadd.s32 $0xFFFFC000  }
0x8d: {  	[spmem:s1] =	stream.indirect.scatter.add.f32 [tilespmem:s17], [sflag:$0x2], $0x80, s31, s22, $0xb8;
	[tilespmem:$0x18E00] =	vst v63  }
0x8e: {  	_ =	swait.ge [sflag:s18], $0x4000  }
0x8f: {  	[sflag:s18] =	ssyncset.done $0x0  }
0x90: {  	s31 =	sadd.s32 $0x500, s30;
	[sflag:s18] =	ssyncadd.s32 $0xFFFFC000  }
0x91: {  	[spmem:s1] =	stream.indirect.scatter.add.f32 [tilespmem:s17], [sflag:$0x2], $0x80, s31, s22, $0xb8;
	[tilespmem:$0x18E00] =	vst v63  }
0x92: {  	_ =	swait.ge [sflag:s18], $0x4000  }
0x93: {  	[sflag:s18] =	ssyncset.done $0x0  }
0x94: {  	s31 =	sadd.s32 $0x580, s30;
	[sflag:s18] =	ssyncadd.s32 $0xFFFFC000  }
0x95: {  	[spmem:s1] =	stream.indirect.scatter.add.f32 [tilespmem:s17], [sflag:$0x2], $0x80, s31, s22, $0xb8;
	[tilespmem:$0x18E00] =	vst v63  }
0x96: {  	_ =	swait.ge [sflag:s18], $0x4000  }
.Ltmp0:
0x97: {  	[sflag:s18] =	ssyncset.done $0x0;
	(pc) =	sbr.rel @p1 .LBB2_2-.Ltmp0, $4  }
0x98: {  	s30 =	sadd.s32 $0x600, s30;
	[sflag:s18] =	ssyncadd.s32 $0xFFFFC000  }
0x99: {  	[spmem:s1] =	stream.indirect.scatter.add.f32 [tilespmem:s17], [sflag:$0x2], $0x80, s30, s22, $0xb8;
	[tilespmem:$0x18E00] =	vst v63  }
0x9a: {  	_ =	swait.ge [sflag:s18], $0x4000  }
0x9b: {  	[sflag:s18] =	ssyncset.done $0x0  }
0x9c: {  	[sflag:s18] =	ssyncadd.s32 $0xFFFFC000  }
0x9d: {  	_ =	swait.ge [sflag:s20], $0x680  }
0x9e: {  	[sflag:s20] =	ssyncset.done $0x0  }
0x9f: {  	s13 =	simm.s32 $0x680;
	[sflag:s20] =	ssyncadd.s32 $0xFFFFF980  }
0xa0: {  	[spmem:s1] =	stream.indirect.scatter.add.f32 [tilespmem:s17], [sflag:$0x2], $0x80, s13, s22, $0xb8;
	[tilespmem:$0x18E00] =	vst v63  }
0xa1: {  	_ =	swait.ge [sflag:s18], $0x4000  }
0xa2: {  	[sflag:s18] =	ssyncset.done $0x0  }
0xa3: {  	s30 =	simm.s32 $0x700;
	[sflag:s18] =	ssyncadd.s32 $0xFFFFC000  }
0xa4: {  	[spmem:s1] =	stream.indirect.scatter.add.f32 [tilespmem:s17], [sflag:$0x2], $0x80, s30, s22, $0xb8;
	[tilespmem:$0x18E00] =	vst v63  }
0xa5: {  	_ =	swait.ge [sflag:s18], $0x4000  }
0xa6: {  	[sflag:s18] =	ssyncset.done $0x0  }
0xa7: {  	s31 =	simm.s32 $0x780;
	[sflag:s18] =	ssyncadd.s32 $0xFFFFC000  }
0xa8: {  	[spmem:s1] =	stream.indirect.scatter.add.f32 [tilespmem:s17], [sflag:$0x2], $0x80, s31, s22, $0xb8;
	[tilespmem:$0x18E00] =	vst v63  }
0xa9: {  	_ =	swait.ge [sflag:s18], $0x4000  }
0xaa: {  	[sflag:s18] =	ssyncset.done $0x0  }
0xab: {  	s28 =	simm.s32 $0x800;
	[sflag:s18] =	ssyncadd.s32 $0xFFFFC000  }
0xac: {  	[spmem:s1] =	stream.indirect.scatter.add.f32 [tilespmem:s17], [sflag:$0x2], $0x80, s28, s22, $0xb8;
	[tilespmem:$0x18E00] =	vst v63  }
0xad: {  	_ =	swait.ge [sflag:s18], $0x4000  }
0xae: {  	[sflag:s18] =	ssyncset.done $0x0  }
0xaf: {  	s30 =	simm.s32 $0x880;
	[sflag:s18] =	ssyncadd.s32 $0xFFFFC000  }
0xb0: {  	[spmem:s1] =	stream.indirect.scatter.add.f32 [tilespmem:s17], [sflag:$0x2], $0x80, s30, s22, $0xb8;
	[tilespmem:$0x18E00] =	vst v63  }
0xb1: {  	_ =	swait.ge [sflag:s18], $0x4000  }
0xb2: {  	[sflag:s18] =	ssyncset.done $0x0  }
0xb3: {  	s31 =	simm.s32 $0x900;
	[sflag:s18] =	ssyncadd.s32 $0xFFFFC000  }
0xb4: {  	[spmem:s1] =	stream.indirect.scatter.add.f32 [tilespmem:s17], [sflag:$0x2], $0x80, s31, s22, $0xb8;
	[tilespmem:$0x18E00] =	vst v63  }
0xb5: {  	_ =	swait.ge [sflag:s18], $0x4000  }
0xb6: {  	[sflag:s18] =	ssyncset.done $0x0  }
0xb7: {  	s28 =	simm.s32 $0x980;
	[sflag:s18] =	ssyncadd.s32 $0xFFFFC000  }
0xb8: {  	[spmem:s1] =	stream.indirect.scatter.add.f32 [tilespmem:s17], [sflag:$0x2], $0x80, s28, s22, $0xb8;
	[tilespmem:$0x18E00] =	vst v63  }
0xb9: {  	_ =	swait.ge [sflag:s18], $0x4000  }
0xba: {  	[sflag:s18] =	ssyncset.done $0x0  }
0xbb: {  	s30 =	simm.s32 $0xA00;
	[sflag:s18] =	ssyncadd.s32 $0xFFFFC000  }
0xbc: {  	[spmem:s1] =	stream.indirect.scatter.add.f32 [tilespmem:s17], [sflag:$0x2], $0x80, s30, s22, $0xb8;
	[tilespmem:$0x18E00] =	vst v63  }
0xbd: {  	_ =	swait.ge [sflag:s18], $0x4000  }
0xbe: {  	[sflag:s18] =	ssyncset.done $0x0  }
0xbf: {  	s31 =	simm.s32 $0xA80;
	[sflag:s18] =	ssyncadd.s32 $0xFFFFC000  }
0xc0: {  	[spmem:s1] =	stream.indirect.scatter.add.f32 [tilespmem:s17], [sflag:$0x2], $0x80, s31, s22, $0xb8;
	[tilespmem:$0x18E00] =	vst v63  }
0xc1: {  	_ =	swait.ge [sflag:s18], $0x4000  }
0xc2: {  	[sflag:s18] =	ssyncset.done $0x0  }
0xc3: {  	[sflag:s18] =	ssyncadd.s32 $0xFFFFC000  }
0xc4: {  	[spmem:s1] =	stream.indirect.scatter.add.f32 [tilespmem:s17], [sflag:$0x2], $0x80, s0, s22, $0xb8;
	[tilespmem:$0x18E00] =	vst v63  }
0xc5: {  	_ =	swait.ge [sflag:s18], $0x4000  }
0xc6: {  	[sflag:s18] =	ssyncset.done $0x0  }
0xc7: {  	[sflag:s18] =	ssyncadd.s32 $0xFFFFC000  }
0xc8: {  	[spmem:s1] =	stream.indirect.scatter.add.f32 [tilespmem:s17], [sflag:$0x2], $0x80, s3, s22, $0xb8;
	[tilespmem:$0x18E00] =	vst v63  }
0xc9: {  	_ =	swait.ge [sflag:s18], $0x4000  }
0xca: {  	[sflag:s18] =	ssyncset.done $0x0  }
0xcb: {  	[sflag:s18] =	ssyncadd.s32 $0xFFFFC000  }
0xcc: {  	[spmem:s1] =	stream.indirect.scatter.add.f32 [tilespmem:s17], [sflag:$0x2], $0x80, s21, s22, $0xb8;
	[tilespmem:$0x18E00] =	vst v63  }
0xcd: {  	_ =	swait.ge [sflag:s18], $0x4000  }
0xce: {  	[sflag:s18] =	ssyncset.done $0x0  }
0xcf: {  	[sflag:s18] =	ssyncadd.s32 $0xFFFFC000  }
0xd0: {  	[spmem:s1] =	stream.indirect.scatter.add.f32 [tilespmem:s17], [sflag:$0x2], $0x80, s23, s22, $0xb8;
	[tilespmem:$0x18E00] =	vst v63  }
0xd1: {  	_ =	swait.ge [sflag:s18], $0x4000  }
0xd2: {  	[sflag:s18] =	ssyncset.done $0x0  }
0xd3: {  	[sflag:s18] =	ssyncadd.s32 $0xFFFFC000  }
0xd4: {  	[tilespmem:s24], [sflag:$0x2] =	stream.linear.gather [hbm4b:s10+s2], $0x10, $0x38;
	[tilespmem:$0x18E00] =	vst v63  }
0xd5: {  	_ =	swait.ge [sflag:s18], $0x10  }
0xd6: {  	[sflag:s18] =	ssyncset.done $0x0  }
0xd7: {  	[sflag:s18] =	ssyncadd.s32 $0xFFFFFFF0  }
0xd8: {  	[spmem:s1] =	stream.indirect.scatter.add.f32 [tilespmem:s19], [sflag:$0x2], $0x80, s24, s25, $0xb8;
	[tilespmem:$0x18E00] =	vst v63  }
0xd9: {  	_ =	swait.ge [sflag:s18], $0x800  }
0xda: {  	[sflag:s18] =	ssyncset.done $0x0  }
0xdb: {  	[sflag:s18] =	ssyncadd.s32 $0xFFFFF800  }
0xdc: {  	s13 =	sadd.s32 @p0 $0x25800, s11;
	s28 =	simm.s32 @p0 $0x1FC2;
	[bflag:$0x0] =	sbarrier.arrive $0xFFFF  }
0xdd: {  	[hbm:s13], [sflag:s28] =	dma.local @p0 [spmem:s14], $0x1900  }
0xde: {  	s13 =	simm.s32 @p0 $0x2  }
0xdf: {  	_ =	swait.ge @p0 [sflag:s13], $0x1900  }
0xe0: {  	s26 =	sadd.s32 $0x1, s26;
	[sflag:s13] =	ssyncset.done @p0 $0x0  }
0xe1: {  	p1 =	sne.s32 s26, s12;
	[sflag:s13] =	ssyncadd.s32 @p0 $0xFFFFE700;
	s13 =	sadd.s32 @!p0 s6, s11  }
0xe2: {  	[hbm:s13], [sflag:s15] =	dma.local @!p0 [spmem:s16], $0x2800  }
.Ltmp1:
0xe3: {  	_ = 	snop;
	(pc) =	sbr.rel @p1 .LBB2_1-.Ltmp1, $4  }
0xe4: {  	s13 =	simm.s32 @!p0 $0x2  }
0xe5: {  	_ =	swait.ge @!p0 [sflag:s13], $0x2800  }
0xe6: {  	[sflag:s13] =	ssyncset.done @!p0 $0x0  }
0xe7: {  	[sflag:s13] =	ssyncadd.s32 @!p0 $0xFFFFD800  }
0xe8: {  	_ =	sfence.sel $0x180000  }
0xe9: {  	[bflag:$0x0] =	sbarrier.arrive $0xFFFF  }
0xea: {  	_ =	strace $0x90000047  }
0xeb: {  	s0 =	stileid.u32;
	[bflag:$0x2] =	sbarrier.arrive $0xFFFF  }
0xec: {  	p0 =	sne.s32 s0, $0x0;
	s0 =	rddreg [dreg:$0x3]  }
0xed: {  	s0 =	sadd.s32 @!p0 $0x100000, s0  }
0xee: {  	[sflag:s0] =	ssyncadd.tile.s32 @!p0 $0x1;
	_ =	shalt  }
.Lfunc_end2:
_tile_overlayer_lowered:
.L_overlay_start_2:
0xef: {  	(tag) =	ssettag $0x2  }
0xf0: {  	s0 =	rddreg [dreg:$0x0];
	s2 =	stileid.u32  }
0xf1: {  	s1 =	rddreg [dreg:$0x1];
	p0 =	sne.s32 s2, $0x0  }
0xf2: {  	s3 =	rddreg [dreg:$0x2];
	[bflag:$0x3] =	sbarrier.arrive $0xFFFF;
	s2 =	simm.s32 @!p0 $0x1C02  }
0xf3: {  	[timem:s3], [sflag:s2] =	dma.local @!p0 [hbm:s0], s1  }
0xf4: {  	s0 =	simm.s32 @!p0 $0x2  }
0xf5: {  	_ =	swait.ge @!p0 [sflag:s0], s1  }
0xf6: {  	s1 =	ssub.s32 @!p0 $0x0, s1;
	[sflag:s0] =	ssyncset.done @!p0 $0x0  }
0xf7: {  	[sflag:s0] =	ssyncadd.s32 @!p0 s1  }
0xf8: {  	[bflag:$0x3] =	sbarrier.arrive $0xFFFF  }
0xf9: {  	_ =	shalt  }

// kernel: kernel.9.cloned.1.call-start
scs
__scs_entry_jumppad:
0x0: {  	(pc) =	sbr.rel $0x88, $3  }
0x1: {  	(tag) =	ssettag $0x0;
	lr =	simm.s32 $0x1  }
0x2: {  	[smem:$0x3F8C] =	sst lr;
	_ =	strace $0xD0000000  }
0x3: {  	_ = 	snop  }
0x4: {  	_ = 	snop  }
0x5: {  	_ = 	snop  }
0x6: {  	_ = 	snop  }
0x7: {  	_ = 	snop  }
__scs_overlays_trampoline_lowered:
0x8: {  	[smem:$0x3F9B] =	sst s0  }
0x9: {  	[smem:$0x3F9C] =	sst s1  }
0xa: {  	[smem:$0x3F9D] =	sst s2  }
0xb: {  	[smem:$0x3F9E] =	sst s3  }
0xc: {  	[smem:$0x3F9F] =	sst s4  }
0xd: {  	[smem:$0x3FA0] =	sst s5  }
0xe: {  	[smem:$0x3FA1] =	sst s6  }
0xf: {  	[smem:$0x3FA2] =	sst s7  }
0x10: {  	[smem:$0x3FA3] =	sst s8  }
0x11: {  	[smem:$0x3FA4] =	sst s9;
	s0 =	simm.s32 @!p0 $0x0  }
0x12: {  	s1 =	sld [smem:$0x3F8A];
	s0 =	simm.s32 @p0 $0x1  }
0x13: {  	[smem:$0x3FA5] =	sst s0;
	s0 =	simm.s32 @!p1 $0x0  }
0x14: {  	s2 =	sld [smem:$0x3F89];
	s0 =	simm.s32 @p1 $0x1  }
0x15: {  	[smem:$0x3FA6] =	sst s0;
	s0 =	simm.s32 @!p2 $0x0  }
0x16: {  	s3 =	sld [smem:$0x3FDB];
	s0 =	simm.s32 @p2 $0x1  }
0x17: {  	s4 =	simm.s32 $0x1BF5;
	[smem:$0x3FA8] =	sst s0  }
0x18: {  	s0 =	sld [smem:$0x3F8B];
	_ =	swait.ge [sflag:s4], $0x0  }
0x19: {  	s7 =	sld [smem:$0x3F8C]  }
0x1a: {  	s8 =	sadd.s32 $0xFFFFE003, lr  }
0x1b: {  	s9 =	sadd.s32 $0xFFFFFEF7, lr;
	s5 =	simm.s32 $0xFFFFFFFF;
	p2 =	slt.u32 s8, $0xFFFFF086  }
0x1c: {  	p1 =	slt.u32 s9, $0xF7A;
	s5 =	simm.s32 @!p2 $0x0  }
0x1d: {  	s5 =	simm.s32 @p1 $0x1;
	p0 =	seq.s32 s7, s2  }
0x1e: {  	s7 =	smul.u32 @!p0 $0xF7A, s2;
	p2 =	seq.s32 @!p0 s5, $0x0  }
0x1f: {  	s9 =	smul.u32 $0xF7A, s1;
	s8 =	simm.s32 @!p0 $0x1BF5;
	p2 =	por !p2, p0  }
0x20: {  	[sflag:s8] =	ssyncset.s32 @!p0 $0xFFFFF086;
	s6 =	sadd.s32 @!p0 s3, s7;
	s7 =	simm.s32 @!p0 $0x108  }
0x21: {  	s3 =	sadd.s32 s3, s9;
	s6 =	sadd.s32 @!p0 $0x88, s6;
	s7 =	simm.s32 @p2 $0x1082  }
0x22: {  	[simem:s7], [sflag:s8] =	dma.local @!p0 [hbm:s6], $0xF7A  }
0x23: {  	s9 =	sor.u32 $0xD0000000, s2;
	s6 =	simm.s32 $0x108;
	_ =	swait.ge @!p0 [sflag:s8], $0x0  }
0x24: {  	s3 =	sadd.s32 $0x88, s3;
	s6 =	simm.s32 @!p1 $0x1082;
	[sflag:s4] =	ssyncset.s32 $0xFFFFF086  }
0x25: {  	[simem:s6], [sflag:s4] =	dma.local [hbm:s3], $0xF7A  }
0x26: {  	[smem:$0x3F8C] =	sst s1;
	(tag) =	ssettag s2;
	_ =	strace s9  }
0x27: {  	s1 =	sld [smem:$0x3F9C]  }
0x28: {  	s2 =	sld [smem:$0x3F9D]  }
0x29: {  	s4 =	sld [smem:$0x3F9F]  }
0x2a: {  	p0 =	seq.s32 s5, $0x0;
	s5 =	sld [smem:$0x3FA0]  }
0x2b: {  	s6 =	sld [smem:$0x3FA1]  }
0x2c: {  	s7 =	sld [smem:$0x3FA2]  }
0x2d: {  	s3 =	simm.s32 $0x108;
	s8 =	sld [smem:$0x3FA3]  }
0x2e: {  	s3 =	simm.s32 @!p0 $0x1082;
	s9 =	sld [smem:$0x3FA4]  }
0x2f: {  	lr =	sadd.s32 s0, s3;
	s0 =	sld [smem:$0x3F9B]  }
0x30: {  	s3 =	sld [smem:$0x3F9E]  }
0x31: {  	[smem:$0x3FA7] =	sst s10  }
0x32: {  	s10 =	sld [smem:$0x3FA5];
	_ =	sdelay $0x3  }
0x33: {  	p0 =	seq.s32 s10, $0x1;
	s10 =	sld [smem:$0x3FA7];
	_ =	sdelay $0x3  }
0x34: {  	[smem:$0x3FA7] =	sst s10  }
0x35: {  	s10 =	sld [smem:$0x3FA6];
	_ =	sdelay $0x3  }
0x36: {  	p1 =	seq.s32 s10, $0x1;
	s10 =	sld [smem:$0x3FA7];
	_ =	sdelay $0x3  }
0x37: {  	[smem:$0x3FA7] =	sst s10  }
0x38: {  	s10 =	sld [smem:$0x3FA8]  }
0x39: {  	_ = 	snop;
	(pc) =	sbr.ind lr, $3  }
0x3a: {  	_ = 	snop  }
0x3b: {  	_ = 	snop  }
0x3c: {  	p2 =	seq.s32 s10, $0x1;
	s10 =	sld [smem:$0x3FA7]  }
0x3d: {  	_ =	shalt  }
0x3e: {  	_ =	shalt  }
0x3f: {  	_ =	shalt  }
0x40: {  	_ =	shalt  }
0x41: {  	_ =	shalt  }
0x42: {  	_ =	shalt  }
0x43: {  	_ =	shalt  }
0x44: {  	_ =	shalt  }
0x45: {  	_ =	shalt  }
0x46: {  	_ =	shalt  }
0x47: {  	_ =	shalt  }
0x48: {  	_ =	shalt  }
0x49: {  	_ =	shalt  }
0x4a: {  	_ =	shalt  }
0x4b: {  	_ =	shalt  }
0x4c: {  	_ =	shalt  }
0x4d: {  	_ =	shalt  }
0x4e: {  	_ =	shalt  }
0x4f: {  	_ =	shalt  }
0x50: {  	_ =	shalt  }
0x51: {  	_ =	shalt  }
0x52: {  	_ =	shalt  }
0x53: {  	_ =	shalt  }
0x54: {  	_ =	shalt  }
0x55: {  	_ =	shalt  }
0x56: {  	_ =	shalt  }
0x57: {  	_ =	shalt  }
0x58: {  	_ =	shalt  }
0x59: {  	_ =	shalt  }
0x5a: {  	_ =	shalt  }
0x5b: {  	_ =	shalt  }
0x5c: {  	_ =	shalt  }
0x5d: {  	_ =	shalt  }
0x5e: {  	_ =	shalt  }
0x5f: {  	_ =	shalt  }
0x60: {  	_ =	shalt  }
0x61: {  	_ =	shalt  }
0x62: {  	_ =	shalt  }
0x63: {  	_ =	shalt  }
0x64: {  	_ =	shalt  }
0x65: {  	_ =	shalt  }
0x66: {  	_ =	shalt  }
0x67: {  	_ =	shalt  }
0x68: {  	_ =	shalt  }
0x69: {  	_ =	shalt  }
0x6a: {  	_ =	shalt  }
0x6b: {  	_ =	shalt  }
0x6c: {  	_ =	shalt  }
0x6d: {  	_ =	shalt  }
0x6e: {  	_ =	shalt  }
0x6f: {  	_ =	shalt  }
0x70: {  	_ =	shalt  }
0x71: {  	_ =	shalt  }
0x72: {  	_ =	shalt  }
0x73: {  	_ =	shalt  }
0x74: {  	_ =	shalt  }
0x75: {  	_ =	shalt  }
0x76: {  	_ =	shalt  }
0x77: {  	_ =	shalt  }
0x78: {  	_ =	shalt  }
0x79: {  	_ =	shalt  }
0x7a: {  	_ =	shalt  }
0x7b: {  	_ =	shalt  }
0x7c: {  	_ =	shalt  }
0x7d: {  	_ =	shalt  }
0x7e: {  	_ =	shalt  }
0x7f: {  	_ =	shalt  }
0x80: {  	_ =	shalt  }
0x81: {  	_ =	shalt  }
0x82: {  	_ =	shalt  }
0x83: {  	_ =	shalt  }
0x84: {  	_ =	shalt  }
0x85: {  	_ =	shalt  }
0x86: {  	_ =	shalt  }
0x87: {  	_ =	shalt  }
.Lfunc_end0:
.L_simem_size_0:
called_computation.1_lowered:
.L_overlay_start_0:
0x88: {  	s2 =	sld [smem:$0x3FD9]  }
0x89: {  	s3 =	sld [smem:$0x3FFE];
	_ =	sdelay $0x1  }
0x8a: {  	s1 =	srdreg.scid  }
0x8b: {  	s0 =	sand.u32 $0x1, s1  }
0x8c: {  	s17 =	sshll.u32 s0, $0xA;
	s2 =	sadd.s32 s3, s2  }
0x8d: {  	s2 =	sadd.s32 s2, s17  }
0x8e: {  	[smem:$0x3FB3] =	sst s2  }
0x8f: {  	_ = 	snop  }
0x90: {  	s2 =	sld [smem:$0x3FD0];
	(tm) =	ssettm $0x1  }
0x91: {  	s18 =	sld [smem:$0x3FFB];
	_ =	sdelay $0x3  }
0x92: {  	_ =	strace s18  }
0x93: {  	s3 =	sld [smem:$0x3FFC];
	_ =	sdelay $0x3  }
0x94: {  	_ =	strace s3  }
0x95: {  	s3 =	sld [smem:$0x3FFD];
	_ =	sdelay $0x3  }
0x96: {  	_ =	strace s3  }
0x97: {  	_ =	strace $0x8FFFFFFF  }
0x98: {  	s19 =	sld [smem:$0x3FDB];
	_ =	sdelay $0x1  }
0x99: {  	s4 =	simm.s32 $_scs_section_size  }
0x9a: {  	s5 =	simm.s32 $_size__tile_overlayer_lowered;
	s6 =	simm.s32 $_tile_overlayer_lowered  }
0x9b: {  	s22 =	simm.s32 $0x1BFF;
	s21 =	sshll.u32 s6, $0x1;
	s3 =	sadd.s32 s4, s19  }
0x9c: {  	s7 =	simm.s32 $0x0;
	s20 =	sshll.u32 s5, $0x1;
	s5 =	sadd.s32 s21, s3  }
0x9d: {  	[timem:s7], [sflag:s22] =	dma.local [hbm:s5], s20  }
0x9e: {  	_ =	swait.ge [sflag:s22], s20  }
0x9f: {  	s4 =	ssub.s32 $0x0, s20;
	[sflag:s22] =	ssyncset.done $0x0  }
0xa0: {  	[sflag:s22] =	ssyncadd.s32 s4;
	_ =	sdelay $0x1  }
0xa1: {  	s23 =	simm.s32 $0x1B8B  }
0xa2: {  	_ =	swait.ge [sflag:s23], $0x1  }
0xa3: {  	[sflag:s23] =	ssyncset.done $0x0  }
0xa4: {  	s25 =	simm.s32 $0x1B8E;
	s24 =	sld [smem:$0x3FFE];
	[sflag:s23] =	ssyncadd.s32 $0xFFFFFFFF  }
0xa5: {  	s26 =	simm.s32 $execute0_lowered;
	[smem:$0x3FD2] =	sst s25  }
0xa6: {  	s5 =	sshll.u32 s26, $0x1;
	_ =	strace $0x80000049;
	[dreg:$0x1] =	wrdreg $0xFFFFFFFF  }
0xa7: {  	s28 =	simm.s32 $_size_execute0_lowered;
	s3 =	sadd.s32 s3, s5;
	[dreg:$0x0] =	wrdreg $0x0  }
0xa8: {  	s5 =	sshll.u32 s28, $0x1;
	[dreg:$0x2] =	wrdreg s3  }
0xa9: {  	[dreg:$0x3] =	wrdreg s5  }
0xaa: {  	[dreg:$0x4] =	wrdreg $0xC0  }
0xab: {  	_ =	task [dreg:s7], $0x5FFFF  }
0xac: {  	[dreg:$0x1] =	wrdreg $0xFFFFFFFF  }
0xad: {  	[dreg:$0x0] =	wrdreg $0x60  }
0xae: {  	[dreg:$0x2] =	wrdreg s24  }
0xaf: {  	[dreg:$0x3] =	wrdreg s2  }
0xb0: {  	[dreg:$0x4] =	wrdreg $0xA9000  }
0xb1: {  	[dreg:$0x5] =	wrdreg $0x9  }
0xb2: {  	_ =	task.clear_ibuf [dreg:s7], $0x6FFFF;
	_ =	strace $0x90000049  }
0xb3: {  	s29 =	simm.s32 $0x9;
	_ =	strace $0x8000004B  }
0xb4: {  	_ =	swait.ge [sflag:s29], $0x1  }
0xb5: {  	[sflag:s29] =	ssyncadd.s32 $0xFFFFFFFF  }
0xb6: {  	_ =	strace $0x9000004B  }
0xb7: {  	_ =	sfence  }
0xb8: {  	s30 =	sld [smem:$0x0];
	_ =	sdelay $0x2  }
0xb9: {  	s31 =	sshll.u32 s1, $0xD;
	s1 =	sshrl.u32 s1, $0x2  }
0xba: {  	s3 =	sand.u32 $0x4000, s31;
	s1 =	sadd.s32 s1, s30  }
0xbb: {  	s0 =	sor.u32 s3, s0;
	s1 =	sshll.u32 s1, $0x11  }
0xbc: {  	s0 =	sor.u32 s1, s0  }
0xbd: {  	s0 =	sadd.s32 $0x8F2B, s0  }
0xbe: {  	[sflag:s0] =	ssyncadd.remote.s32 $0x1  }
0xbf: {  	_ =	sfence.sel $0xFFFF  }
0xc0: {  	[dreg:$0x0] =	wrdreg $0xFFFFFFFF;
	(pc) =	sbr.abs _section_cstart, $3  }
0xc1: {  	[dreg:$0x1] =	wrdreg $0xFFFFFFFF  }
0xc2: {  	_ =	task.clear_ibuf [dreg:s7], $0x2FFFF;
	_ =	strace $0x9FFFFFFF  }
0xc3: {  	(tm) =	ssettm $0x7FFFFFFF  }
tec
execute0_lowered:
.L_overlay_start_1:
0x0: {  	(tag) =	ssettag $0x1  }
0x1: {  	s0 =	rddreg [dreg:$0x0]  }
0x2: {  	s3 =	rddreg [dreg:$0x1]  }
0x3: {  	s1 =	rddreg [dreg:$0x2];
	s2 =	simm.s32 $0x0  }
0x4: {  	s4 =	srdreg.scid;
	s11 =	stileid.u32;
	s28 =	simm.s32 $0x2  }
0x5: {  	s29 =	simm.s32 $0x9800;
	s30 =	simm.s32 $0x9880;
	s7 =	smul.u32 $0x50000, s11  }
0x6: {  	s31 =	simm.s32 $0x20;
	[smem:$0x7FF] =	sst s2;
	s12 =	smul.u32 $0x2800, s11  }
0x7: {  	s4 =	sand.u32 $0x1, s4;
	s6 =	sadd.s32 $0x3A00, s0;
	s10 =	smul.u32 $0x4E20, s11  }
0x8: {  	s8 =	sadd.s32 $0xD800, s0;
	s14 =	sadd.s32 $0x12C000, s1;
	s24 =	smul.u32 $0x9C4, s11  }
0x9: {  	p0 =	seq.s32 s11, $0xF;
	s5 =	smul.u32 $0x27100, s4;
	s4 =	ssub.s32 $0x2, s4  }
0xa: {  	_ =	strace $0x8000004A;
	s16 =	sshrl.u32 @p0 s14, $0x3;
	s9 =	sshrl.u32 s4, $0x1  }
0xb: {  	s7 =	sshrl.u32 s7, $0x2;
	[dreg:$0x4] =	wrdreg s12;
	s19 =	sadd.s32 s3, s12  }
0xc: {  	s20 =	sshrl.u32 s10, $0x3;
	s3 =	sadd.s32 $0x25800, s3;
	s25 =	sadd.s32 s24, s8  }
0xd: {  	s26 =	sadd.s32 s24, s6;
	s24 =	simm.s32 $0x5800;
	s0 =	sadd.s32 s5, s0  }
0xe: {  	s4 =	ssub.s32 s4, s9;
	s7 =	sadd.s32 s7, s1;
	[dreg:$0x5] =	wrdreg s19  }
0xf: {  	[dreg:$0x6] =	wrdreg s3;
	s21 =	sadd.s32 s6, s20;
	s22 =	sadd.s32 s8, s20  }
0x10: {  	s23 =	sadd.s32 $0x9C0, s20;
	s19 =	sadd.s32 $0xC0, s26;
	[dreg:$0x7] =	wrdreg s21  }
0x11: {  	s20 =	simm.s32 $0x3;
	s26 =	simm.s32 $0x5;
	[dreg:$0x8] =	wrdreg s22  }
0x12: {  	s9 =	sadd.s32 $0x66000, s0;
	s5 =	sadd.s32 s6, s23;
	s3 =	sadd.s32 s8, s23  }
.Ltmp0:
0x13: {  	s12 =	sadd.s32 $0x17600, s0;
	s13 =	smax.u32 s4, $0x1;
	(pc) =	sbr.rel .LBB2_1-.Ltmp0, $4  }
0x14: {  	s18 =	sshrl.u32 @!p0 s7, $0x3;
	s21 =	simm.s32 $0x4;
	s22 =	simm.s32 $0x80  }
0x15: {  	s23 =	simm.s32 $0x1800;
	s0 =	simm.s32 $0x9900;
	[dreg:$0x9] =	wrdreg s5  }
0x16: {  	[dreg:$0xa] =	wrdreg s3;
	s5 =	sadd.s32 $0xC0, s25;
	s3 =	sshll.u32 @!p0 s11, $0x6  }
0x17: {  	s25 =	simm.s32 $0x1;
	s17 =	sor.u32 @!p0 $0x1C05, s3;
	s3 =	simm.s32 $0x0  }
.LBB2_3:
0x18: {  	_ =	swait.ge [sflag:s28], $0x4000  }
0x19: {  	[sflag:s28] =	ssyncset.done $0x0  }
0x1a: {  	s4 =	sadd.s32 $0xC00, s10;
	[sflag:s28] =	ssyncadd.s32 $0xFFFFC000  }
0x1b: {  	[spmem:s1] =	stream.indirect.scatter.add.f32 [tilespmem:s24], [sflag:$0x5], $0x80, s4, s22, $0xb8;
	[tilespmem:$0x1E180] =	vst v63  }
0x1c: {  	_ =	swait.ge [sflag:s26], $0x4000  }
0x1d: {  	[sflag:s26] =	ssyncset.done $0x0  }
0x1e: {  	[sflag:s26] =	ssyncadd.s32 $0xFFFFC000  }
.LBB2_5:
0x1f: {  	s4 =	rddreg [dreg:$0x9]  }
0x20: {  	[tilespmem:s29], [sflag:$0x5] =	stream.linear.gather [hbm4b:s4+s2], $0x20, $0x38;
	[tilespmem:$0x1E180] =	vst v63  }
0x21: {  	_ =	swait.ge [sflag:s26], $0x20  }
0x22: {  	[sflag:s26] =	ssyncset.done $0x0  }
0x23: {  	s15 =	rddreg [dreg:$0xa];
	[sflag:s26] =	ssyncadd.s32 $0xFFFFFFE0  }
0x24: {  	[tilespmem:s30], [sflag:$0x5] =	stream.linear.gather [hbm4b:s15+s2], $0x20, $0x38;
	[tilespmem:$0x1E180] =	vst v63  }
0x25: {  	_ =	swait.ge [sflag:s26], $0x20  }
0x26: {  	[sflag:s26] =	ssyncset.done $0x0  }
0x27: {  	[sflag:s26] =	ssyncadd.s32 $0xFFFFFFE0  }
0x28: {  	[tilespmem:s0], [sflag:$0x1] =	stream.indirect.gather [hbm4b:s9+s31], $0x80, s29, s31, $0xb8;
	[tilespmem:$0x1E180] =	vst v63  }
0x29: {  	_ =	swait.ge [sflag:s25], $0x1000  }
0x2a: {  	[sflag:s25] =	ssyncset.done $0x0  }
0x2b: {  	[sflag:s25] =	ssyncadd.s32 $0xFFFFF000  }
0x2c: {  	[spmem:s1] =	stream.indirect.scatter.add.f32 [tilespmem:s0], [sflag:$0x5], $0x80, s30, s31, $0xb8;
	[tilespmem:$0x1E180] =	vst v63  }
0x2d: {  	_ =	swait.ge [sflag:s26], $0x1000  }
0x2e: {  	[sflag:s26] =	ssyncset.done $0x0  }
0x2f: {  	[sflag:s26] =	ssyncadd.s32 $0xFFFFF000  }
0x30: {  	s6 =	simm.s32 @p0 $0x1FC5;
	s4 =	sadd.s32 @p0 $0x25800, s12;
	[bflag:$0x0] =	sbarrier.arrive $0xFFFF  }
0x31: {  	[hbm:s4], [sflag:s6] =	dma.local @p0 [spmem:s16], $0x1900  }
0x32: {  	s4 =	simm.s32 @p0 $0x5  }
0x33: {  	_ =	swait.ge @p0 [sflag:s4], $0x1900  }
0x34: {  	[sflag:s4] =	ssyncset.done @p0 $0x0  }
0x35: {  	s3 =	sadd.s32 $0x1, s3;
	[sflag:s4] =	ssyncadd.s32 @p0 $0xFFFFE700;
	s4 =	rddreg [dreg:$0x4]  }
0x36: {  	p1 =	sne.s32 s3, s13;
	s4 =	sadd.s32 @!p0 s4, s12  }
0x37: {  	[hbm:s4], [sflag:s17] =	dma.local @!p0 [spmem:s18], $0x2800  }
.Ltmp1:
0x38: {  	_ = 	snop;
	(pc) =	sbr.rel @!p1 .LBB2_6-.Ltmp1, $4  }
0x39: {  	s4 =	simm.s32 @!p0 $0x5  }
0x3a: {  	_ =	swait.ge @!p0 [sflag:s4], $0x2800  }
0x3b: {  	[sflag:s4] =	ssyncset.done @!p0 $0x0  }
0x3c: {  	[sflag:s4] =	ssyncadd.s32 @!p0 $0xFFFFD800  }
.LBB2_1:
0x3d: {  	s4 =	simm.s32 @p0 $0x1FC5;
	s6 =	rddreg [dreg:$0x6]  }
0x3e: {  	[spmem:s16], [sflag:s4] =	dma.local @p0 [hbm:s6], $0x1900  }
0x3f: {  	s4 =	simm.s32 @p0 $0x5  }
0x40: {  	_ =	swait.ge @p0 [sflag:s4], $0x1900  }
0x41: {  	[sflag:s4] =	ssyncset.done @p0 $0x0  }
0x42: {  	[sflag:s4] =	ssyncadd.s32 @p0 $0xFFFFE700;
	s4 =	rddreg [dreg:$0x5]  }
0x43: {  	[spmem:s18], [sflag:s17] =	dma.local @!p0 [hbm:s4], $0x2800  }
0x44: {  	s4 =	simm.s32 @!p0 $0x5  }
0x45: {  	_ =	swait.ge @!p0 [sflag:s4], $0x2800  }
0x46: {  	[sflag:s4] =	ssyncset.done @!p0 $0x0  }
0x47: {  	[sflag:s4] =	ssyncadd.s32 @!p0 $0xFFFFD800  }
0x48: {  	[bflag:$0x0] =	sbarrier.arrive $0xFFFF  }
0x49: {  	s11 =	rddreg [dreg:$0x7]  }
0x4a: {  	[tilespmem:s2], [sflag:$0x3] =	stream.linear.gather [hbm4b:s11+s2], $0x600, $0x38;
	[tilespmem:$0x1E180] =	vst v63  }
0x4b: {  	s15 =	simm.s32 $0xC00;
	s14 =	rddreg [dreg:$0x8]  }
0x4c: {  	[tilespmem:s15], [sflag:$0x4] =	stream.linear.gather [hbm4b:s14+s2], $0x600, $0x38;
	[tilespmem:$0x1E180] =	vst v63  }
0x4d: {  	_ =	swait.ge [sflag:s20], $0x600  }
0x4e: {  	[sflag:s20] =	ssyncset.done $0x0  }
0x4f: {  	[sflag:s20] =	ssyncadd.s32 $0xFFFFFA00  }
0x50: {  	_ =	swait.ge [sflag:s21], $0x600  }
0x51: {  	[sflag:s21] =	ssyncset.done $0x0  }
0x52: {  	[sflag:s21] =	ssyncadd.s32 $0xFFFFFA00  }
0x53: {  	[tilespmem:s23], [sflag:$0x1] =	stream.indirect.gather [hbm4b:s9+s22], $0x80, s2, s22, $0xb8;
	[tilespmem:$0x1E180] =	vst v63  }
0x54: {  	s4 =	simm.s32 $0x0;
	s15 =	smov.u32 s19;
	s14 =	smov.u32 s5  }
0x55: {  	[tilespmem:s24], [sflag:$0x2] =	stream.indirect.gather [hbm4b:s9+s22], $0x80, s22, s22, $0xb8;
	[tilespmem:$0x1E180] =	vst v63  }
.LBB2_2:
0x56: {  	s7 =	smov.u32 s4;
	s4 =	sadd.s32 $0x1, s4  }
0x57: {  	s6 =	sand.u32 $0x1, s4  }
0x58: {  	p2 =	seq.s32 s7, $0xC;
	p1 =	seq.s32 s6, $0x1;
	s6 =	simm.s32 $0x600  }
0x59: {  	s8 =	simm.s32 @!p2 $0x0;
	s6 =	simm.s32 @!p1 $0x0  }
0x5a: {  	[tilespmem:s6], [sflag:$0x3] =	stream.linear.gather @!p2 [hbm4b:s15+s8], $0x600, $0x38;
	[tilespmem:$0x1E180] =	vst v63  }
0x5b: {  	s10 =	sand.u32 $0x1, s7;
	s11 =	sadd.s32 @!p2 $0xC00, s6  }
0x5c: {  	[tilespmem:s11], [sflag:$0x4] =	stream.linear.gather @!p2 [hbm4b:s14+s8], $0x600, $0x38;
	[tilespmem:$0x1E180] =	vst v63  }
0x5d: {  	p1 =	seq.s32 s10, $0x1;
	s8 =	simm.s32 $0x600;
	_ =	swait.ge [sflag:s25], $0x4000  }
0x5e: {  	s8 =	simm.s32 @!p1 $0x0;
	[sflag:s25] =	ssyncset.done $0x0  }
0x5f: {  	s11 =	sadd.s32 $0xC00, s8;
	[sflag:s25] =	ssyncadd.s32 $0xFFFFC000  }
0x60: {  	[spmem:s1] =	stream.indirect.scatter.add.f32 [tilespmem:s23], [sflag:$0x5], $0x80, s11, s22, $0xb8;
	[tilespmem:$0x1E180] =	vst v63  }
0x61: {  	_ =	swait.ge [sflag:s26], $0x4000  }
0x62: {  	[sflag:s26] =	ssyncset.done $0x0  }
0x63: {  	s11 =	sor.u32 $0x100, s8;
	[sflag:s26] =	ssyncadd.s32 $0xFFFFC000  }
0x64: {  	[tilespmem:s23], [sflag:$0x1] =	stream.indirect.gather [hbm4b:s9+s22], $0x80, s11, s22, $0xb8;
	[tilespmem:$0x1E180] =	vst v63  }
0x65: {  	_ =	swait.ge [sflag:s28], $0x4000  }
0x66: {  	[sflag:s28] =	ssyncset.done $0x0  }
0x67: {  	s11 =	sadd.s32 $0xC80, s8;
	[sflag:s28] =	ssyncadd.s32 $0xFFFFC000  }
0x68: {  	[spmem:s1] =	stream.indirect.scatter.add.f32 [tilespmem:s24], [sflag:$0x5], $0x80, s11, s22, $0xb8;
	[tilespmem:$0x1E180] =	vst v63  }
0x69: {  	_ =	swait.ge [sflag:s26], $0x4000  }
0x6a: {  	[sflag:s26] =	ssyncset.done $0x0  }
0x6b: {  	s11 =	sor.u32 $0x180, s8;
	[sflag:s26] =	ssyncadd.s32 $0xFFFFC000  }
0x6c: {  	[tilespmem:s24], [sflag:$0x2] =	stream.indirect.gather [hbm4b:s9+s22], $0x80, s11, s22, $0xb8;
	[tilespmem:$0x1E180] =	vst v63  }
0x6d: {  	_ =	swait.ge [sflag:s25], $0x4000  }
0x6e: {  	[sflag:s25] =	ssyncset.done $0x0  }
0x6f: {  	s11 =	sadd.s32 $0xD00, s8;
	[sflag:s25] =	ssyncadd.s32 $0xFFFFC000  }
0x70: {  	[spmem:s1] =	stream.indirect.scatter.add.f32 [tilespmem:s23], [sflag:$0x5], $0x80, s11, s22, $0xb8;
	[tilespmem:$0x1E180] =	vst v63  }
0x71: {  	_ =	swait.ge [sflag:s26], $0x4000  }
0x72: {  	[sflag:s26] =	ssyncset.done $0x0  }
0x73: {  	s11 =	sadd.s32 $0x200, s8;
	[sflag:s26] =	ssyncadd.s32 $0xFFFFC000  }
0x74: {  	[tilespmem:s23], [sflag:$0x1] =	stream.indirect.gather [hbm4b:s9+s22], $0x80, s11, s22, $0xb8;
	[tilespmem:$0x1E180] =	vst v63  }
0x75: {  	_ =	swait.ge [sflag:s28], $0x4000  }
0x76: {  	[sflag:s28] =	ssyncset.done $0x0  }
0x77: {  	s11 =	sadd.s32 $0xD80, s8;
	[sflag:s28] =	ssyncadd.s32 $0xFFFFC000  }
0x78: {  	[spmem:s1] =	stream.indirect.scatter.add.f32 [tilespmem:s24], [sflag:$0x5], $0x80, s11, s22, $0xb8;
	[tilespmem:$0x1E180] =	vst v63  }
0x79: {  	_ =	swait.ge [sflag:s26], $0x4000  }
0x7a: {  	[sflag:s26] =	ssyncset.done $0x0  }
0x7b: {  	s11 =	sadd.s32 $0x280, s8;
	[sflag:s26] =	ssyncadd.s32 $0xFFFFC000  }
0x7c: {  	[tilespmem:s24], [sflag:$0x2] =	stream.indirect.gather [hbm4b:s9+s22], $0x80, s11, s22, $0xb8;
	[tilespmem:$0x1E180] =	vst v63  }
0x7d: {  	_ =	swait.ge [sflag:s25], $0x4000  }
0x7e: {  	[sflag:s25] =	ssyncset.done $0x0  }
0x7f: {  	s11 =	sadd.s32 $0xE00, s8;
	[sflag:s25] =	ssyncadd.s32 $0xFFFFC000  }
0x80: {  	[spmem:s1] =	stream.indirect.scatter.add.f32 [tilespmem:s23], [sflag:$0x5], $0x80, s11, s22, $0xb8;
	[tilespmem:$0x1E180] =	vst v63  }
0x81: {  	_ =	swait.ge [sflag:s26], $0x4000  }
0x82: {  	[sflag:s26] =	ssyncset.done $0x0  }
0x83: {  	s11 =	sadd.s32 $0x300, s8;
	[sflag:s26] =	ssyncadd.s32 $0xFFFFC000  }
0x84: {  	[tilespmem:s23], [sflag:$0x1] =	stream.indirect.gather [hbm4b:s9+s22], $0x80, s11, s22, $0xb8;
	[tilespmem:$0x1E180] =	vst v63  }
0x85: {  	_ =	swait.ge [sflag:s28], $0x4000  }
0x86: {  	[sflag:s28] =	ssyncset.done $0x0  }
0x87: {  	s11 =	sadd.s32 $0xE80, s8;
	[sflag:s28] =	ssyncadd.s32 $0xFFFFC000  }
0x88: {  	[spmem:s1] =	stream.indirect.scatter.add.f32 [tilespmem:s24], [sflag:$0x5], $0x80, s11, s22, $0xb8;
	[tilespmem:$0x1E180] =	vst v63  }
0x89: {  	_ =	swait.ge [sflag:s26], $0x4000  }
0x8a: {  	[sflag:s26] =	ssyncset.done $0x0  }
0x8b: {  	s11 =	sadd.s32 $0x380, s8;
	[sflag:s26] =	ssyncadd.s32 $0xFFFFC000  }
0x8c: {  	[tilespmem:s24], [sflag:$0x2] =	stream.indirect.gather [hbm4b:s9+s22], $0x80, s11, s22, $0xb8;
	[tilespmem:$0x1E180] =	vst v63  }
0x8d: {  	_ =	swait.ge [sflag:s25], $0x4000  }
0x8e: {  	[sflag:s25] =	ssyncset.done $0x0  }
0x8f: {  	s11 =	sadd.s32 $0xF00, s8;
	[sflag:s25] =	ssyncadd.s32 $0xFFFFC000  }
0x90: {  	[spmem:s1] =	stream.indirect.scatter.add.f32 [tilespmem:s23], [sflag:$0x5], $0x80, s11, s22, $0xb8;
	[tilespmem:$0x1E180] =	vst v63  }
0x91: {  	_ =	swait.ge [sflag:s26], $0x4000  }
0x92: {  	[sflag:s26] =	ssyncset.done $0x0  }
0x93: {  	s11 =	sadd.s32 $0x400, s8;
	[sflag:s26] =	ssyncadd.s32 $0xFFFFC000  }
0x94: {  	[tilespmem:s23], [sflag:$0x1] =	stream.indirect.gather [hbm4b:s9+s22], $0x80, s11, s22, $0xb8;
	[tilespmem:$0x1E180] =	vst v63  }
0x95: {  	_ =	swait.ge [sflag:s28], $0x4000  }
0x96: {  	[sflag:s28] =	ssyncset.done $0x0  }
0x97: {  	s11 =	sadd.s32 $0xF80, s8;
	[sflag:s28] =	ssyncadd.s32 $0xFFFFC000  }
0x98: {  	[spmem:s1] =	stream.indirect.scatter.add.f32 [tilespmem:s24], [sflag:$0x5], $0x80, s11, s22, $0xb8;
	[tilespmem:$0x1E180] =	vst v63  }
0x99: {  	_ =	swait.ge [sflag:s26], $0x4000  }
0x9a: {  	[sflag:s26] =	ssyncset.done $0x0  }
0x9b: {  	s11 =	sadd.s32 $0x480, s8;
	[sflag:s26] =	ssyncadd.s32 $0xFFFFC000  }
0x9c: {  	[tilespmem:s24], [sflag:$0x2] =	stream.indirect.gather [hbm4b:s9+s22], $0x80, s11, s22, $0xb8;
	[tilespmem:$0x1E180] =	vst v63  }
0x9d: {  	_ =	swait.ge [sflag:s25], $0x4000  }
0x9e: {  	[sflag:s25] =	ssyncset.done $0x0  }
0x9f: {  	s11 =	sor.u32 $0x1000, s8;
	[sflag:s25] =	ssyncadd.s32 $0xFFFFC000  }
0xa0: {  	[spmem:s1] =	stream.indirect.scatter.add.f32 [tilespmem:s23], [sflag:$0x5], $0x80, s11, s22, $0xb8;
	[tilespmem:$0x1E180] =	vst v63  }
0xa1: {  	_ =	swait.ge [sflag:s26], $0x4000  }
0xa2: {  	[sflag:s26] =	ssyncset.done $0x0  }
0xa3: {  	s11 =	sadd.s32 $0x500, s8;
	[sflag:s26] =	ssyncadd.s32 $0xFFFFC000  }
0xa4: {  	[tilespmem:s23], [sflag:$0x1] =	stream.indirect.gather [hbm4b:s9+s22], $0x80, s11, s22, $0xb8;
	[tilespmem:$0x1E180] =	vst v63  }
0xa5: {  	_ =	swait.ge [sflag:s28], $0x4000  }
0xa6: {  	[sflag:s28] =	ssyncset.done $0x0  }
0xa7: {  	s11 =	sadd.s32 $0x1080, s8;
	[sflag:s28] =	ssyncadd.s32 $0xFFFFC000  }
0xa8: {  	[spmem:s1] =	stream.indirect.scatter.add.f32 [tilespmem:s24], [sflag:$0x5], $0x80, s11, s22, $0xb8;
	[tilespmem:$0x1E180] =	vst v63  }
0xa9: {  	_ =	swait.ge [sflag:s26], $0x4000  }
0xaa: {  	[sflag:s26] =	ssyncset.done $0x0  }
0xab: {  	s10 =	sadd.s32 $0x580, s8;
	[sflag:s26] =	ssyncadd.s32 $0xFFFFC000  }
0xac: {  	[tilespmem:s24], [sflag:$0x2] =	stream.indirect.gather [hbm4b:s9+s22], $0x80, s10, s22, $0xb8;
	[tilespmem:$0x1E180] =	vst v63  }
0xad: {  	_ =	swait.ge [sflag:s25], $0x4000  }
0xae: {  	p1 =	sne.s32 s7, $0xC;
	[sflag:s25] =	ssyncset.done $0x0  }
.Ltmp2:
0xaf: {  	s8 =	sadd.s32 $0x1100, s8;
	[sflag:s25] =	ssyncadd.s32 $0xFFFFC000;
	(pc) =	sbr.rel @!p1 .LBB2_3-.Ltmp2, $4  }
0xb0: {  	[spmem:s1] =	stream.indirect.scatter.add.f32 [tilespmem:s23], [sflag:$0x5], $0x80, s8, s22, $0xb8;
	[tilespmem:$0x1E180] =	vst v63  }
0xb1: {  	_ =	swait.ge [sflag:s26], $0x4000  }
0xb2: {  	[sflag:s26] =	ssyncset.done $0x0  }
0xb3: {  	[sflag:s26] =	ssyncadd.s32 $0xFFFFC000  }
0xb4: {  	_ =	swait.ge [sflag:s20], $0x600  }
0xb5: {  	[sflag:s20] =	ssyncset.done $0x0  }
0xb6: {  	[sflag:s20] =	ssyncadd.s32 $0xFFFFFA00  }
0xb7: {  	_ =	swait.ge [sflag:s21], $0x600  }
0xb8: {  	[sflag:s21] =	ssyncset.done $0x0  }
0xb9: {  	[sflag:s21] =	ssyncadd.s32 $0xFFFFFA00  }
0xba: {  	[tilespmem:s23], [sflag:$0x1] =	stream.indirect.gather [hbm4b:s9+s22], $0x80, s6, s22, $0xb8;
	[tilespmem:$0x1E180] =	vst v63  }
0xbb: {  	_ =	swait.ge [sflag:s28], $0x4000  }
0xbc: {  	[sflag:s28] =	ssyncset.done $0x0  }
0xbd: {  	s7 =	sadd.s32 $0xC00, s10;
	p1 =	sne.s32 s4, $0xD;
	[sflag:s28] =	ssyncadd.s32 $0xFFFFC000  }
0xbe: {  	[spmem:s1] =	stream.indirect.scatter.add.f32 [tilespmem:s24], [sflag:$0x5], $0x80, s7, s22, $0xb8;
	[tilespmem:$0x1E180] =	vst v63  }
.Ltmp3:
0xbf: {  	_ = 	snop;
	(pc) =	sbr.rel @p1 .LBB2_2-.Ltmp3, $4  }
.Ltmp4:
0xc0: {  	_ =	swait.ge [sflag:s26], $0x4000;
	(pc) =	sbr.rel @!p1 .LBB2_5-.Ltmp4, $4  }
0xc1: {  	s11 =	sadd.s32 $0x80, s6;
	[sflag:s26] =	ssyncset.done $0x0  }
0xc2: {  	s14 =	sadd.s32 $0xC0, s14;
	s15 =	sadd.s32 $0xC0, s15;
	[sflag:s26] =	ssyncadd.s32 $0xFFFFC000  }
0xc3: {  	[tilespmem:s24], [sflag:$0x2] =	stream.indirect.gather [hbm4b:s9+s22], $0x80, s11, s22, $0xb8;
	[tilespmem:$0x1E180] =	vst v63  }
0xc4: {  	_ = 	snop  }
.LBB2_6:
0xc5: {  	_ =	sfence.sel $0x180000  }
0xc6: {  	[bflag:$0x0] =	sbarrier.arrive $0xFFFF  }
0xc7: {  	_ =	strace $0x9000004A  }
0xc8: {  	s0 =	stileid.u32;
	[bflag:$0x2] =	sbarrier.arrive $0xFFFF  }
0xc9: {  	p0 =	sne.s32 s0, $0x0;
	s0 =	rddreg [dreg:$0x3]  }
0xca: {  	s0 =	sadd.s32 @!p0 $0x100000, s0  }
0xcb: {  	[sflag:s0] =	ssyncadd.tile.s32 @!p0 $0x1;
	_ =	shalt  }
.Lfunc_end2:
_tile_overlayer_lowered:
.L_overlay_start_2:
0xcc: {  	(tag) =	ssettag $0x2  }
0xcd: {  	s0 =	rddreg [dreg:$0x0];
	s2 =	stileid.u32  }
0xce: {  	s1 =	rddreg [dreg:$0x1];
	p0 =	sne.s32 s2, $0x0  }
0xcf: {  	s3 =	rddreg [dreg:$0x2];
	[bflag:$0x3] =	sbarrier.arrive $0xFFFF;
	s2 =	simm.s32 @!p0 $0x1C05  }
0xd0: {  	[timem:s3], [sflag:s2] =	dma.local @!p0 [hbm:s0], s1  }
0xd1: {  	s0 =	simm.s32 @!p0 $0x5  }
0xd2: {  	_ =	swait.ge @!p0 [sflag:s0], s1  }
0xd3: {  	s1 =	ssub.s32 @!p0 $0x0, s1;
	[sflag:s0] =	ssyncset.done @!p0 $0x0  }
0xd4: {  	[sflag:s0] =	ssyncadd.s32 @!p0 s1  }
0xd5: {  	[bflag:$0x3] =	sbarrier.arrive $0xFFFF  }
0xd6: {  	_ =	shalt  }

</sc_bundles>
